<compile_context>
chip_gen: v7x
topology: tpu7x:2x2x1
jax: 0.10.2.dev20260603
libtpu: 0.0.44.dev20260713+nightly
codegen_flags: <defaults>
</compile_context>

<pallas_src>
import jax
import jax.numpy as jnp
from jax import lax
from jax.experimental import pallas as pl
from jax.experimental.pallas import tpu as pltpu
from jax.experimental.pallas import tpu_sc as plsc

B = 16384
C = 5
E = 64
EP = 128
NW = 32
CHUNK = 128
NCHUNK = B // (NW * CHUNK)
L = 16


def _body(tgt_hbm, ctx_hbm, ttab_hbm, ctab_hbm, out_hbm,
          tidx, cidx, wrows, crows, outv, sem):
    wid = lax.axis_index("s") * 2 + lax.axis_index("c")
    iota = lax.iota(jnp.int32, L)
    perms = [iota ^ sh for sh in (8, 4, 2, 1)]
    dnums = lax.GatherDimensionNumbers(
        offset_dims=(), collapsed_slice_dims=(0,), start_index_map=(0,))

    def hsum(v):
        for p in perms:
            v = v + lax.gather(v, p[:, None], dnums, slice_sizes=(1,),
                               mode=lax.GatherScatterMode.PROMISE_IN_BOUNDS)
        return v

    for k in range(NCHUNK):
        pltpu.sync_copy(tgt_hbm.at[wid, 0, pl.ds(k * CHUNK, CHUNK)], tidx)
        pltpu.sync_copy(ctx_hbm.at[wid, 0, pl.ds(k * CHUNK * C, CHUNK * C)],
                        cidx)

        cps = [pltpu.async_copy(ttab_hbm.at[tidx], wrows, sem)]
        for j in range(C):
            cps.append(pltpu.async_copy(
                ctab_hbm.at[cidx.at[pl.ds(j * CHUNK, CHUNK)]],
                crows.at[pl.ds(j * CHUNK, CHUNK)], sem))
        for cp in cps:
            cp.wait()

        def row_step(b, carry):
            w = [wrows[b, pl.ds(v * L, L)] for v in range(4)]
            comb = None
            for c in range(C):
                r = b * C + c
                p = w[0] * crows[r, pl.ds(0, L)]
                for v in range(1, 4):
                    p = p + w[v] * crows[r, pl.ds(v * L, L)]
                s = hsum(p)
                comb = s if comb is None else jnp.where(iota == c, s, comb)
            outv[pl.ds(b * C, L)] = comb
            return carry

        lax.fori_loop(0, CHUNK, row_step, 0)
        pltpu.sync_copy(outv.at[pl.ds(0, CHUNK * C)],
                        out_hbm.at[wid, 0, pl.ds(k * CHUNK * C, CHUNK * C)])


@jax.jit
def _run(tgt3, ctx3, ttab_p, ctab_p):
    mesh = plsc.VectorSubcoreMesh(core_axis_name="c", subcore_axis_name="s")
    return pl.kernel(
        _body,
        out_type=jax.ShapeDtypeStruct((NW, 1, B * C // NW), jnp.float32),
        mesh=mesh,
        scratch_types=[
            pltpu.VMEM((CHUNK,), jnp.int32),
            pltpu.VMEM((CHUNK * C,), jnp.int32),
            pltpu.VMEM((CHUNK, EP), jnp.float32),
            pltpu.VMEM((CHUNK * C, EP), jnp.float32),
            pltpu.VMEM((CHUNK * C + L,), jnp.float32),
            pltpu.SemaphoreType.DMA,
        ],
    )(tgt3, ctx3, ttab_p, ctab_p)


def kernel(target, context, target_table, context_table):
    tgt3 = target.reshape(NW, 1, B // NW).astype(jnp.int32)
    ctx3 = context.reshape(NW, 1, B * C // NW).astype(jnp.int32)
    ttab_p = jnp.pad(target_table, ((0, 0), (0, EP - E)))
    ctab_p = jnp.pad(context_table, ((0, 0), (0, EP - E)))
    out = _run(tgt3, ctx3, ttab_p, ctab_p)
    return out.reshape(B, C)

# --- scband reference (transcript-rebuilt; emitter-appended) ---
"""Pipeline reference for scband-word2-vec-18588618457093 (READ-ONLY COPY).

The authoritative reference and input builder live on the scoring server;
editing this copy changes nothing except your own understanding.
"""

import jax, jax.numpy as jnp
import numpy as np

VOCAB_SIZE = 1000000
EMBEDDING_DIM = 64
BATCH = 16384
NUM_NS = 4

def setup_inputs(seed: int = 0) -> dict:
    key = jax.random.key(seed)
    k1, k2, k3, k4 = jax.random.split(key, 4)
    target = jax.random.randint(k1, (BATCH, 1), 0, VOCAB_SIZE, dtype=jnp.int64 if jax.config.jax_enable_x64 else jnp.int32).astype(jnp.int32)
    context = jax.random.randint(k2, (BATCH, NUM_NS + 1), 0, VOCAB_SIZE, dtype=jnp.int32)
    # Learned parameters (embedding tables), uniform init like keras Embedding default
    target_table = jax.random.uniform(k3, (VOCAB_SIZE, EMBEDDING_DIM), minval=-0.05, maxval=0.05, dtype=jnp.float32)
    context_table = jax.random.uniform(k4, (VOCAB_SIZE, EMBEDDING_DIM), minval=-0.05, maxval=0.05, dtype=jnp.float32)
    return {"target": target, "context": context, "target_table": target_table, "context_table": context_table}

def reference(target, context, target_table, context_table):
    # target: [B, 1] -> squeeze to [B]
    if target.ndim == 2:
        target = jnp.squeeze(target, axis=1)
    word_emb = jnp.take(target_table, target, axis=0)        # [B, E]
    context_emb = jnp.take(context_table, context, axis=0)   # [B, C, E]
    dots = jnp.einsum('be,bce->bc', word_emb, context_emb)   # [B, C]
    return dots

if __name__ == "__main__":
    import jax
    _d = setup_inputs()
    print(jax.jit(kernel)(*tuple(_d.values())))

</pallas_src>

<mosaic_0001>
#map = affine_map<(d0, d1) -> (0, 0, 0)>
#map1 = affine_map<(d0, d1) -> (0, 0)>
module attributes {stable_mosaic.version = 14 : i64} {
  func.func @_body(%arg0: i32, %arg1: i32, %arg2: memref<32x1x512xi32, #tpu.memory_space<hbm>>, %arg3: memref<32x1x2560xi32, #tpu.memory_space<hbm>>, %arg4: memref<1000000x128xf32, #tpu.memory_space<hbm>>, %arg5: memref<1000000x128xf32, #tpu.memory_space<hbm>>, %arg6: memref<32x1x2560xf32, #tpu.memory_space<hbm>>, %arg7: memref<128xi32, #tpu.memory_space<vmem>>, %arg8: memref<640xi32, #tpu.memory_space<vmem>>, %arg9: memref<128x128xf32, #tpu.memory_space<vmem>>, %arg10: memref<640x128xf32, #tpu.memory_space<vmem>>, %arg11: memref<656xf32, #tpu.memory_space<vmem>>, %arg12: memref<!tpu.dma_semaphore, #tpu.memory_space<semaphore_mem>>) attributes {dimension_semantics = [#tpu.dimension_semantics<core_parallel>, #tpu.dimension_semantics<subcore_parallel>], iteration_bounds = array<i64: 2, 16>, scalar_prefetch = 0 : i64, scratch_operands = 6 : i64, tpu.core_type = #tpu.core_type<sc_vector_subcore>, window_params = [{transform_indices = #map}, {transform_indices = #map}, {transform_indices = #map1}, {transform_indices = #map1}, {transform_indices = #map}]} {
    %mul3A = arith.constant 2 : i32
    %mul3A_0 = arith.muli %arg1, %mul3A : i32
    %add3A = arith.addi %mul3A_0, %arg0 : i32
    %iota3A = tpu.iota {dimensions = array<i32: 0>} : vector<16xi32>
    %xor3A = arith.constant 8 : i32
    %xor3A_1 = vector.broadcast %xor3A : i32 to vector<16xi32>
    %xor3A_2 = arith.xori %iota3A, %xor3A_1 : vector<16xi32>
    %xor3A_3 = arith.constant 4 : i32
    %xor3A_4 = vector.broadcast %xor3A_3 : i32 to vector<16xi32>
    %xor3A_5 = arith.xori %iota3A, %xor3A_4 : vector<16xi32>
    %xor3A_6 = arith.constant 2 : i32
    %xor3A_7 = vector.broadcast %xor3A_6 : i32 to vector<16xi32>
    %xor3A_8 = arith.xori %iota3A, %xor3A_7 : vector<16xi32>
    %xor3A_9 = arith.constant 1 : i32
    %xor3A_10 = vector.broadcast %xor3A_9 : i32 to vector<16xi32>
    %xor3A_11 = arith.xori %iota3A, %xor3A_10 : vector<16xi32>
    %run_scoped3A = arith.constant 0 : i32
    "tpu.region"() ({
      %run_scoped3A_388 = tpu.sem_alloc : memref<!tpu.dma_semaphore, #tpu.memory_space<semaphore_mem>>
      %dma_start3A_389 = arith.constant 0 : i32
      %dma_start3A_390 = tpu.memref_slice %arg2[%add3A, %run_scoped3A, %dma_start3A_389] : memref<32x1x512xi32, #tpu.memory_space<hbm>> -> memref<1x1x128xi32, #tpu.memory_space<hbm>>
      %dma_start3A_391 = tpu.memref_squeeze %dma_start3A_390 : memref<1x1x128xi32, #tpu.memory_space<hbm>> -> memref<128xi32, #tpu.memory_space<hbm>>
      %dma_start3A_392 = arith.constant 0 : i32
      %dma_start3A_393 = tpu.memref_slice %arg2[%add3A, %run_scoped3A, %dma_start3A_392] : memref<32x1x512xi32, #tpu.memory_space<hbm>> -> memref<1x1x128xi32, #tpu.memory_space<hbm>>
      %dma_start3A_394 = tpu.memref_squeeze %dma_start3A_393 : memref<1x1x128xi32, #tpu.memory_space<hbm>> -> memref<128xi32, #tpu.memory_space<hbm>>
      tpu.enqueue_dma source(%dma_start3A_394 : memref<128xi32, #tpu.memory_space<hbm>>) target(%arg7 : memref<128xi32, #tpu.memory_space<vmem>>) target_semaphore(%run_scoped3A_388 : memref<!tpu.dma_semaphore, #tpu.memory_space<semaphore_mem>>)
      %dma_wait3A_395 = arith.constant 0 : i32
      %dma_wait3A_396 = tpu.memref_slice %arg2[%add3A, %run_scoped3A, %dma_wait3A_395] : memref<32x1x512xi32, #tpu.memory_space<hbm>> -> memref<1x1x128xi32, #tpu.memory_space<hbm>>
      %dma_wait3A_397 = tpu.memref_squeeze %dma_wait3A_396 : memref<1x1x128xi32, #tpu.memory_space<hbm>> -> memref<128xi32, #tpu.memory_space<hbm>>
      %dma_wait3A_398 = arith.constant 0 : i32
      %dma_wait3A_399 = tpu.memref_slice %arg2[%add3A, %run_scoped3A, %dma_wait3A_398] : memref<32x1x512xi32, #tpu.memory_space<hbm>> -> memref<1x1x128xi32, #tpu.memory_space<hbm>>
      %dma_wait3A_400 = tpu.memref_squeeze %dma_wait3A_399 : memref<1x1x128xi32, #tpu.memory_space<hbm>> -> memref<128xi32, #tpu.memory_space<hbm>>
      tpu.wait_dma2 semaphore(%run_scoped3A_388 : memref<!tpu.dma_semaphore, #tpu.memory_space<semaphore_mem>>) src(%dma_wait3A_400 : memref<128xi32, #tpu.memory_space<hbm>>) dst(%arg7 : memref<128xi32, #tpu.memory_space<vmem>>)
      tpu.yield
    }) : () -> ()
    %run_scoped3A_12 = arith.constant 0 : i32
    "tpu.region"() ({
      %run_scoped3A_388 = tpu.sem_alloc : memref<!tpu.dma_semaphore, #tpu.memory_space<semaphore_mem>>
      %dma_start3A_389 = arith.constant 0 : i32
      %dma_start3A_390 = tpu.memref_slice %arg3[%add3A, %run_scoped3A_12, %dma_start3A_389] : memref<32x1x2560xi32, #tpu.memory_space<hbm>> -> memref<1x1x640xi32, #tpu.memory_space<hbm>>
      %dma_start3A_391 = tpu.memref_squeeze %dma_start3A_390 : memref<1x1x640xi32, #tpu.memory_space<hbm>> -> memref<640xi32, #tpu.memory_space<hbm>>
      %dma_start3A_392 = arith.constant 0 : i32
      %dma_start3A_393 = tpu.memref_slice %arg3[%add3A, %run_scoped3A_12, %dma_start3A_392] : memref<32x1x2560xi32, #tpu.memory_space<hbm>> -> memref<1x1x640xi32, #tpu.memory_space<hbm>>
      %dma_start3A_394 = tpu.memref_squeeze %dma_start3A_393 : memref<1x1x640xi32, #tpu.memory_space<hbm>> -> memref<640xi32, #tpu.memory_space<hbm>>
      tpu.enqueue_dma source(%dma_start3A_394 : memref<640xi32, #tpu.memory_space<hbm>>) target(%arg8 : memref<640xi32, #tpu.memory_space<vmem>>) target_semaphore(%run_scoped3A_388 : memref<!tpu.dma_semaphore, #tpu.memory_space<semaphore_mem>>)
      %dma_wait3A_395 = arith.constant 0 : i32
      %dma_wait3A_396 = tpu.memref_slice %arg3[%add3A, %run_scoped3A_12, %dma_wait3A_395] : memref<32x1x2560xi32, #tpu.memory_space<hbm>> -> memref<1x1x640xi32, #tpu.memory_space<hbm>>
      %dma_wait3A_397 = tpu.memref_squeeze %dma_wait3A_396 : memref<1x1x640xi32, #tpu.memory_space<hbm>> -> memref<640xi32, #tpu.memory_space<hbm>>
      %dma_wait3A_398 = arith.constant 0 : i32
      %dma_wait3A_399 = tpu.memref_slice %arg3[%add3A, %run_scoped3A_12, %dma_wait3A_398] : memref<32x1x2560xi32, #tpu.memory_space<hbm>> -> memref<1x1x640xi32, #tpu.memory_space<hbm>>
      %dma_wait3A_400 = tpu.memref_squeeze %dma_wait3A_399 : memref<1x1x640xi32, #tpu.memory_space<hbm>> -> memref<640xi32, #tpu.memory_space<hbm>>
      tpu.wait_dma2 semaphore(%run_scoped3A_388 : memref<!tpu.dma_semaphore, #tpu.memory_space<semaphore_mem>>) src(%dma_wait3A_400 : memref<640xi32, #tpu.memory_space<hbm>>) dst(%arg8 : memref<640xi32, #tpu.memory_space<vmem>>)
      tpu.yield
    }) : () -> ()
    %dma_start3A = arith.constant 0 : i32
    %dma_start3A_13 = arith.constant 0 : i32
    %dma_start3A_14 = tpu.memref_slice %arg4[%dma_start3A, %dma_start3A_13] : memref<1000000x128xf32, #tpu.memory_space<hbm>> -> memref<1000000x128xf32, #tpu.memory_space<hbm>>
    tpu.enqueue_indirect_dma source(%dma_start3A_14 : memref<1000000x128xf32, #tpu.memory_space<hbm>>) target(%arg9 : memref<128x128xf32, #tpu.memory_space<vmem>>) offsets(%arg7 : memref<128xi32, #tpu.memory_space<vmem>>) semaphore(%arg12 : memref<!tpu.dma_semaphore, #tpu.memory_space<semaphore_mem>>)
    %dma_start3A_15 = arith.constant 0 : i32
    %dma_start3A_16 = arith.constant 0 : i32
    %dma_start3A_17 = tpu.memref_slice %arg10[%dma_start3A_15, %dma_start3A_16] : memref<640x128xf32, #tpu.memory_space<vmem>> -> memref<128x128xf32, #tpu.memory_space<vmem>>
    %dma_start3A_18 = arith.constant 0 : i32
    %dma_start3A_19 = tpu.memref_slice %arg8[%dma_start3A_18] : memref<640xi32, #tpu.memory_space<vmem>> -> memref<128xi32, #tpu.memory_space<vmem>>
    %dma_start3A_20 = arith.constant 0 : i32
    %dma_start3A_21 = arith.constant 0 : i32
    %dma_start3A_22 = tpu.memref_slice %arg5[%dma_start3A_20, %dma_start3A_21] : memref<1000000x128xf32, #tpu.memory_space<hbm>> -> memref<1000000x128xf32, #tpu.memory_space<hbm>>
    tpu.enqueue_indirect_dma source(%dma_start3A_22 : memref<1000000x128xf32, #tpu.memory_space<hbm>>) target(%dma_start3A_17 : memref<128x128xf32, #tpu.memory_space<vmem>>) offsets(%dma_start3A_19 : memref<128xi32, #tpu.memory_space<vmem>>) semaphore(%arg12 : memref<!tpu.dma_semaphore, #tpu.memory_space<semaphore_mem>>)
    %dma_start3A_23 = arith.constant 128 : i32
    %dma_start3A_24 = arith.constant 0 : i32
    %dma_start3A_25 = tpu.memref_slice %arg10[%dma_start3A_23, %dma_start3A_24] : memref<640x128xf32, #tpu.memory_space<vmem>> -> memref<128x128xf32, #tpu.memory_space<vmem>>
    %dma_start3A_26 = arith.constant 128 : i32
    %dma_start3A_27 = tpu.memref_slice %arg8[%dma_start3A_26] : memref<640xi32, #tpu.memory_space<vmem>> -> memref<128xi32, #tpu.memory_space<vmem>>
    %dma_start3A_28 = arith.constant 0 : i32
    %dma_start3A_29 = arith.constant 0 : i32
    %dma_start3A_30 = tpu.memref_slice %arg5[%dma_start3A_28, %dma_start3A_29] : memref<1000000x128xf32, #tpu.memory_space<hbm>> -> memref<1000000x128xf32, #tpu.memory_space<hbm>>
    tpu.enqueue_indirect_dma source(%dma_start3A_30 : memref<1000000x128xf32, #tpu.memory_space<hbm>>) target(%dma_start3A_25 : memref<128x128xf32, #tpu.memory_space<vmem>>) offsets(%dma_start3A_27 : memref<128xi32, #tpu.memory_space<vmem>>) semaphore(%arg12 : memref<!tpu.dma_semaphore, #tpu.memory_space<semaphore_mem>>)
    %dma_start3A_31 = arith.constant 256 : i32
    %dma_start3A_32 = arith.constant 0 : i32
    %dma_start3A_33 = tpu.memref_slice %arg10[%dma_start3A_31, %dma_start3A_32] : memref<640x128xf32, #tpu.memory_space<vmem>> -> memref<128x128xf32, #tpu.memory_space<vmem>>
    %dma_start3A_34 = arith.constant 256 : i32
    %dma_start3A_35 = tpu.memref_slice %arg8[%dma_start3A_34] : memref<640xi32, #tpu.memory_space<vmem>> -> memref<128xi32, #tpu.memory_space<vmem>>
    %dma_start3A_36 = arith.constant 0 : i32
    %dma_start3A_37 = arith.constant 0 : i32
    %dma_start3A_38 = tpu.memref_slice %arg5[%dma_start3A_36, %dma_start3A_37] : memref<1000000x128xf32, #tpu.memory_space<hbm>> -> memref<1000000x128xf32, #tpu.memory_space<hbm>>
    tpu.enqueue_indirect_dma source(%dma_start3A_38 : memref<1000000x128xf32, #tpu.memory_space<hbm>>) target(%dma_start3A_33 : memref<128x128xf32, #tpu.memory_space<vmem>>) offsets(%dma_start3A_35 : memref<128xi32, #tpu.memory_space<vmem>>) semaphore(%arg12 : memref<!tpu.dma_semaphore, #tpu.memory_space<semaphore_mem>>)
    %dma_start3A_39 = arith.constant 384 : i32
    %dma_start3A_40 = arith.constant 0 : i32
    %dma_start3A_41 = tpu.memref_slice %arg10[%dma_start3A_39, %dma_start3A_40] : memref<640x128xf32, #tpu.memory_space<vmem>> -> memref<128x128xf32, #tpu.memory_space<vmem>>
    %dma_start3A_42 = arith.constant 384 : i32
    %dma_start3A_43 = tpu.memref_slice %arg8[%dma_start3A_42] : memref<640xi32, #tpu.memory_space<vmem>> -> memref<128xi32, #tpu.memory_space<vmem>>
    %dma_start3A_44 = arith.constant 0 : i32
    %dma_start3A_45 = arith.constant 0 : i32
    %dma_start3A_46 = tpu.memref_slice %arg5[%dma_start3A_44, %dma_start3A_45] : memref<1000000x128xf32, #tpu.memory_space<hbm>> -> memref<1000000x128xf32, #tpu.memory_space<hbm>>
    tpu.enqueue_indirect_dma source(%dma_start3A_46 : memref<1000000x128xf32, #tpu.memory_space<hbm>>) target(%dma_start3A_41 : memref<128x128xf32, #tpu.memory_space<vmem>>) offsets(%dma_start3A_43 : memref<128xi32, #tpu.memory_space<vmem>>) semaphore(%arg12 : memref<!tpu.dma_semaphore, #tpu.memory_space<semaphore_mem>>)
    %dma_start3A_47 = arith.constant 512 : i32
    %dma_start3A_48 = arith.constant 0 : i32
    %dma_start3A_49 = tpu.memref_slice %arg10[%dma_start3A_47, %dma_start3A_48] : memref<640x128xf32, #tpu.memory_space<vmem>> -> memref<128x128xf32, #tpu.memory_space<vmem>>
    %dma_start3A_50 = arith.constant 512 : i32
    %dma_start3A_51 = tpu.memref_slice %arg8[%dma_start3A_50] : memref<640xi32, #tpu.memory_space<vmem>> -> memref<128xi32, #tpu.memory_space<vmem>>
    %dma_start3A_52 = arith.constant 0 : i32
    %dma_start3A_53 = arith.constant 0 : i32
    %dma_start3A_54 = tpu.memref_slice %arg5[%dma_start3A_52, %dma_start3A_53] : memref<1000000x128xf32, #tpu.memory_space<hbm>> -> memref<1000000x128xf32, #tpu.memory_space<hbm>>
    tpu.enqueue_indirect_dma source(%dma_start3A_54 : memref<1000000x128xf32, #tpu.memory_space<hbm>>) target(%dma_start3A_49 : memref<128x128xf32, #tpu.memory_space<vmem>>) offsets(%dma_start3A_51 : memref<128xi32, #tpu.memory_space<vmem>>) semaphore(%arg12 : memref<!tpu.dma_semaphore, #tpu.memory_space<semaphore_mem>>)
    %dma_wait3A = arith.constant 0 : i32
    %dma_wait3A_55 = arith.constant 0 : i32
    %dma_wait3A_56 = tpu.memref_slice %arg4[%dma_wait3A, %dma_wait3A_55] : memref<1000000x128xf32, #tpu.memory_space<hbm>> -> memref<1000000x128xf32, #tpu.memory_space<hbm>>
    tpu.wait_indirect_dma semaphore(%arg12 : memref<!tpu.dma_semaphore, #tpu.memory_space<semaphore_mem>>) src(%dma_wait3A_56 : memref<1000000x128xf32, #tpu.memory_space<hbm>>) dst(%arg9 : memref<128x128xf32, #tpu.memory_space<vmem>>)
    %dma_wait3A_57 = arith.constant 0 : i32
    %dma_wait3A_58 = arith.constant 0 : i32
    %dma_wait3A_59 = tpu.memref_slice %arg10[%dma_wait3A_57, %dma_wait3A_58] : memref<640x128xf32, #tpu.memory_space<vmem>> -> memref<128x128xf32, #tpu.memory_space<vmem>>
    %dma_wait3A_60 = arith.constant 0 : i32
    %dma_wait3A_61 = tpu.memref_slice %arg8[%dma_wait3A_60] : memref<640xi32, #tpu.memory_space<vmem>> -> memref<128xi32, #tpu.memory_space<vmem>>
    %dma_wait3A_62 = arith.constant 0 : i32
    %dma_wait3A_63 = arith.constant 0 : i32
    %dma_wait3A_64 = tpu.memref_slice %arg5[%dma_wait3A_62, %dma_wait3A_63] : memref<1000000x128xf32, #tpu.memory_space<hbm>> -> memref<1000000x128xf32, #tpu.memory_space<hbm>>
    tpu.wait_indirect_dma semaphore(%arg12 : memref<!tpu.dma_semaphore, #tpu.memory_space<semaphore_mem>>) src(%dma_wait3A_64 : memref<1000000x128xf32, #tpu.memory_space<hbm>>) dst(%dma_wait3A_59 : memref<128x128xf32, #tpu.memory_space<vmem>>)
    %dma_wait3A_65 = arith.constant 128 : i32
    %dma_wait3A_66 = arith.constant 0 : i32
    %dma_wait3A_67 = tpu.memref_slice %arg10[%dma_wait3A_65, %dma_wait3A_66] : memref<640x128xf32, #tpu.memory_space<vmem>> -> memref<128x128xf32, #tpu.memory_space<vmem>>
    %dma_wait3A_68 = arith.constant 128 : i32
    %dma_wait3A_69 = tpu.memref_slice %arg8[%dma_wait3A_68] : memref<640xi32, #tpu.memory_space<vmem>> -> memref<128xi32, #tpu.memory_space<vmem>>
    %dma_wait3A_70 = arith.constant 0 : i32
    %dma_wait3A_71 = arith.constant 0 : i32
    %dma_wait3A_72 = tpu.memref_slice %arg5[%dma_wait3A_70, %dma_wait3A_71] : memref<1000000x128xf32, #tpu.memory_space<hbm>> -> memref<1000000x128xf32, #tpu.memory_space<hbm>>
    tpu.wait_indirect_dma semaphore(%arg12 : memref<!tpu.dma_semaphore, #tpu.memory_space<semaphore_mem>>) src(%dma_wait3A_72 : memref<1000000x128xf32, #tpu.memory_space<hbm>>) dst(%dma_wait3A_67 : memref<128x128xf32, #tpu.memory_space<vmem>>)
    %dma_wait3A_73 = arith.constant 256 : i32
    %dma_wait3A_74 = arith.constant 0 : i32
    %dma_wait3A_75 = tpu.memref_slice %arg10[%dma_wait3A_73, %dma_wait3A_74] : memref<640x128xf32, #tpu.memory_space<vmem>> -> memref<128x128xf32, #tpu.memory_space<vmem>>
    %dma_wait3A_76 = arith.constant 256 : i32
    %dma_wait3A_77 = tpu.memref_slice %arg8[%dma_wait3A_76] : memref<640xi32, #tpu.memory_space<vmem>> -> memref<128xi32, #tpu.memory_space<vmem>>
    %dma_wait3A_78 = arith.constant 0 : i32
    %dma_wait3A_79 = arith.constant 0 : i32
    %dma_wait3A_80 = tpu.memref_slice %arg5[%dma_wait3A_78, %dma_wait3A_79] : memref<1000000x128xf32, #tpu.memory_space<hbm>> -> memref<1000000x128xf32, #tpu.memory_space<hbm>>
    tpu.wait_indirect_dma semaphore(%arg12 : memref<!tpu.dma_semaphore, #tpu.memory_space<semaphore_mem>>) src(%dma_wait3A_80 : memref<1000000x128xf32, #tpu.memory_space<hbm>>) dst(%dma_wait3A_75 : memref<128x128xf32, #tpu.memory_space<vmem>>)
    %dma_wait3A_81 = arith.constant 384 : i32
    %dma_wait3A_82 = arith.constant 0 : i32
    %dma_wait3A_83 = tpu.memref_slice %arg10[%dma_wait3A_81, %dma_wait3A_82] : memref<640x128xf32, #tpu.memory_space<vmem>> -> memref<128x128xf32, #tpu.memory_space<vmem>>
    %dma_wait3A_84 = arith.constant 384 : i32
    %dma_wait3A_85 = tpu.memref_slice %arg8[%dma_wait3A_84] : memref<640xi32, #tpu.memory_space<vmem>> -> memref<128xi32, #tpu.memory_space<vmem>>
    %dma_wait3A_86 = arith.constant 0 : i32
    %dma_wait3A_87 = arith.constant 0 : i32
    %dma_wait3A_88 = tpu.memref_slice %arg5[%dma_wait3A_86, %dma_wait3A_87] : memref<1000000x128xf32, #tpu.memory_space<hbm>> -> memref<1000000x128xf32, #tpu.memory_space<hbm>>
    tpu.wait_indirect_dma semaphore(%arg12 : memref<!tpu.dma_semaphore, #tpu.memory_space<semaphore_mem>>) src(%dma_wait3A_88 : memref<1000000x128xf32, #tpu.memory_space<hbm>>) dst(%dma_wait3A_83 : memref<128x128xf32, #tpu.memory_space<vmem>>)
    %dma_wait3A_89 = arith.constant 512 : i32
    %dma_wait3A_90 = arith.constant 0 : i32
    %dma_wait3A_91 = tpu.memref_slice %arg10[%dma_wait3A_89, %dma_wait3A_90] : memref<640x128xf32, #tpu.memory_space<vmem>> -> memref<128x128xf32, #tpu.memory_space<vmem>>
    %dma_wait3A_92 = arith.constant 512 : i32
    %dma_wait3A_93 = tpu.memref_slice %arg8[%dma_wait3A_92] : memref<640xi32, #tpu.memory_space<vmem>> -> memref<128xi32, #tpu.memory_space<vmem>>
    %dma_wait3A_94 = arith.constant 0 : i32
    %dma_wait3A_95 = arith.constant 0 : i32
    %dma_wait3A_96 = tpu.memref_slice %arg5[%dma_wait3A_94, %dma_wait3A_95] : memref<1000000x128xf32, #tpu.memory_space<hbm>> -> memref<1000000x128xf32, #tpu.memory_space<hbm>>
    tpu.wait_indirect_dma semaphore(%arg12 : memref<!tpu.dma_semaphore, #tpu.memory_space<semaphore_mem>>) src(%dma_wait3A_96 : memref<1000000x128xf32, #tpu.memory_space<hbm>>) dst(%dma_wait3A_91 : memref<128x128xf32, #tpu.memory_space<vmem>>)
    %scan3A = arith.constant 0 : i32
    %scan3A_97 = arith.constant 0 : i32
    %scan3A_98 = arith.constant 128 : i32
    %scan3A_99 = arith.addi %scan3A_97, %scan3A_98 : i32
    %scan3A_100 = arith.constant 1 : i32
    scf.for %scan3A_388 = %scan3A_97 to %scan3A_99 step %scan3A_100  : i32 {
      %get3A = arith.index_cast %scan3A_388 : i32 to index
      %get3A_389 = arith.constant 0 : index
      %get3A_390 = tpu.vector_load %arg9[%get3A, %get3A_389] {strides = array<i32>} : memref<128x128xf32, #tpu.memory_space<vmem>>, vector<1x16xf32>,
      %get3A_391 = vector.shape_cast %get3A_390 : vector<1x16xf32> to vector<16xf32>
      %get3A_392 = arith.index_cast %scan3A_388 : i32 to index
      %get3A_393 = arith.constant 16 : index
      %get3A_394 = tpu.vector_load %arg9[%get3A_392, %get3A_393] {strides = array<i32>} : memref<128x128xf32, #tpu.memory_space<vmem>>, vector<1x16xf32>,
      %get3A_395 = vector.shape_cast %get3A_394 : vector<1x16xf32> to vector<16xf32>
      %get3A_396 = arith.index_cast %scan3A_388 : i32 to index
      %get3A_397 = arith.constant 32 : index
      %get3A_398 = tpu.vector_load %arg9[%get3A_396, %get3A_397] {strides = array<i32>} : memref<128x128xf32, #tpu.memory_space<vmem>>, vector<1x16xf32>,
      %get3A_399 = vector.shape_cast %get3A_398 : vector<1x16xf32> to vector<16xf32>
      %get3A_400 = arith.index_cast %scan3A_388 : i32 to index
      %get3A_401 = arith.constant 48 : index
      %get3A_402 = tpu.vector_load %arg9[%get3A_400, %get3A_401] {strides = array<i32>} : memref<128x128xf32, #tpu.memory_space<vmem>>, vector<1x16xf32>,
      %get3A_403 = vector.shape_cast %get3A_402 : vector<1x16xf32> to vector<16xf32>
      %mul3A_404 = arith.constant 5 : i32
      %mul3A_405 = arith.muli %scan3A_388, %mul3A_404 : i32
      %add3A_406 = arith.constant 0 : i32
      %add3A_407 = arith.addi %mul3A_405, %add3A_406 : i32
      %get3A_408 = arith.index_cast %add3A_407 : i32 to index
      %get3A_409 = arith.constant 0 : index
      %get3A_410 = tpu.vector_load %arg10[%get3A_408, %get3A_409] {strides = array<i32>} : memref<640x128xf32, #tpu.memory_space<vmem>>, vector<1x16xf32>,
      %get3A_411 = vector.shape_cast %get3A_410 : vector<1x16xf32> to vector<16xf32>
      %mul3A_412 = arith.mulf %get3A_391, %get3A_411 : vector<16xf32>
      %get3A_413 = arith.index_cast %add3A_407 : i32 to index
      %get3A_414 = arith.constant 16 : index
      %get3A_415 = tpu.vector_load %arg10[%get3A_413, %get3A_414] {strides = array<i32>} : memref<640x128xf32, #tpu.memory_space<vmem>>, vector<1x16xf32>,
      %get3A_416 = vector.shape_cast %get3A_415 : vector<1x16xf32> to vector<16xf32>
      %mul3A_417 = arith.mulf %get3A_395, %get3A_416 : vector<16xf32>
      %add3A_418 = arith.addf %mul3A_412, %mul3A_417 : vector<16xf32>
      %get3A_419 = arith.index_cast %add3A_407 : i32 to index
      %get3A_420 = arith.constant 32 : index
      %get3A_421 = tpu.vector_load %arg10[%get3A_419, %get3A_420] {strides = array<i32>} : memref<640x128xf32, #tpu.memory_space<vmem>>, vector<1x16xf32>,
      %get3A_422 = vector.shape_cast %get3A_421 : vector<1x16xf32> to vector<16xf32>
      %mul3A_423 = arith.mulf %get3A_399, %get3A_422 : vector<16xf32>
      %add3A_424 = arith.addf %add3A_418, %mul3A_423 : vector<16xf32>
      %get3A_425 = arith.index_cast %add3A_407 : i32 to index
      %get3A_426 = arith.constant 48 : index
      %get3A_427 = tpu.vector_load %arg10[%get3A_425, %get3A_426] {strides = array<i32>} : memref<640x128xf32, #tpu.memory_space<vmem>>, vector<1x16xf32>,
      %get3A_428 = vector.shape_cast %get3A_427 : vector<1x16xf32> to vector<16xf32>
      %mul3A_429 = arith.mulf %get3A_403, %get3A_428 : vector<16xf32>
      %add3A_430 = arith.addf %add3A_424, %mul3A_429 : vector<16xf32>
      %broadcast_in_dim3A = vector.shape_cast %xor3A_2 : vector<16xi32> to vector<16x1xi32>
      %gather3A = vector.shape_cast %broadcast_in_dim3A : vector<16x1xi32> to vector<16xi32>
      %gather3A_431 = tpu.dynamic_gather %add3A_430[%gather3A] in [0] : vector<16xf32>, vector<16xi32> -> vector<16xf32>
      %add3A_432 = arith.addf %add3A_430, %gather3A_431 : vector<16xf32>
      %broadcast_in_dim3A_433 = vector.shape_cast %xor3A_5 : vector<16xi32> to vector<16x1xi32>
      %gather3A_434 = vector.shape_cast %broadcast_in_dim3A_433 : vector<16x1xi32> to vector<16xi32>
      %gather3A_435 = tpu.dynamic_gather %add3A_432[%gather3A_434] in [0] : vector<16xf32>, vector<16xi32> -> vector<16xf32>
      %add3A_436 = arith.addf %add3A_432, %gather3A_435 : vector<16xf32>
      %broadcast_in_dim3A_437 = vector.shape_cast %xor3A_8 : vector<16xi32> to vector<16x1xi32>
      %gather3A_438 = vector.shape_cast %broadcast_in_dim3A_437 : vector<16x1xi32> to vector<16xi32>
      %gather3A_439 = tpu.dynamic_gather %add3A_436[%gather3A_438] in [0] : vector<16xf32>, vector<16xi32> -> vector<16xf32>
      %add3A_440 = arith.addf %add3A_436, %gather3A_439 : vector<16xf32>
      %broadcast_in_dim3A_441 = vector.shape_cast %xor3A_11 : vector<16xi32> to vector<16x1xi32>
      %gather3A_442 = vector.shape_cast %broadcast_in_dim3A_441 : vector<16x1xi32> to vector<16xi32>
      %gather3A_443 = tpu.dynamic_gather %add3A_440[%gather3A_442] in [0] : vector<16xf32>, vector<16xi32> -> vector<16xf32>
      %add3A_444 = arith.addf %add3A_440, %gather3A_443 : vector<16xf32>
      %mul3A_445 = arith.constant 5 : i32
      %mul3A_446 = arith.muli %scan3A_388, %mul3A_445 : i32
      %add3A_447 = arith.constant 1 : i32
      %add3A_448 = arith.addi %mul3A_446, %add3A_447 : i32
      %get3A_449 = arith.index_cast %add3A_448 : i32 to index
      %get3A_450 = arith.constant 0 : index
      %get3A_451 = tpu.vector_load %arg10[%get3A_449, %get3A_450] {strides = array<i32>} : memref<640x128xf32, #tpu.memory_space<vmem>>, vector<1x16xf32>,
      %get3A_452 = vector.shape_cast %get3A_451 : vector<1x16xf32> to vector<16xf32>
      %mul3A_453 = arith.mulf %get3A_391, %get3A_452 : vector<16xf32>
      %get3A_454 = arith.index_cast %add3A_448 : i32 to index
      %get3A_455 = arith.constant 16 : index
      %get3A_456 = tpu.vector_load %arg10[%get3A_454, %get3A_455] {strides = array<i32>} : memref<640x128xf32, #tpu.memory_space<vmem>>, vector<1x16xf32>,
      %get3A_457 = vector.shape_cast %get3A_456 : vector<1x16xf32> to vector<16xf32>
      %mul3A_458 = arith.mulf %get3A_395, %get3A_457 : vector<16xf32>
      %add3A_459 = arith.addf %mul3A_453, %mul3A_458 : vector<16xf32>
      %get3A_460 = arith.index_cast %add3A_448 : i32 to index
      %get3A_461 = arith.constant 32 : index
      %get3A_462 = tpu.vector_load %arg10[%get3A_460, %get3A_461] {strides = array<i32>} : memref<640x128xf32, #tpu.memory_space<vmem>>, vector<1x16xf32>,
      %get3A_463 = vector.shape_cast %get3A_462 : vector<1x16xf32> to vector<16xf32>
      %mul3A_464 = arith.mulf %get3A_399, %get3A_463 : vector<16xf32>
      %add3A_465 = arith.addf %add3A_459, %mul3A_464 : vector<16xf32>
      %get3A_466 = arith.index_cast %add3A_448 : i32 to index
      %get3A_467 = arith.constant 48 : index
      %get3A_468 = tpu.vector_load %arg10[%get3A_466, %get3A_467] {strides = array<i32>} : memref<640x128xf32, #tpu.memory_space<vmem>>, vector<1x16xf32>,
      %get3A_469 = vector.shape_cast %get3A_468 : vector<1x16xf32> to vector<16xf32>
      %mul3A_470 = arith.mulf %get3A_403, %get3A_469 : vector<16xf32>
      %add3A_471 = arith.addf %add3A_465, %mul3A_470 : vector<16xf32>
      %broadcast_in_dim3A_472 = vector.shape_cast %xor3A_2 : vector<16xi32> to vector<16x1xi32>
      %gather3A_473 = vector.shape_cast %broadcast_in_dim3A_472 : vector<16x1xi32> to vector<16xi32>
      %gather3A_474 = tpu.dynamic_gather %add3A_471[%gather3A_473] in [0] : vector<16xf32>, vector<16xi32> -> vector<16xf32>
      %add3A_475 = arith.addf %add3A_471, %gather3A_474 : vector<16xf32>
      %broadcast_in_dim3A_476 = vector.shape_cast %xor3A_5 : vector<16xi32> to vector<16x1xi32>
      %gather3A_477 = vector.shape_cast %broadcast_in_dim3A_476 : vector<16x1xi32> to vector<16xi32>
      %gather3A_478 = tpu.dynamic_gather %add3A_475[%gather3A_477] in [0] : vector<16xf32>, vector<16xi32> -> vector<16xf32>
      %add3A_479 = arith.addf %add3A_475, %gather3A_478 : vector<16xf32>
      %broadcast_in_dim3A_480 = vector.shape_cast %xor3A_8 : vector<16xi32> to vector<16x1xi32>
      %gather3A_481 = vector.shape_cast %broadcast_in_dim3A_480 : vector<16x1xi32> to vector<16xi32>
      %gather3A_482 = tpu.dynamic_gather %add3A_479[%gather3A_481] in [0] : vector<16xf32>, vector<16xi32> -> vector<16xf32>
      %add3A_483 = arith.addf %add3A_479, %gather3A_482 : vector<16xf32>
      %broadcast_in_dim3A_484 = vector.shape_cast %xor3A_11 : vector<16xi32> to vector<16x1xi32>
      %gather3A_485 = vector.shape_cast %broadcast_in_dim3A_484 : vector<16x1xi32> to vector<16xi32>
      %gather3A_486 = tpu.dynamic_gather %add3A_483[%gather3A_485] in [0] : vector<16xf32>, vector<16xi32> -> vector<16xf32>
      %add3A_487 = arith.addf %add3A_483, %gather3A_486 : vector<16xf32>
      %eq3A = arith.constant 1 : i32
      %eq3A_488 = vector.broadcast %eq3A : i32 to vector<16xi32>
      %eq3A_489 = arith.cmpi eq, %iota3A, %eq3A_488 : vector<16xi32>
      %select_n3A = arith.select %eq3A_489, %add3A_487, %add3A_444 : vector<16xi1>, vector<16xf32>
      %mul3A_490 = arith.constant 5 : i32
      %mul3A_491 = arith.muli %scan3A_388, %mul3A_490 : i32
      %add3A_492 = arith.constant 2 : i32
      %add3A_493 = arith.addi %mul3A_491, %add3A_492 : i32
      %get3A_494 = arith.index_cast %add3A_493 : i32 to index
      %get3A_495 = arith.constant 0 : index
      %get3A_496 = tpu.vector_load %arg10[%get3A_494, %get3A_495] {strides = array<i32>} : memref<640x128xf32, #tpu.memory_space<vmem>>, vector<1x16xf32>,
      %get3A_497 = vector.shape_cast %get3A_496 : vector<1x16xf32> to vector<16xf32>
      %mul3A_498 = arith.mulf %get3A_391, %get3A_497 : vector<16xf32>
      %get3A_499 = arith.index_cast %add3A_493 : i32 to index
      %get3A_500 = arith.constant 16 : index
      %get3A_501 = tpu.vector_load %arg10[%get3A_499, %get3A_500] {strides = array<i32>} : memref<640x128xf32, #tpu.memory_space<vmem>>, vector<1x16xf32>,
      %get3A_502 = vector.shape_cast %get3A_501 : vector<1x16xf32> to vector<16xf32>
      %mul3A_503 = arith.mulf %get3A_395, %get3A_502 : vector<16xf32>
      %add3A_504 = arith.addf %mul3A_498, %mul3A_503 : vector<16xf32>
      %get3A_505 = arith.index_cast %add3A_493 : i32 to index
      %get3A_506 = arith.constant 32 : index
      %get3A_507 = tpu.vector_load %arg10[%get3A_505, %get3A_506] {strides = array<i32>} : memref<640x128xf32, #tpu.memory_space<vmem>>, vector<1x16xf32>,
      %get3A_508 = vector.shape_cast %get3A_507 : vector<1x16xf32> to vector<16xf32>
      %mul3A_509 = arith.mulf %get3A_399, %get3A_508 : vector<16xf32>
      %add3A_510 = arith.addf %add3A_504, %mul3A_509 : vector<16xf32>
      %get3A_511 = arith.index_cast %add3A_493 : i32 to index
      %get3A_512 = arith.constant 48 : index
      %get3A_513 = tpu.vector_load %arg10[%get3A_511, %get3A_512] {strides = array<i32>} : memref<640x128xf32, #tpu.memory_space<vmem>>, vector<1x16xf32>,
      %get3A_514 = vector.shape_cast %get3A_513 : vector<1x16xf32> to vector<16xf32>
      %mul3A_515 = arith.mulf %get3A_403, %get3A_514 : vector<16xf32>
      %add3A_516 = arith.addf %add3A_510, %mul3A_515 : vector<16xf32>
      %broadcast_in_dim3A_517 = vector.shape_cast %xor3A_2 : vector<16xi32> to vector<16x1xi32>
      %gather3A_518 = vector.shape_cast %broadcast_in_dim3A_517 : vector<16x1xi32> to vector<16xi32>
      %gather3A_519 = tpu.dynamic_gather %add3A_516[%gather3A_518] in [0] : vector<16xf32>, vector<16xi32> -> vector<16xf32>
      %add3A_520 = arith.addf %add3A_516, %gather3A_519 : vector<16xf32>
      %broadcast_in_dim3A_521 = vector.shape_cast %xor3A_5 : vector<16xi32> to vector<16x1xi32>
      %gather3A_522 = vector.shape_cast %broadcast_in_dim3A_521 : vector<16x1xi32> to vector<16xi32>
      %gather3A_523 = tpu.dynamic_gather %add3A_520[%gather3A_522] in [0] : vector<16xf32>, vector<16xi32> -> vector<16xf32>
      %add3A_524 = arith.addf %add3A_520, %gather3A_523 : vector<16xf32>
      %broadcast_in_dim3A_525 = vector.shape_cast %xor3A_8 : vector<16xi32> to vector<16x1xi32>
      %gather3A_526 = vector.shape_cast %broadcast_in_dim3A_525 : vector<16x1xi32> to vector<16xi32>
      %gather3A_527 = tpu.dynamic_gather %add3A_524[%gather3A_526] in [0] : vector<16xf32>, vector<16xi32> -> vector<16xf32>
      %add3A_528 = arith.addf %add3A_524, %gather3A_527 : vector<16xf32>
      %broadcast_in_dim3A_529 = vector.shape_cast %xor3A_11 : vector<16xi32> to vector<16x1xi32>
      %gather3A_530 = vector.shape_cast %broadcast_in_dim3A_529 : vector<16x1xi32> to vector<16xi32>
      %gather3A_531 = tpu.dynamic_gather %add3A_528[%gather3A_530] in [0] : vector<16xf32>, vector<16xi32> -> vector<16xf32>
      %add3A_532 = arith.addf %add3A_528, %gather3A_531 : vector<16xf32>
      %eq3A_533 = arith.constant 2 : i32
      %eq3A_534 = vector.broadcast %eq3A_533 : i32 to vector<16xi32>
      %eq3A_535 = arith.cmpi eq, %iota3A, %eq3A_534 : vector<16xi32>
      %select_n3A_536 = arith.select %eq3A_535, %add3A_532, %select_n3A : vector<16xi1>, vector<16xf32>
      %mul3A_537 = arith.constant 5 : i32
      %mul3A_538 = arith.muli %scan3A_388, %mul3A_537 : i32
      %add3A_539 = arith.constant 3 : i32
      %add3A_540 = arith.addi %mul3A_538, %add3A_539 : i32
      %get3A_541 = arith.index_cast %add3A_540 : i32 to index
      %get3A_542 = arith.constant 0 : index
      %get3A_543 = tpu.vector_load %arg10[%get3A_541, %get3A_542] {strides = array<i32>} : memref<640x128xf32, #tpu.memory_space<vmem>>, vector<1x16xf32>,
      %get3A_544 = vector.shape_cast %get3A_543 : vector<1x16xf32> to vector<16xf32>
      %mul3A_545 = arith.mulf %get3A_391, %get3A_544 : vector<16xf32>
      %get3A_546 = arith.index_cast %add3A_540 : i32 to index
      %get3A_547 = arith.constant 16 : index
      %get3A_548 = tpu.vector_load %arg10[%get3A_546, %get3A_547] {strides = array<i32>} : memref<640x128xf32, #tpu.memory_space<vmem>>, vector<1x16xf32>,
      %get3A_549 = vector.shape_cast %get3A_548 : vector<1x16xf32> to vector<16xf32>
      %mul3A_550 = arith.mulf %get3A_395, %get3A_549 : vector<16xf32>
      %add3A_551 = arith.addf %mul3A_545, %mul3A_550 : vector<16xf32>
      %get3A_552 = arith.index_cast %add3A_540 : i32 to index
      %get3A_553 = arith.constant 32 : index
      %get3A_554 = tpu.vector_load %arg10[%get3A_552, %get3A_553] {strides = array<i32>} : memref<640x128xf32, #tpu.memory_space<vmem>>, vector<1x16xf32>,
      %get3A_555 = vector.shape_cast %get3A_554 : vector<1x16xf32> to vector<16xf32>
      %mul3A_556 = arith.mulf %get3A_399, %get3A_555 : vector<16xf32>
      %add3A_557 = arith.addf %add3A_551, %mul3A_556 : vector<16xf32>
      %get3A_558 = arith.index_cast %add3A_540 : i32 to index
      %get3A_559 = arith.constant 48 : index
      %get3A_560 = tpu.vector_load %arg10[%get3A_558, %get3A_559] {strides = array<i32>} : memref<640x128xf32, #tpu.memory_space<vmem>>, vector<1x16xf32>,
      %get3A_561 = vector.shape_cast %get3A_560 : vector<1x16xf32> to vector<16xf32>
      %mul3A_562 = arith.mulf %get3A_403, %get3A_561 : vector<16xf32>
      %add3A_563 = arith.addf %add3A_557, %mul3A_562 : vector<16xf32>
      %broadcast_in_dim3A_564 = vector.shape_cast %xor3A_2 : vector<16xi32> to vector<16x1xi32>
      %gather3A_565 = vector.shape_cast %broadcast_in_dim3A_564 : vector<16x1xi32> to vector<16xi32>
      %gather3A_566 = tpu.dynamic_gather %add3A_563[%gather3A_565] in [0] : vector<16xf32>, vector<16xi32> -> vector<16xf32>
      %add3A_567 = arith.addf %add3A_563, %gather3A_566 : vector<16xf32>
      %broadcast_in_dim3A_568 = vector.shape_cast %xor3A_5 : vector<16xi32> to vector<16x1xi32>
      %gather3A_569 = vector.shape_cast %broadcast_in_dim3A_568 : vector<16x1xi32> to vector<16xi32>
      %gather3A_570 = tpu.dynamic_gather %add3A_567[%gather3A_569] in [0] : vector<16xf32>, vector<16xi32> -> vector<16xf32>
      %add3A_571 = arith.addf %add3A_567, %gather3A_570 : vector<16xf32>
      %broadcast_in_dim3A_572 = vector.shape_cast %xor3A_8 : vector<16xi32> to vector<16x1xi32>
      %gather3A_573 = vector.shape_cast %broadcast_in_dim3A_572 : vector<16x1xi32> to vector<16xi32>
      %gather3A_574 = tpu.dynamic_gather %add3A_571[%gather3A_573] in [0] : vector<16xf32>, vector<16xi32> -> vector<16xf32>
      %add3A_575 = arith.addf %add3A_571, %gather3A_574 : vector<16xf32>
      %broadcast_in_dim3A_576 = vector.shape_cast %xor3A_11 : vector<16xi32> to vector<16x1xi32>
      %gather3A_577 = vector.shape_cast %broadcast_in_dim3A_576 : vector<16x1xi32> to vector<16xi32>
      %gather3A_578 = tpu.dynamic_gather %add3A_575[%gather3A_577] in [0] : vector<16xf32>, vector<16xi32> -> vector<16xf32>
      %add3A_579 = arith.addf %add3A_575, %gather3A_578 : vector<16xf32>
      %eq3A_580 = arith.constant 3 : i32
      %eq3A_581 = vector.broadcast %eq3A_580 : i32 to vector<16xi32>
      %eq3A_582 = arith.cmpi eq, %iota3A, %eq3A_581 : vector<16xi32>
      %select_n3A_583 = arith.select %eq3A_582, %add3A_579, %select_n3A_536 : vector<16xi1>, vector<16xf32>
      %mul3A_584 = arith.constant 5 : i32
      %mul3A_585 = arith.muli %scan3A_388, %mul3A_584 : i32
      %add3A_586 = arith.constant 4 : i32
      %add3A_587 = arith.addi %mul3A_585, %add3A_586 : i32
      %get3A_588 = arith.index_cast %add3A_587 : i32 to index
      %get3A_589 = arith.constant 0 : index
      %get3A_590 = tpu.vector_load %arg10[%get3A_588, %get3A_589] {strides = array<i32>} : memref<640x128xf32, #tpu.memory_space<vmem>>, vector<1x16xf32>,
      %get3A_591 = vector.shape_cast %get3A_590 : vector<1x16xf32> to vector<16xf32>
      %mul3A_592 = arith.mulf %get3A_391, %get3A_591 : vector<16xf32>
      %get3A_593 = arith.index_cast %add3A_587 : i32 to index
      %get3A_594 = arith.constant 16 : index
      %get3A_595 = tpu.vector_load %arg10[%get3A_593, %get3A_594] {strides = array<i32>} : memref<640x128xf32, #tpu.memory_space<vmem>>, vector<1x16xf32>,
      %get3A_596 = vector.shape_cast %get3A_595 : vector<1x16xf32> to vector<16xf32>
      %mul3A_597 = arith.mulf %get3A_395, %get3A_596 : vector<16xf32>
      %add3A_598 = arith.addf %mul3A_592, %mul3A_597 : vector<16xf32>
      %get3A_599 = arith.index_cast %add3A_587 : i32 to index
      %get3A_600 = arith.constant 32 : index
      %get3A_601 = tpu.vector_load %arg10[%get3A_599, %get3A_600] {strides = array<i32>} : memref<640x128xf32, #tpu.memory_space<vmem>>, vector<1x16xf32>,
      %get3A_602 = vector.shape_cast %get3A_601 : vector<1x16xf32> to vector<16xf32>
      %mul3A_603 = arith.mulf %get3A_399, %get3A_602 : vector<16xf32>
      %add3A_604 = arith.addf %add3A_598, %mul3A_603 : vector<16xf32>
      %get3A_605 = arith.index_cast %add3A_587 : i32 to index
      %get3A_606 = arith.constant 48 : index
      %get3A_607 = tpu.vector_load %arg10[%get3A_605, %get3A_606] {strides = array<i32>} : memref<640x128xf32, #tpu.memory_space<vmem>>, vector<1x16xf32>,
      %get3A_608 = vector.shape_cast %get3A_607 : vector<1x16xf32> to vector<16xf32>
      %mul3A_609 = arith.mulf %get3A_403, %get3A_608 : vector<16xf32>
      %add3A_610 = arith.addf %add3A_604, %mul3A_609 : vector<16xf32>
      %broadcast_in_dim3A_611 = vector.shape_cast %xor3A_2 : vector<16xi32> to vector<16x1xi32>
      %gather3A_612 = vector.shape_cast %broadcast_in_dim3A_611 : vector<16x1xi32> to vector<16xi32>
      %gather3A_613 = tpu.dynamic_gather %add3A_610[%gather3A_612] in [0] : vector<16xf32>, vector<16xi32> -> vector<16xf32>
      %add3A_614 = arith.addf %add3A_610, %gather3A_613 : vector<16xf32>
      %broadcast_in_dim3A_615 = vector.shape_cast %xor3A_5 : vector<16xi32> to vector<16x1xi32>
      %gather3A_616 = vector.shape_cast %broadcast_in_dim3A_615 : vector<16x1xi32> to vector<16xi32>
      %gather3A_617 = tpu.dynamic_gather %add3A_614[%gather3A_616] in [0] : vector<16xf32>, vector<16xi32> -> vector<16xf32>
      %add3A_618 = arith.addf %add3A_614, %gather3A_617 : vector<16xf32>
      %broadcast_in_dim3A_619 = vector.shape_cast %xor3A_8 : vector<16xi32> to vector<16x1xi32>
      %gather3A_620 = vector.shape_cast %broadcast_in_dim3A_619 : vector<16x1xi32> to vector<16xi32>
      %gather3A_621 = tpu.dynamic_gather %add3A_618[%gather3A_620] in [0] : vector<16xf32>, vector<16xi32> -> vector<16xf32>
      %add3A_622 = arith.addf %add3A_618, %gather3A_621 : vector<16xf32>
      %broadcast_in_dim3A_623 = vector.shape_cast %xor3A_11 : vector<16xi32> to vector<16x1xi32>
      %gather3A_624 = vector.shape_cast %broadcast_in_dim3A_623 : vector<16x1xi32> to vector<16xi32>
      %gather3A_625 = tpu.dynamic_gather %add3A_622[%gather3A_624] in [0] : vector<16xf32>, vector<16xi32> -> vector<16xf32>
      %add3A_626 = arith.addf %add3A_622, %gather3A_625 : vector<16xf32>
      %eq3A_627 = arith.constant 4 : i32
      %eq3A_628 = vector.broadcast %eq3A_627 : i32 to vector<16xi32>
      %eq3A_629 = arith.cmpi eq, %iota3A, %eq3A_628 : vector<16xi32>
      %select_n3A_630 = arith.select %eq3A_629, %add3A_626, %select_n3A_583 : vector<16xi1>, vector<16xf32>
      %mul3A_631 = arith.constant 5 : i32
      %mul3A_632 = arith.muli %scan3A_388, %mul3A_631 : i32
      %swap3A = arith.index_cast %mul3A_632 : i32 to index
      %swap3A_633 = tpu.vector_load %arg11[%swap3A] {strides = array<i32>} : memref<656xf32, #tpu.memory_space<vmem>>, vector<16xf32>,
      %swap3A_634 = vector.shape_cast %swap3A_633 : vector<16xf32> to vector<16xf32>
      %swap3A_635 = vector.shape_cast %select_n3A_630 : vector<16xf32> to vector<16xf32>
      tpu.vector_store %arg11[%swap3A], %swap3A_635 {strides = array<i32>} : memref<656xf32, #tpu.memory_space<vmem>>, vector<16xf32>,
    }
    %scan3A_101 = arith.constant 128 : i32
    %run_scoped3A_102 = arith.constant 0 : i32
    "tpu.region"() ({
      %run_scoped3A_388 = tpu.sem_alloc : memref<!tpu.dma_semaphore, #tpu.memory_space<semaphore_mem>>
      %dma_start3A_389 = arith.constant 0 : i32
      %dma_start3A_390 = tpu.memref_slice %arg11[%dma_start3A_389] : memref<656xf32, #tpu.memory_space<vmem>> -> memref<640xf32, #tpu.memory_space<vmem>>
      %dma_start3A_391 = arith.constant 0 : i32
      %dma_start3A_392 = tpu.memref_slice %arg6[%add3A, %run_scoped3A_102, %dma_start3A_391] : memref<32x1x2560xf32, #tpu.memory_space<hbm>> -> memref<1x1x640xf32, #tpu.memory_space<hbm>>
      %dma_start3A_393 = tpu.memref_squeeze %dma_start3A_392 : memref<1x1x640xf32, #tpu.memory_space<hbm>> -> memref<640xf32, #tpu.memory_space<hbm>>
      %dma_start3A_394 = arith.constant 0 : i32
      %dma_start3A_395 = tpu.memref_slice %arg6[%add3A, %run_scoped3A_102, %dma_start3A_394] : memref<32x1x2560xf32, #tpu.memory_space<hbm>> -> memref<1x1x640xf32, #tpu.memory_space<hbm>>
      %dma_start3A_396 = tpu.memref_squeeze %dma_start3A_395 : memref<1x1x640xf32, #tpu.memory_space<hbm>> -> memref<640xf32, #tpu.memory_space<hbm>>
      %dma_start3A_397 = arith.constant 0 : i32
      %dma_start3A_398 = tpu.memref_slice %arg11[%dma_start3A_397] : memref<656xf32, #tpu.memory_space<vmem>> -> memref<640xf32, #tpu.memory_space<vmem>>
      tpu.enqueue_dma source(%dma_start3A_398 : memref<640xf32, #tpu.memory_space<vmem>>) target(%dma_start3A_396 : memref<640xf32, #tpu.memory_space<hbm>>) target_semaphore(%run_scoped3A_388 : memref<!tpu.dma_semaphore, #tpu.memory_space<semaphore_mem>>)
      %dma_wait3A_399 = arith.constant 0 : i32
      %dma_wait3A_400 = tpu.memref_slice %arg11[%dma_wait3A_399] : memref<656xf32, #tpu.memory_space<vmem>> -> memref<640xf32, #tpu.memory_space<vmem>>
      %dma_wait3A_401 = arith.constant 0 : i32
      %dma_wait3A_402 = tpu.memref_slice %arg6[%add3A, %run_scoped3A_102, %dma_wait3A_401] : memref<32x1x2560xf32, #tpu.memory_space<hbm>> -> memref<1x1x640xf32, #tpu.memory_space<hbm>>
      %dma_wait3A_403 = tpu.memref_squeeze %dma_wait3A_402 : memref<1x1x640xf32, #tpu.memory_space<hbm>> -> memref<640xf32, #tpu.memory_space<hbm>>
      %dma_wait3A_404 = arith.constant 0 : i32
      %dma_wait3A_405 = tpu.memref_slice %arg6[%add3A, %run_scoped3A_102, %dma_wait3A_404] : memref<32x1x2560xf32, #tpu.memory_space<hbm>> -> memref<1x1x640xf32, #tpu.memory_space<hbm>>
      %dma_wait3A_406 = tpu.memref_squeeze %dma_wait3A_405 : memref<1x1x640xf32, #tpu.memory_space<hbm>> -> memref<640xf32, #tpu.memory_space<hbm>>
      %dma_wait3A_407 = arith.constant 0 : i32
      %dma_wait3A_408 = tpu.memref_slice %arg11[%dma_wait3A_407] : memref<656xf32, #tpu.memory_space<vmem>> -> memref<640xf32, #tpu.memory_space<vmem>>
      tpu.wait_dma2 semaphore(%run_scoped3A_388 : memref<!tpu.dma_semaphore, #tpu.memory_space<semaphore_mem>>) src(%dma_wait3A_408 : memref<640xf32, #tpu.memory_space<vmem>>) dst(%dma_wait3A_406 : memref<640xf32, #tpu.memory_space<hbm>>)
      tpu.yield
    }) : () -> ()
    %run_scoped3A_103 = arith.constant 0 : i32
    "tpu.region"() ({
      %run_scoped3A_388 = tpu.sem_alloc : memref<!tpu.dma_semaphore, #tpu.memory_space<semaphore_mem>>
      %dma_start3A_389 = arith.constant 128 : i32
      %dma_start3A_390 = tpu.memref_slice %arg2[%add3A, %run_scoped3A_103, %dma_start3A_389] : memref<32x1x512xi32, #tpu.memory_space<hbm>> -> memref<1x1x128xi32, #tpu.memory_space<hbm>>
      %dma_start3A_391 = tpu.memref_squeeze %dma_start3A_390 : memref<1x1x128xi32, #tpu.memory_space<hbm>> -> memref<128xi32, #tpu.memory_space<hbm>>
      %dma_start3A_392 = arith.constant 128 : i32
      %dma_start3A_393 = tpu.memref_slice %arg2[%add3A, %run_scoped3A_103, %dma_start3A_392] : memref<32x1x512xi32, #tpu.memory_space<hbm>> -> memref<1x1x128xi32, #tpu.memory_space<hbm>>
      %dma_start3A_394 = tpu.memref_squeeze %dma_start3A_393 : memref<1x1x128xi32, #tpu.memory_space<hbm>> -> memref<128xi32, #tpu.memory_space<hbm>>
      tpu.enqueue_dma source(%dma_start3A_394 : memref<128xi32, #tpu.memory_space<hbm>>) target(%arg7 : memref<128xi32, #tpu.memory_space<vmem>>) target_semaphore(%run_scoped3A_388 : memref<!tpu.dma_semaphore, #tpu.memory_space<semaphore_mem>>)
      %dma_wait3A_395 = arith.constant 128 : i32
      %dma_wait3A_396 = tpu.memref_slice %arg2[%add3A, %run_scoped3A_103, %dma_wait3A_395] : memref<32x1x512xi32, #tpu.memory_space<hbm>> -> memref<1x1x128xi32, #tpu.memory_space<hbm>>
      %dma_wait3A_397 = tpu.memref_squeeze %dma_wait3A_396 : memref<1x1x128xi32, #tpu.memory_space<hbm>> -> memref<128xi32, #tpu.memory_space<hbm>>
      %dma_wait3A_398 = arith.constant 128 : i32
      %dma_wait3A_399 = tpu.memref_slice %arg2[%add3A, %run_scoped3A_103, %dma_wait3A_398] : memref<32x1x512xi32, #tpu.memory_space<hbm>> -> memref<1x1x128xi32, #tpu.memory_space<hbm>>
      %dma_wait3A_400 = tpu.memref_squeeze %dma_wait3A_399 : memref<1x1x128xi32, #tpu.memory_space<hbm>> -> memref<128xi32, #tpu.memory_space<hbm>>
      tpu.wait_dma2 semaphore(%run_scoped3A_388 : memref<!tpu.dma_semaphore, #tpu.memory_space<semaphore_mem>>) src(%dma_wait3A_400 : memref<128xi32, #tpu.memory_space<hbm>>) dst(%arg7 : memref<128xi32, #tpu.memory_space<vmem>>)
      tpu.yield
    }) : () -> ()
    %run_scoped3A_104 = arith.constant 0 : i32
    "tpu.region"() ({
      %run_scoped3A_388 = tpu.sem_alloc : memref<!tpu.dma_semaphore, #tpu.memory_space<semaphore_mem>>
      %dma_start3A_389 = arith.constant 640 : i32
      %dma_start3A_390 = tpu.memref_slice %arg3[%add3A, %run_scoped3A_104, %dma_start3A_389] : memref<32x1x2560xi32, #tpu.memory_space<hbm>> -> memref<1x1x640xi32, #tpu.memory_space<hbm>>
      %dma_start3A_391 = tpu.memref_squeeze %dma_start3A_390 : memref<1x1x640xi32, #tpu.memory_space<hbm>> -> memref<640xi32, #tpu.memory_space<hbm>>
      %dma_start3A_392 = arith.constant 640 : i32
      %dma_start3A_393 = tpu.memref_slice %arg3[%add3A, %run_scoped3A_104, %dma_start3A_392] : memref<32x1x2560xi32, #tpu.memory_space<hbm>> -> memref<1x1x640xi32, #tpu.memory_space<hbm>>
      %dma_start3A_394 = tpu.memref_squeeze %dma_start3A_393 : memref<1x1x640xi32, #tpu.memory_space<hbm>> -> memref<640xi32, #tpu.memory_space<hbm>>
      tpu.enqueue_dma source(%dma_start3A_394 : memref<640xi32, #tpu.memory_space<hbm>>) target(%arg8 : memref<640xi32, #tpu.memory_space<vmem>>) target_semaphore(%run_scoped3A_388 : memref<!tpu.dma_semaphore, #tpu.memory_space<semaphore_mem>>)
      %dma_wait3A_395 = arith.constant 640 : i32
      %dma_wait3A_396 = tpu.memref_slice %arg3[%add3A, %run_scoped3A_104, %dma_wait3A_395] : memref<32x1x2560xi32, #tpu.memory_space<hbm>> -> memref<1x1x640xi32, #tpu.memory_space<hbm>>
      %dma_wait3A_397 = tpu.memref_squeeze %dma_wait3A_396 : memref<1x1x640xi32, #tpu.memory_space<hbm>> -> memref<640xi32, #tpu.memory_space<hbm>>
      %dma_wait3A_398 = arith.constant 640 : i32
      %dma_wait3A_399 = tpu.memref_slice %arg3[%add3A, %run_scoped3A_104, %dma_wait3A_398] : memref<32x1x2560xi32, #tpu.memory_space<hbm>> -> memref<1x1x640xi32, #tpu.memory_space<hbm>>
      %dma_wait3A_400 = tpu.memref_squeeze %dma_wait3A_399 : memref<1x1x640xi32, #tpu.memory_space<hbm>> -> memref<640xi32, #tpu.memory_space<hbm>>
      tpu.wait_dma2 semaphore(%run_scoped3A_388 : memref<!tpu.dma_semaphore, #tpu.memory_space<semaphore_mem>>) src(%dma_wait3A_400 : memref<640xi32, #tpu.memory_space<hbm>>) dst(%arg8 : memref<640xi32, #tpu.memory_space<vmem>>)
      tpu.yield
    }) : () -> ()
    %dma_start3A_105 = arith.constant 0 : i32
    %dma_start3A_106 = arith.constant 0 : i32
    %dma_start3A_107 = tpu.memref_slice %arg4[%dma_start3A_105, %dma_start3A_106] : memref<1000000x128xf32, #tpu.memory_space<hbm>> -> memref<1000000x128xf32, #tpu.memory_space<hbm>>
    tpu.enqueue_indirect_dma source(%dma_start3A_107 : memref<1000000x128xf32, #tpu.memory_space<hbm>>) target(%arg9 : memref<128x128xf32, #tpu.memory_space<vmem>>) offsets(%arg7 : memref<128xi32, #tpu.memory_space<vmem>>) semaphore(%arg12 : memref<!tpu.dma_semaphore, #tpu.memory_space<semaphore_mem>>)
    %dma_start3A_108 = arith.constant 0 : i32
    %dma_start3A_109 = arith.constant 0 : i32
    %dma_start3A_110 = tpu.memref_slice %arg10[%dma_start3A_108, %dma_start3A_109] : memref<640x128xf32, #tpu.memory_space<vmem>> -> memref<128x128xf32, #tpu.memory_space<vmem>>
    %dma_start3A_111 = arith.constant 0 : i32
    %dma_start3A_112 = tpu.memref_slice %arg8[%dma_start3A_111] : memref<640xi32, #tpu.memory_space<vmem>> -> memref<128xi32, #tpu.memory_space<vmem>>
    %dma_start3A_113 = arith.constant 0 : i32
    %dma_start3A_114 = arith.constant 0 : i32
    %dma_start3A_115 = tpu.memref_slice %arg5[%dma_start3A_113, %dma_start3A_114] : memref<1000000x128xf32, #tpu.memory_space<hbm>> -> memref<1000000x128xf32, #tpu.memory_space<hbm>>
    tpu.enqueue_indirect_dma source(%dma_start3A_115 : memref<1000000x128xf32, #tpu.memory_space<hbm>>) target(%dma_start3A_110 : memref<128x128xf32, #tpu.memory_space<vmem>>) offsets(%dma_start3A_112 : memref<128xi32, #tpu.memory_space<vmem>>) semaphore(%arg12 : memref<!tpu.dma_semaphore, #tpu.memory_space<semaphore_mem>>)
    %dma_start3A_116 = arith.constant 128 : i32
    %dma_start3A_117 = arith.constant 0 : i32
    %dma_start3A_118 = tpu.memref_slice %arg10[%dma_start3A_116, %dma_start3A_117] : memref<640x128xf32, #tpu.memory_space<vmem>> -> memref<128x128xf32, #tpu.memory_space<vmem>>
    %dma_start3A_119 = arith.constant 128 : i32
    %dma_start3A_120 = tpu.memref_slice %arg8[%dma_start3A_119] : memref<640xi32, #tpu.memory_space<vmem>> -> memref<128xi32, #tpu.memory_space<vmem>>
    %dma_start3A_121 = arith.constant 0 : i32
    %dma_start3A_122 = arith.constant 0 : i32
    %dma_start3A_123 = tpu.memref_slice %arg5[%dma_start3A_121, %dma_start3A_122] : memref<1000000x128xf32, #tpu.memory_space<hbm>> -> memref<1000000x128xf32, #tpu.memory_space<hbm>>
    tpu.enqueue_indirect_dma source(%dma_start3A_123 : memref<1000000x128xf32, #tpu.memory_space<hbm>>) target(%dma_start3A_118 : memref<128x128xf32, #tpu.memory_space<vmem>>) offsets(%dma_start3A_120 : memref<128xi32, #tpu.memory_space<vmem>>) semaphore(%arg12 : memref<!tpu.dma_semaphore, #tpu.memory_space<semaphore_mem>>)
    %dma_start3A_124 = arith.constant 256 : i32
    %dma_start3A_125 = arith.constant 0 : i32
    %dma_start3A_126 = tpu.memref_slice %arg10[%dma_start3A_124, %dma_start3A_125] : memref<640x128xf32, #tpu.memory_space<vmem>> -> memref<128x128xf32, #tpu.memory_space<vmem>>
    %dma_start3A_127 = arith.constant 256 : i32
    %dma_start3A_128 = tpu.memref_slice %arg8[%dma_start3A_127] : memref<640xi32, #tpu.memory_space<vmem>> -> memref<128xi32, #tpu.memory_space<vmem>>
    %dma_start3A_129 = arith.constant 0 : i32
    %dma_start3A_130 = arith.constant 0 : i32
    %dma_start3A_131 = tpu.memref_slice %arg5[%dma_start3A_129, %dma_start3A_130] : memref<1000000x128xf32, #tpu.memory_space<hbm>> -> memref<1000000x128xf32, #tpu.memory_space<hbm>>
    tpu.enqueue_indirect_dma source(%dma_start3A_131 : memref<1000000x128xf32, #tpu.memory_space<hbm>>) target(%dma_start3A_126 : memref<128x128xf32, #tpu.memory_space<vmem>>) offsets(%dma_start3A_128 : memref<128xi32, #tpu.memory_space<vmem>>) semaphore(%arg12 : memref<!tpu.dma_semaphore, #tpu.memory_space<semaphore_mem>>)
    %dma_start3A_132 = arith.constant 384 : i32
    %dma_start3A_133 = arith.constant 0 : i32
    %dma_start3A_134 = tpu.memref_slice %arg10[%dma_start3A_132, %dma_start3A_133] : memref<640x128xf32, #tpu.memory_space<vmem>> -> memref<128x128xf32, #tpu.memory_space<vmem>>
    %dma_start3A_135 = arith.constant 384 : i32
    %dma_start3A_136 = tpu.memref_slice %arg8[%dma_start3A_135] : memref<640xi32, #tpu.memory_space<vmem>> -> memref<128xi32, #tpu.memory_space<vmem>>
    %dma_start3A_137 = arith.constant 0 : i32
    %dma_start3A_138 = arith.constant 0 : i32
    %dma_start3A_139 = tpu.memref_slice %arg5[%dma_start3A_137, %dma_start3A_138] : memref<1000000x128xf32, #tpu.memory_space<hbm>> -> memref<1000000x128xf32, #tpu.memory_space<hbm>>
    tpu.enqueue_indirect_dma source(%dma_start3A_139 : memref<1000000x128xf32, #tpu.memory_space<hbm>>) target(%dma_start3A_134 : memref<128x128xf32, #tpu.memory_space<vmem>>) offsets(%dma_start3A_136 : memref<128xi32, #tpu.memory_space<vmem>>) semaphore(%arg12 : memref<!tpu.dma_semaphore, #tpu.memory_space<semaphore_mem>>)
    %dma_start3A_140 = arith.constant 512 : i32
    %dma_start3A_141 = arith.constant 0 : i32
    %dma_start3A_142 = tpu.memref_slice %arg10[%dma_start3A_140, %dma_start3A_141] : memref<640x128xf32, #tpu.memory_space<vmem>> -> memref<128x128xf32, #tpu.memory_space<vmem>>
    %dma_start3A_143 = arith.constant 512 : i32
    %dma_start3A_144 = tpu.memref_slice %arg8[%dma_start3A_143] : memref<640xi32, #tpu.memory_space<vmem>> -> memref<128xi32, #tpu.memory_space<vmem>>
    %dma_start3A_145 = arith.constant 0 : i32
    %dma_start3A_146 = arith.constant 0 : i32
    %dma_start3A_147 = tpu.memref_slice %arg5[%dma_start3A_145, %dma_start3A_146] : memref<1000000x128xf32, #tpu.memory_space<hbm>> -> memref<1000000x128xf32, #tpu.memory_space<hbm>>
    tpu.enqueue_indirect_dma source(%dma_start3A_147 : memref<1000000x128xf32, #tpu.memory_space<hbm>>) target(%dma_start3A_142 : memref<128x128xf32, #tpu.memory_space<vmem>>) offsets(%dma_start3A_144 : memref<128xi32, #tpu.memory_space<vmem>>) semaphore(%arg12 : memref<!tpu.dma_semaphore, #tpu.memory_space<semaphore_mem>>)
    %dma_wait3A_148 = arith.constant 0 : i32
    %dma_wait3A_149 = arith.constant 0 : i32
    %dma_wait3A_150 = tpu.memref_slice %arg4[%dma_wait3A_148, %dma_wait3A_149] : memref<1000000x128xf32, #tpu.memory_space<hbm>> -> memref<1000000x128xf32, #tpu.memory_space<hbm>>
    tpu.wait_indirect_dma semaphore(%arg12 : memref<!tpu.dma_semaphore, #tpu.memory_space<semaphore_mem>>) src(%dma_wait3A_150 : memref<1000000x128xf32, #tpu.memory_space<hbm>>) dst(%arg9 : memref<128x128xf32, #tpu.memory_space<vmem>>)
    %dma_wait3A_151 = arith.constant 0 : i32
    %dma_wait3A_152 = arith.constant 0 : i32
    %dma_wait3A_153 = tpu.memref_slice %arg10[%dma_wait3A_151, %dma_wait3A_152] : memref<640x128xf32, #tpu.memory_space<vmem>> -> memref<128x128xf32, #tpu.memory_space<vmem>>
    %dma_wait3A_154 = arith.constant 0 : i32
    %dma_wait3A_155 = tpu.memref_slice %arg8[%dma_wait3A_154] : memref<640xi32, #tpu.memory_space<vmem>> -> memref<128xi32, #tpu.memory_space<vmem>>
    %dma_wait3A_156 = arith.constant 0 : i32
    %dma_wait3A_157 = arith.constant 0 : i32
    %dma_wait3A_158 = tpu.memref_slice %arg5[%dma_wait3A_156, %dma_wait3A_157] : memref<1000000x128xf32, #tpu.memory_space<hbm>> -> memref<1000000x128xf32, #tpu.memory_space<hbm>>
    tpu.wait_indirect_dma semaphore(%arg12 : memref<!tpu.dma_semaphore, #tpu.memory_space<semaphore_mem>>) src(%dma_wait3A_158 : memref<1000000x128xf32, #tpu.memory_space<hbm>>) dst(%dma_wait3A_153 : memref<128x128xf32, #tpu.memory_space<vmem>>)
    %dma_wait3A_159 = arith.constant 128 : i32
    %dma_wait3A_160 = arith.constant 0 : i32
    %dma_wait3A_161 = tpu.memref_slice %arg10[%dma_wait3A_159, %dma_wait3A_160] : memref<640x128xf32, #tpu.memory_space<vmem>> -> memref<128x128xf32, #tpu.memory_space<vmem>>
    %dma_wait3A_162 = arith.constant 128 : i32
    %dma_wait3A_163 = tpu.memref_slice %arg8[%dma_wait3A_162] : memref<640xi32, #tpu.memory_space<vmem>> -> memref<128xi32, #tpu.memory_space<vmem>>
    %dma_wait3A_164 = arith.constant 0 : i32
    %dma_wait3A_165 = arith.constant 0 : i32
    %dma_wait3A_166 = tpu.memref_slice %arg5[%dma_wait3A_164, %dma_wait3A_165] : memref<1000000x128xf32, #tpu.memory_space<hbm>> -> memref<1000000x128xf32, #tpu.memory_space<hbm>>
    tpu.wait_indirect_dma semaphore(%arg12 : memref<!tpu.dma_semaphore, #tpu.memory_space<semaphore_mem>>) src(%dma_wait3A_166 : memref<1000000x128xf32, #tpu.memory_space<hbm>>) dst(%dma_wait3A_161 : memref<128x128xf32, #tpu.memory_space<vmem>>)
    %dma_wait3A_167 = arith.constant 256 : i32
    %dma_wait3A_168 = arith.constant 0 : i32
    %dma_wait3A_169 = tpu.memref_slice %arg10[%dma_wait3A_167, %dma_wait3A_168] : memref<640x128xf32, #tpu.memory_space<vmem>> -> memref<128x128xf32, #tpu.memory_space<vmem>>
    %dma_wait3A_170 = arith.constant 256 : i32
    %dma_wait3A_171 = tpu.memref_slice %arg8[%dma_wait3A_170] : memref<640xi32, #tpu.memory_space<vmem>> -> memref<128xi32, #tpu.memory_space<vmem>>
    %dma_wait3A_172 = arith.constant 0 : i32
    %dma_wait3A_173 = arith.constant 0 : i32
    %dma_wait3A_174 = tpu.memref_slice %arg5[%dma_wait3A_172, %dma_wait3A_173] : memref<1000000x128xf32, #tpu.memory_space<hbm>> -> memref<1000000x128xf32, #tpu.memory_space<hbm>>
    tpu.wait_indirect_dma semaphore(%arg12 : memref<!tpu.dma_semaphore, #tpu.memory_space<semaphore_mem>>) src(%dma_wait3A_174 : memref<1000000x128xf32, #tpu.memory_space<hbm>>) dst(%dma_wait3A_169 : memref<128x128xf32, #tpu.memory_space<vmem>>)
    %dma_wait3A_175 = arith.constant 384 : i32
    %dma_wait3A_176 = arith.constant 0 : i32
    %dma_wait3A_177 = tpu.memref_slice %arg10[%dma_wait3A_175, %dma_wait3A_176] : memref<640x128xf32, #tpu.memory_space<vmem>> -> memref<128x128xf32, #tpu.memory_space<vmem>>
    %dma_wait3A_178 = arith.constant 384 : i32
    %dma_wait3A_179 = tpu.memref_slice %arg8[%dma_wait3A_178] : memref<640xi32, #tpu.memory_space<vmem>> -> memref<128xi32, #tpu.memory_space<vmem>>
    %dma_wait3A_180 = arith.constant 0 : i32
    %dma_wait3A_181 = arith.constant 0 : i32
    %dma_wait3A_182 = tpu.memref_slice %arg5[%dma_wait3A_180, %dma_wait3A_181] : memref<1000000x128xf32, #tpu.memory_space<hbm>> -> memref<1000000x128xf32, #tpu.memory_space<hbm>>
    tpu.wait_indirect_dma semaphore(%arg12 : memref<!tpu.dma_semaphore, #tpu.memory_space<semaphore_mem>>) src(%dma_wait3A_182 : memref<1000000x128xf32, #tpu.memory_space<hbm>>) dst(%dma_wait3A_177 : memref<128x128xf32, #tpu.memory_space<vmem>>)
    %dma_wait3A_183 = arith.constant 512 : i32
    %dma_wait3A_184 = arith.constant 0 : i32
    %dma_wait3A_185 = tpu.memref_slice %arg10[%dma_wait3A_183, %dma_wait3A_184] : memref<640x128xf32, #tpu.memory_space<vmem>> -> memref<128x128xf32, #tpu.memory_space<vmem>>
    %dma_wait3A_186 = arith.constant 512 : i32
    %dma_wait3A_187 = tpu.memref_slice %arg8[%dma_wait3A_186] : memref<640xi32, #tpu.memory_space<vmem>> -> memref<128xi32, #tpu.memory_space<vmem>>
    %dma_wait3A_188 = arith.constant 0 : i32
    %dma_wait3A_189 = arith.constant 0 : i32
    %dma_wait3A_190 = tpu.memref_slice %arg5[%dma_wait3A_188, %dma_wait3A_189] : memref<1000000x128xf32, #tpu.memory_space<hbm>> -> memref<1000000x128xf32, #tpu.memory_space<hbm>>
    tpu.wait_indirect_dma semaphore(%arg12 : memref<!tpu.dma_semaphore, #tpu.memory_space<semaphore_mem>>) src(%dma_wait3A_190 : memref<1000000x128xf32, #tpu.memory_space<hbm>>) dst(%dma_wait3A_185 : memref<128x128xf32, #tpu.memory_space<vmem>>)
    %scan3A_191 = arith.constant 0 : i32
    %scan3A_192 = arith.constant 0 : i32
    %scan3A_193 = arith.constant 128 : i32
    %scan3A_194 = arith.addi %scan3A_192, %scan3A_193 : i32
    %scan3A_195 = arith.constant 1 : i32
    scf.for %scan3A_388 = %scan3A_192 to %scan3A_194 step %scan3A_195  : i32 {
      %get3A = arith.index_cast %scan3A_388 : i32 to index
      %get3A_389 = arith.constant 0 : index
      %get3A_390 = tpu.vector_load %arg9[%get3A, %get3A_389] {strides = array<i32>} : memref<128x128xf32, #tpu.memory_space<vmem>>, vector<1x16xf32>,
      %get3A_391 = vector.shape_cast %get3A_390 : vector<1x16xf32> to vector<16xf32>
      %get3A_392 = arith.index_cast %scan3A_388 : i32 to index
      %get3A_393 = arith.constant 16 : index
      %get3A_394 = tpu.vector_load %arg9[%get3A_392, %get3A_393] {strides = array<i32>} : memref<128x128xf32, #tpu.memory_space<vmem>>, vector<1x16xf32>,
      %get3A_395 = vector.shape_cast %get3A_394 : vector<1x16xf32> to vector<16xf32>
      %get3A_396 = arith.index_cast %scan3A_388 : i32 to index
      %get3A_397 = arith.constant 32 : index
      %get3A_398 = tpu.vector_load %arg9[%get3A_396, %get3A_397] {strides = array<i32>} : memref<128x128xf32, #tpu.memory_space<vmem>>, vector<1x16xf32>,
      %get3A_399 = vector.shape_cast %get3A_398 : vector<1x16xf32> to vector<16xf32>
      %get3A_400 = arith.index_cast %scan3A_388 : i32 to index
      %get3A_401 = arith.constant 48 : index
      %get3A_402 = tpu.vector_load %arg9[%get3A_400, %get3A_401] {strides = array<i32>} : memref<128x128xf32, #tpu.memory_space<vmem>>, vector<1x16xf32>,
      %get3A_403 = vector.shape_cast %get3A_402 : vector<1x16xf32> to vector<16xf32>
      %mul3A_404 = arith.constant 5 : i32
      %mul3A_405 = arith.muli %scan3A_388, %mul3A_404 : i32
      %add3A_406 = arith.constant 0 : i32
      %add3A_407 = arith.addi %mul3A_405, %add3A_406 : i32
      %get3A_408 = arith.index_cast %add3A_407 : i32 to index
      %get3A_409 = arith.constant 0 : index
      %get3A_410 = tpu.vector_load %arg10[%get3A_408, %get3A_409] {strides = array<i32>} : memref<640x128xf32, #tpu.memory_space<vmem>>, vector<1x16xf32>,
      %get3A_411 = vector.shape_cast %get3A_410 : vector<1x16xf32> to vector<16xf32>
      %mul3A_412 = arith.mulf %get3A_391, %get3A_411 : vector<16xf32>
      %get3A_413 = arith.index_cast %add3A_407 : i32 to index
      %get3A_414 = arith.constant 16 : index
      %get3A_415 = tpu.vector_load %arg10[%get3A_413, %get3A_414] {strides = array<i32>} : memref<640x128xf32, #tpu.memory_space<vmem>>, vector<1x16xf32>,
      %get3A_416 = vector.shape_cast %get3A_415 : vector<1x16xf32> to vector<16xf32>
      %mul3A_417 = arith.mulf %get3A_395, %get3A_416 : vector<16xf32>
      %add3A_418 = arith.addf %mul3A_412, %mul3A_417 : vector<16xf32>
      %get3A_419 = arith.index_cast %add3A_407 : i32 to index
      %get3A_420 = arith.constant 32 : index
      %get3A_421 = tpu.vector_load %arg10[%get3A_419, %get3A_420] {strides = array<i32>} : memref<640x128xf32, #tpu.memory_space<vmem>>, vector<1x16xf32>,
      %get3A_422 = vector.shape_cast %get3A_421 : vector<1x16xf32> to vector<16xf32>
      %mul3A_423 = arith.mulf %get3A_399, %get3A_422 : vector<16xf32>
      %add3A_424 = arith.addf %add3A_418, %mul3A_423 : vector<16xf32>
      %get3A_425 = arith.index_cast %add3A_407 : i32 to index
      %get3A_426 = arith.constant 48 : index
      %get3A_427 = tpu.vector_load %arg10[%get3A_425, %get3A_426] {strides = array<i32>} : memref<640x128xf32, #tpu.memory_space<vmem>>, vector<1x16xf32>,
      %get3A_428 = vector.shape_cast %get3A_427 : vector<1x16xf32> to vector<16xf32>
      %mul3A_429 = arith.mulf %get3A_403, %get3A_428 : vector<16xf32>
      %add3A_430 = arith.addf %add3A_424, %mul3A_429 : vector<16xf32>
      %broadcast_in_dim3A = vector.shape_cast %xor3A_2 : vector<16xi32> to vector<16x1xi32>
      %gather3A = vector.shape_cast %broadcast_in_dim3A : vector<16x1xi32> to vector<16xi32>
      %gather3A_431 = tpu.dynamic_gather %add3A_430[%gather3A] in [0] : vector<16xf32>, vector<16xi32> -> vector<16xf32>
      %add3A_432 = arith.addf %add3A_430, %gather3A_431 : vector<16xf32>
      %broadcast_in_dim3A_433 = vector.shape_cast %xor3A_5 : vector<16xi32> to vector<16x1xi32>
      %gather3A_434 = vector.shape_cast %broadcast_in_dim3A_433 : vector<16x1xi32> to vector<16xi32>
      %gather3A_435 = tpu.dynamic_gather %add3A_432[%gather3A_434] in [0] : vector<16xf32>, vector<16xi32> -> vector<16xf32>
      %add3A_436 = arith.addf %add3A_432, %gather3A_435 : vector<16xf32>
      %broadcast_in_dim3A_437 = vector.shape_cast %xor3A_8 : vector<16xi32> to vector<16x1xi32>
      %gather3A_438 = vector.shape_cast %broadcast_in_dim3A_437 : vector<16x1xi32> to vector<16xi32>
      %gather3A_439 = tpu.dynamic_gather %add3A_436[%gather3A_438] in [0] : vector<16xf32>, vector<16xi32> -> vector<16xf32>
      %add3A_440 = arith.addf %add3A_436, %gather3A_439 : vector<16xf32>
      %broadcast_in_dim3A_441 = vector.shape_cast %xor3A_11 : vector<16xi32> to vector<16x1xi32>
      %gather3A_442 = vector.shape_cast %broadcast_in_dim3A_441 : vector<16x1xi32> to vector<16xi32>
      %gather3A_443 = tpu.dynamic_gather %add3A_440[%gather3A_442] in [0] : vector<16xf32>, vector<16xi32> -> vector<16xf32>
      %add3A_444 = arith.addf %add3A_440, %gather3A_443 : vector<16xf32>
      %mul3A_445 = arith.constant 5 : i32
      %mul3A_446 = arith.muli %scan3A_388, %mul3A_445 : i32
      %add3A_447 = arith.constant 1 : i32
      %add3A_448 = arith.addi %mul3A_446, %add3A_447 : i32
      %get3A_449 = arith.index_cast %add3A_448 : i32 to index
      %get3A_450 = arith.constant 0 : index
      %get3A_451 = tpu.vector_load %arg10[%get3A_449, %get3A_450] {strides = array<i32>} : memref<640x128xf32, #tpu.memory_space<vmem>>, vector<1x16xf32>,
      %get3A_452 = vector.shape_cast %get3A_451 : vector<1x16xf32> to vector<16xf32>
      %mul3A_453 = arith.mulf %get3A_391, %get3A_452 : vector<16xf32>
      %get3A_454 = arith.index_cast %add3A_448 : i32 to index
      %get3A_455 = arith.constant 16 : index
      %get3A_456 = tpu.vector_load %arg10[%get3A_454, %get3A_455] {strides = array<i32>} : memref<640x128xf32, #tpu.memory_space<vmem>>, vector<1x16xf32>,
      %get3A_457 = vector.shape_cast %get3A_456 : vector<1x16xf32> to vector<16xf32>
      %mul3A_458 = arith.mulf %get3A_395, %get3A_457 : vector<16xf32>
      %add3A_459 = arith.addf %mul3A_453, %mul3A_458 : vector<16xf32>
      %get3A_460 = arith.index_cast %add3A_448 : i32 to index
      %get3A_461 = arith.constant 32 : index
      %get3A_462 = tpu.vector_load %arg10[%get3A_460, %get3A_461] {strides = array<i32>} : memref<640x128xf32, #tpu.memory_space<vmem>>, vector<1x16xf32>,
      %get3A_463 = vector.shape_cast %get3A_462 : vector<1x16xf32> to vector<16xf32>
      %mul3A_464 = arith.mulf %get3A_399, %get3A_463 : vector<16xf32>
      %add3A_465 = arith.addf %add3A_459, %mul3A_464 : vector<16xf32>
      %get3A_466 = arith.index_cast %add3A_448 : i32 to index
      %get3A_467 = arith.constant 48 : index
      %get3A_468 = tpu.vector_load %arg10[%get3A_466, %get3A_467] {strides = array<i32>} : memref<640x128xf32, #tpu.memory_space<vmem>>, vector<1x16xf32>,
      %get3A_469 = vector.shape_cast %get3A_468 : vector<1x16xf32> to vector<16xf32>
      %mul3A_470 = arith.mulf %get3A_403, %get3A_469 : vector<16xf32>
      %add3A_471 = arith.addf %add3A_465, %mul3A_470 : vector<16xf32>
      %broadcast_in_dim3A_472 = vector.shape_cast %xor3A_2 : vector<16xi32> to vector<16x1xi32>
      %gather3A_473 = vector.shape_cast %broadcast_in_dim3A_472 : vector<16x1xi32> to vector<16xi32>
      %gather3A_474 = tpu.dynamic_gather %add3A_471[%gather3A_473] in [0] : vector<16xf32>, vector<16xi32> -> vector<16xf32>
      %add3A_475 = arith.addf %add3A_471, %gather3A_474 : vector<16xf32>
      %broadcast_in_dim3A_476 = vector.shape_cast %xor3A_5 : vector<16xi32> to vector<16x1xi32>
      %gather3A_477 = vector.shape_cast %broadcast_in_dim3A_476 : vector<16x1xi32> to vector<16xi32>
      %gather3A_478 = tpu.dynamic_gather %add3A_475[%gather3A_477] in [0] : vector<16xf32>, vector<16xi32> -> vector<16xf32>
      %add3A_479 = arith.addf %add3A_475, %gather3A_478 : vector<16xf32>
      %broadcast_in_dim3A_480 = vector.shape_cast %xor3A_8 : vector<16xi32> to vector<16x1xi32>
      %gather3A_481 = vector.shape_cast %broadcast_in_dim3A_480 : vector<16x1xi32> to vector<16xi32>
      %gather3A_482 = tpu.dynamic_gather %add3A_479[%gather3A_481] in [0] : vector<16xf32>, vector<16xi32> -> vector<16xf32>
      %add3A_483 = arith.addf %add3A_479, %gather3A_482 : vector<16xf32>
      %broadcast_in_dim3A_484 = vector.shape_cast %xor3A_11 : vector<16xi32> to vector<16x1xi32>
      %gather3A_485 = vector.shape_cast %broadcast_in_dim3A_484 : vector<16x1xi32> to vector<16xi32>
      %gather3A_486 = tpu.dynamic_gather %add3A_483[%gather3A_485] in [0] : vector<16xf32>, vector<16xi32> -> vector<16xf32>
      %add3A_487 = arith.addf %add3A_483, %gather3A_486 : vector<16xf32>
      %eq3A = arith.constant 1 : i32
      %eq3A_488 = vector.broadcast %eq3A : i32 to vector<16xi32>
      %eq3A_489 = arith.cmpi eq, %iota3A, %eq3A_488 : vector<16xi32>
      %select_n3A = arith.select %eq3A_489, %add3A_487, %add3A_444 : vector<16xi1>, vector<16xf32>
      %mul3A_490 = arith.constant 5 : i32
      %mul3A_491 = arith.muli %scan3A_388, %mul3A_490 : i32
      %add3A_492 = arith.constant 2 : i32
      %add3A_493 = arith.addi %mul3A_491, %add3A_492 : i32
      %get3A_494 = arith.index_cast %add3A_493 : i32 to index
      %get3A_495 = arith.constant 0 : index
      %get3A_496 = tpu.vector_load %arg10[%get3A_494, %get3A_495] {strides = array<i32>} : memref<640x128xf32, #tpu.memory_space<vmem>>, vector<1x16xf32>,
      %get3A_497 = vector.shape_cast %get3A_496 : vector<1x16xf32> to vector<16xf32>
      %mul3A_498 = arith.mulf %get3A_391, %get3A_497 : vector<16xf32>
      %get3A_499 = arith.index_cast %add3A_493 : i32 to index
      %get3A_500 = arith.constant 16 : index
      %get3A_501 = tpu.vector_load %arg10[%get3A_499, %get3A_500] {strides = array<i32>} : memref<640x128xf32, #tpu.memory_space<vmem>>, vector<1x16xf32>,
      %get3A_502 = vector.shape_cast %get3A_501 : vector<1x16xf32> to vector<16xf32>
      %mul3A_503 = arith.mulf %get3A_395, %get3A_502 : vector<16xf32>
      %add3A_504 = arith.addf %mul3A_498, %mul3A_503 : vector<16xf32>
      %get3A_505 = arith.index_cast %add3A_493 : i32 to index
      %get3A_506 = arith.constant 32 : index
      %get3A_507 = tpu.vector_load %arg10[%get3A_505, %get3A_506] {strides = array<i32>} : memref<640x128xf32, #tpu.memory_space<vmem>>, vector<1x16xf32>,
      %get3A_508 = vector.shape_cast %get3A_507 : vector<1x16xf32> to vector<16xf32>
      %mul3A_509 = arith.mulf %get3A_399, %get3A_508 : vector<16xf32>
      %add3A_510 = arith.addf %add3A_504, %mul3A_509 : vector<16xf32>
      %get3A_511 = arith.index_cast %add3A_493 : i32 to index
      %get3A_512 = arith.constant 48 : index
      %get3A_513 = tpu.vector_load %arg10[%get3A_511, %get3A_512] {strides = array<i32>} : memref<640x128xf32, #tpu.memory_space<vmem>>, vector<1x16xf32>,
      %get3A_514 = vector.shape_cast %get3A_513 : vector<1x16xf32> to vector<16xf32>
      %mul3A_515 = arith.mulf %get3A_403, %get3A_514 : vector<16xf32>
      %add3A_516 = arith.addf %add3A_510, %mul3A_515 : vector<16xf32>
      %broadcast_in_dim3A_517 = vector.shape_cast %xor3A_2 : vector<16xi32> to vector<16x1xi32>
      %gather3A_518 = vector.shape_cast %broadcast_in_dim3A_517 : vector<16x1xi32> to vector<16xi32>
      %gather3A_519 = tpu.dynamic_gather %add3A_516[%gather3A_518] in [0] : vector<16xf32>, vector<16xi32> -> vector<16xf32>
      %add3A_520 = arith.addf %add3A_516, %gather3A_519 : vector<16xf32>
      %broadcast_in_dim3A_521 = vector.shape_cast %xor3A_5 : vector<16xi32> to vector<16x1xi32>
      %gather3A_522 = vector.shape_cast %broadcast_in_dim3A_521 : vector<16x1xi32> to vector<16xi32>
      %gather3A_523 = tpu.dynamic_gather %add3A_520[%gather3A_522] in [0] : vector<16xf32>, vector<16xi32> -> vector<16xf32>
      %add3A_524 = arith.addf %add3A_520, %gather3A_523 : vector<16xf32>
      %broadcast_in_dim3A_525 = vector.shape_cast %xor3A_8 : vector<16xi32> to vector<16x1xi32>
      %gather3A_526 = vector.shape_cast %broadcast_in_dim3A_525 : vector<16x1xi32> to vector<16xi32>
      %gather3A_527 = tpu.dynamic_gather %add3A_524[%gather3A_526] in [0] : vector<16xf32>, vector<16xi32> -> vector<16xf32>
      %add3A_528 = arith.addf %add3A_524, %gather3A_527 : vector<16xf32>
      %broadcast_in_dim3A_529 = vector.shape_cast %xor3A_11 : vector<16xi32> to vector<16x1xi32>
      %gather3A_530 = vector.shape_cast %broadcast_in_dim3A_529 : vector<16x1xi32> to vector<16xi32>
      %gather3A_531 = tpu.dynamic_gather %add3A_528[%gather3A_530] in [0] : vector<16xf32>, vector<16xi32> -> vector<16xf32>
      %add3A_532 = arith.addf %add3A_528, %gather3A_531 : vector<16xf32>
      %eq3A_533 = arith.constant 2 : i32
      %eq3A_534 = vector.broadcast %eq3A_533 : i32 to vector<16xi32>
      %eq3A_535 = arith.cmpi eq, %iota3A, %eq3A_534 : vector<16xi32>
      %select_n3A_536 = arith.select %eq3A_535, %add3A_532, %select_n3A : vector<16xi1>, vector<16xf32>
      %mul3A_537 = arith.constant 5 : i32
      %mul3A_538 = arith.muli %scan3A_388, %mul3A_537 : i32
      %add3A_539 = arith.constant 3 : i32
      %add3A_540 = arith.addi %mul3A_538, %add3A_539 : i32
      %get3A_541 = arith.index_cast %add3A_540 : i32 to index
      %get3A_542 = arith.constant 0 : index
      %get3A_543 = tpu.vector_load %arg10[%get3A_541, %get3A_542] {strides = array<i32>} : memref<640x128xf32, #tpu.memory_space<vmem>>, vector<1x16xf32>,
      %get3A_544 = vector.shape_cast %get3A_543 : vector<1x16xf32> to vector<16xf32>
      %mul3A_545 = arith.mulf %get3A_391, %get3A_544 : vector<16xf32>
      %get3A_546 = arith.index_cast %add3A_540 : i32 to index
      %get3A_547 = arith.constant 16 : index
      %get3A_548 = tpu.vector_load %arg10[%get3A_546, %get3A_547] {strides = array<i32>} : memref<640x128xf32, #tpu.memory_space<vmem>>, vector<1x16xf32>,
      %get3A_549 = vector.shape_cast %get3A_548 : vector<1x16xf32> to vector<16xf32>
      %mul3A_550 = arith.mulf %get3A_395, %get3A_549 : vector<16xf32>
      %add3A_551 = arith.addf %mul3A_545, %mul3A_550 : vector<16xf32>
      %get3A_552 = arith.index_cast %add3A_540 : i32 to index
      %get3A_553 = arith.constant 32 : index
      %get3A_554 = tpu.vector_load %arg10[%get3A_552, %get3A_553] {strides = array<i32>} : memref<640x128xf32, #tpu.memory_space<vmem>>, vector<1x16xf32>,
      %get3A_555 = vector.shape_cast %get3A_554 : vector<1x16xf32> to vector<16xf32>
      %mul3A_556 = arith.mulf %get3A_399, %get3A_555 : vector<16xf32>
      %add3A_557 = arith.addf %add3A_551, %mul3A_556 : vector<16xf32>
      %get3A_558 = arith.index_cast %add3A_540 : i32 to index
      %get3A_559 = arith.constant 48 : index
      %get3A_560 = tpu.vector_load %arg10[%get3A_558, %get3A_559] {strides = array<i32>} : memref<640x128xf32, #tpu.memory_space<vmem>>, vector<1x16xf32>,
      %get3A_561 = vector.shape_cast %get3A_560 : vector<1x16xf32> to vector<16xf32>
      %mul3A_562 = arith.mulf %get3A_403, %get3A_561 : vector<16xf32>
      %add3A_563 = arith.addf %add3A_557, %mul3A_562 : vector<16xf32>
      %broadcast_in_dim3A_564 = vector.shape_cast %xor3A_2 : vector<16xi32> to vector<16x1xi32>
      %gather3A_565 = vector.shape_cast %broadcast_in_dim3A_564 : vector<16x1xi32> to vector<16xi32>
      %gather3A_566 = tpu.dynamic_gather %add3A_563[%gather3A_565] in [0] : vector<16xf32>, vector<16xi32> -> vector<16xf32>
      %add3A_567 = arith.addf %add3A_563, %gather3A_566 : vector<16xf32>
      %broadcast_in_dim3A_568 = vector.shape_cast %xor3A_5 : vector<16xi32> to vector<16x1xi32>
      %gather3A_569 = vector.shape_cast %broadcast_in_dim3A_568 : vector<16x1xi32> to vector<16xi32>
      %gather3A_570 = tpu.dynamic_gather %add3A_567[%gather3A_569] in [0] : vector<16xf32>, vector<16xi32> -> vector<16xf32>
      %add3A_571 = arith.addf %add3A_567, %gather3A_570 : vector<16xf32>
      %broadcast_in_dim3A_572 = vector.shape_cast %xor3A_8 : vector<16xi32> to vector<16x1xi32>
      %gather3A_573 = vector.shape_cast %broadcast_in_dim3A_572 : vector<16x1xi32> to vector<16xi32>
      %gather3A_574 = tpu.dynamic_gather %add3A_571[%gather3A_573] in [0] : vector<16xf32>, vector<16xi32> -> vector<16xf32>
      %add3A_575 = arith.addf %add3A_571, %gather3A_574 : vector<16xf32>
      %broadcast_in_dim3A_576 = vector.shape_cast %xor3A_11 : vector<16xi32> to vector<16x1xi32>
      %gather3A_577 = vector.shape_cast %broadcast_in_dim3A_576 : vector<16x1xi32> to vector<16xi32>
      %gather3A_578 = tpu.dynamic_gather %add3A_575[%gather3A_577] in [0] : vector<16xf32>, vector<16xi32> -> vector<16xf32>
      %add3A_579 = arith.addf %add3A_575, %gather3A_578 : vector<16xf32>
      %eq3A_580 = arith.constant 3 : i32
      %eq3A_581 = vector.broadcast %eq3A_580 : i32 to vector<16xi32>
      %eq3A_582 = arith.cmpi eq, %iota3A, %eq3A_581 : vector<16xi32>
      %select_n3A_583 = arith.select %eq3A_582, %add3A_579, %select_n3A_536 : vector<16xi1>, vector<16xf32>
      %mul3A_584 = arith.constant 5 : i32
      %mul3A_585 = arith.muli %scan3A_388, %mul3A_584 : i32
      %add3A_586 = arith.constant 4 : i32
      %add3A_587 = arith.addi %mul3A_585, %add3A_586 : i32
      %get3A_588 = arith.index_cast %add3A_587 : i32 to index
      %get3A_589 = arith.constant 0 : index
      %get3A_590 = tpu.vector_load %arg10[%get3A_588, %get3A_589] {strides = array<i32>} : memref<640x128xf32, #tpu.memory_space<vmem>>, vector<1x16xf32>,
      %get3A_591 = vector.shape_cast %get3A_590 : vector<1x16xf32> to vector<16xf32>
      %mul3A_592 = arith.mulf %get3A_391, %get3A_591 : vector<16xf32>
      %get3A_593 = arith.index_cast %add3A_587 : i32 to index
      %get3A_594 = arith.constant 16 : index
      %get3A_595 = tpu.vector_load %arg10[%get3A_593, %get3A_594] {strides = array<i32>} : memref<640x128xf32, #tpu.memory_space<vmem>>, vector<1x16xf32>,
      %get3A_596 = vector.shape_cast %get3A_595 : vector<1x16xf32> to vector<16xf32>
      %mul3A_597 = arith.mulf %get3A_395, %get3A_596 : vector<16xf32>
      %add3A_598 = arith.addf %mul3A_592, %mul3A_597 : vector<16xf32>
      %get3A_599 = arith.index_cast %add3A_587 : i32 to index
      %get3A_600 = arith.constant 32 : index
      %get3A_601 = tpu.vector_load %arg10[%get3A_599, %get3A_600] {strides = array<i32>} : memref<640x128xf32, #tpu.memory_space<vmem>>, vector<1x16xf32>,
      %get3A_602 = vector.shape_cast %get3A_601 : vector<1x16xf32> to vector<16xf32>
      %mul3A_603 = arith.mulf %get3A_399, %get3A_602 : vector<16xf32>
      %add3A_604 = arith.addf %add3A_598, %mul3A_603 : vector<16xf32>
      %get3A_605 = arith.index_cast %add3A_587 : i32 to index
      %get3A_606 = arith.constant 48 : index
      %get3A_607 = tpu.vector_load %arg10[%get3A_605, %get3A_606] {strides = array<i32>} : memref<640x128xf32, #tpu.memory_space<vmem>>, vector<1x16xf32>,
      %get3A_608 = vector.shape_cast %get3A_607 : vector<1x16xf32> to vector<16xf32>
      %mul3A_609 = arith.mulf %get3A_403, %get3A_608 : vector<16xf32>
      %add3A_610 = arith.addf %add3A_604, %mul3A_609 : vector<16xf32>
      %broadcast_in_dim3A_611 = vector.shape_cast %xor3A_2 : vector<16xi32> to vector<16x1xi32>
      %gather3A_612 = vector.shape_cast %broadcast_in_dim3A_611 : vector<16x1xi32> to vector<16xi32>
      %gather3A_613 = tpu.dynamic_gather %add3A_610[%gather3A_612] in [0] : vector<16xf32>, vector<16xi32> -> vector<16xf32>
      %add3A_614 = arith.addf %add3A_610, %gather3A_613 : vector<16xf32>
      %broadcast_in_dim3A_615 = vector.shape_cast %xor3A_5 : vector<16xi32> to vector<16x1xi32>
      %gather3A_616 = vector.shape_cast %broadcast_in_dim3A_615 : vector<16x1xi32> to vector<16xi32>
      %gather3A_617 = tpu.dynamic_gather %add3A_614[%gather3A_616] in [0] : vector<16xf32>, vector<16xi32> -> vector<16xf32>
      %add3A_618 = arith.addf %add3A_614, %gather3A_617 : vector<16xf32>
      %broadcast_in_dim3A_619 = vector.shape_cast %xor3A_8 : vector<16xi32> to vector<16x1xi32>
      %gather3A_620 = vector.shape_cast %broadcast_in_dim3A_619 : vector<16x1xi32> to vector<16xi32>
      %gather3A_621 = tpu.dynamic_gather %add3A_618[%gather3A_620] in [0] : vector<16xf32>, vector<16xi32> -> vector<16xf32>
      %add3A_622 = arith.addf %add3A_618, %gather3A_621 : vector<16xf32>
      %broadcast_in_dim3A_623 = vector.shape_cast %xor3A_11 : vector<16xi32> to vector<16x1xi32>
      %gather3A_624 = vector.shape_cast %broadcast_in_dim3A_623 : vector<16x1xi32> to vector<16xi32>
      %gather3A_625 = tpu.dynamic_gather %add3A_622[%gather3A_624] in [0] : vector<16xf32>, vector<16xi32> -> vector<16xf32>
      %add3A_626 = arith.addf %add3A_622, %gather3A_625 : vector<16xf32>
      %eq3A_627 = arith.constant 4 : i32
      %eq3A_628 = vector.broadcast %eq3A_627 : i32 to vector<16xi32>
      %eq3A_629 = arith.cmpi eq, %iota3A, %eq3A_628 : vector<16xi32>
      %select_n3A_630 = arith.select %eq3A_629, %add3A_626, %select_n3A_583 : vector<16xi1>, vector<16xf32>
      %mul3A_631 = arith.constant 5 : i32
      %mul3A_632 = arith.muli %scan3A_388, %mul3A_631 : i32
      %swap3A = arith.index_cast %mul3A_632 : i32 to index
      %swap3A_633 = tpu.vector_load %arg11[%swap3A] {strides = array<i32>} : memref<656xf32, #tpu.memory_space<vmem>>, vector<16xf32>,
      %swap3A_634 = vector.shape_cast %swap3A_633 : vector<16xf32> to vector<16xf32>
      %swap3A_635 = vector.shape_cast %select_n3A_630 : vector<16xf32> to vector<16xf32>
      tpu.vector_store %arg11[%swap3A], %swap3A_635 {strides = array<i32>} : memref<656xf32, #tpu.memory_space<vmem>>, vector<16xf32>,
    }
    %scan3A_196 = arith.constant 128 : i32
    %run_scoped3A_197 = arith.constant 0 : i32
    "tpu.region"() ({
      %run_scoped3A_388 = tpu.sem_alloc : memref<!tpu.dma_semaphore, #tpu.memory_space<semaphore_mem>>
      %dma_start3A_389 = arith.constant 0 : i32
      %dma_start3A_390 = tpu.memref_slice %arg11[%dma_start3A_389] : memref<656xf32, #tpu.memory_space<vmem>> -> memref<640xf32, #tpu.memory_space<vmem>>
      %dma_start3A_391 = arith.constant 640 : i32
      %dma_start3A_392 = tpu.memref_slice %arg6[%add3A, %run_scoped3A_197, %dma_start3A_391] : memref<32x1x2560xf32, #tpu.memory_space<hbm>> -> memref<1x1x640xf32, #tpu.memory_space<hbm>>
      %dma_start3A_393 = tpu.memref_squeeze %dma_start3A_392 : memref<1x1x640xf32, #tpu.memory_space<hbm>> -> memref<640xf32, #tpu.memory_space<hbm>>
      %dma_start3A_394 = arith.constant 640 : i32
      %dma_start3A_395 = tpu.memref_slice %arg6[%add3A, %run_scoped3A_197, %dma_start3A_394] : memref<32x1x2560xf32, #tpu.memory_space<hbm>> -> memref<1x1x640xf32, #tpu.memory_space<hbm>>
      %dma_start3A_396 = tpu.memref_squeeze %dma_start3A_395 : memref<1x1x640xf32, #tpu.memory_space<hbm>> -> memref<640xf32, #tpu.memory_space<hbm>>
      %dma_start3A_397 = arith.constant 0 : i32
      %dma_start3A_398 = tpu.memref_slice %arg11[%dma_start3A_397] : memref<656xf32, #tpu.memory_space<vmem>> -> memref<640xf32, #tpu.memory_space<vmem>>
      tpu.enqueue_dma source(%dma_start3A_398 : memref<640xf32, #tpu.memory_space<vmem>>) target(%dma_start3A_396 : memref<640xf32, #tpu.memory_space<hbm>>) target_semaphore(%run_scoped3A_388 : memref<!tpu.dma_semaphore, #tpu.memory_space<semaphore_mem>>)
      %dma_wait3A_399 = arith.constant 0 : i32
      %dma_wait3A_400 = tpu.memref_slice %arg11[%dma_wait3A_399] : memref<656xf32, #tpu.memory_space<vmem>> -> memref<640xf32, #tpu.memory_space<vmem>>
      %dma_wait3A_401 = arith.constant 640 : i32
      %dma_wait3A_402 = tpu.memref_slice %arg6[%add3A, %run_scoped3A_197, %dma_wait3A_401] : memref<32x1x2560xf32, #tpu.memory_space<hbm>> -> memref<1x1x640xf32, #tpu.memory_space<hbm>>
      %dma_wait3A_403 = tpu.memref_squeeze %dma_wait3A_402 : memref<1x1x640xf32, #tpu.memory_space<hbm>> -> memref<640xf32, #tpu.memory_space<hbm>>
      %dma_wait3A_404 = arith.constant 640 : i32
      %dma_wait3A_405 = tpu.memref_slice %arg6[%add3A, %run_scoped3A_197, %dma_wait3A_404] : memref<32x1x2560xf32, #tpu.memory_space<hbm>> -> memref<1x1x640xf32, #tpu.memory_space<hbm>>
      %dma_wait3A_406 = tpu.memref_squeeze %dma_wait3A_405 : memref<1x1x640xf32, #tpu.memory_space<hbm>> -> memref<640xf32, #tpu.memory_space<hbm>>
      %dma_wait3A_407 = arith.constant 0 : i32
      %dma_wait3A_408 = tpu.memref_slice %arg11[%dma_wait3A_407] : memref<656xf32, #tpu.memory_space<vmem>> -> memref<640xf32, #tpu.memory_space<vmem>>
      tpu.wait_dma2 semaphore(%run_scoped3A_388 : memref<!tpu.dma_semaphore, #tpu.memory_space<semaphore_mem>>) src(%dma_wait3A_408 : memref<640xf32, #tpu.memory_space<vmem>>) dst(%dma_wait3A_406 : memref<640xf32, #tpu.memory_space<hbm>>)
      tpu.yield
    }) : () -> ()
    %run_scoped3A_198 = arith.constant 0 : i32
    "tpu.region"() ({
      %run_scoped3A_388 = tpu.sem_alloc : memref<!tpu.dma_semaphore, #tpu.memory_space<semaphore_mem>>
      %dma_start3A_389 = arith.constant 256 : i32
      %dma_start3A_390 = tpu.memref_slice %arg2[%add3A, %run_scoped3A_198, %dma_start3A_389] : memref<32x1x512xi32, #tpu.memory_space<hbm>> -> memref<1x1x128xi32, #tpu.memory_space<hbm>>
      %dma_start3A_391 = tpu.memref_squeeze %dma_start3A_390 : memref<1x1x128xi32, #tpu.memory_space<hbm>> -> memref<128xi32, #tpu.memory_space<hbm>>
      %dma_start3A_392 = arith.constant 256 : i32
      %dma_start3A_393 = tpu.memref_slice %arg2[%add3A, %run_scoped3A_198, %dma_start3A_392] : memref<32x1x512xi32, #tpu.memory_space<hbm>> -> memref<1x1x128xi32, #tpu.memory_space<hbm>>
      %dma_start3A_394 = tpu.memref_squeeze %dma_start3A_393 : memref<1x1x128xi32, #tpu.memory_space<hbm>> -> memref<128xi32, #tpu.memory_space<hbm>>
      tpu.enqueue_dma source(%dma_start3A_394 : memref<128xi32, #tpu.memory_space<hbm>>) target(%arg7 : memref<128xi32, #tpu.memory_space<vmem>>) target_semaphore(%run_scoped3A_388 : memref<!tpu.dma_semaphore, #tpu.memory_space<semaphore_mem>>)
      %dma_wait3A_395 = arith.constant 256 : i32
      %dma_wait3A_396 = tpu.memref_slice %arg2[%add3A, %run_scoped3A_198, %dma_wait3A_395] : memref<32x1x512xi32, #tpu.memory_space<hbm>> -> memref<1x1x128xi32, #tpu.memory_space<hbm>>
      %dma_wait3A_397 = tpu.memref_squeeze %dma_wait3A_396 : memref<1x1x128xi32, #tpu.memory_space<hbm>> -> memref<128xi32, #tpu.memory_space<hbm>>
      %dma_wait3A_398 = arith.constant 256 : i32
      %dma_wait3A_399 = tpu.memref_slice %arg2[%add3A, %run_scoped3A_198, %dma_wait3A_398] : memref<32x1x512xi32, #tpu.memory_space<hbm>> -> memref<1x1x128xi32, #tpu.memory_space<hbm>>
      %dma_wait3A_400 = tpu.memref_squeeze %dma_wait3A_399 : memref<1x1x128xi32, #tpu.memory_space<hbm>> -> memref<128xi32, #tpu.memory_space<hbm>>
      tpu.wait_dma2 semaphore(%run_scoped3A_388 : memref<!tpu.dma_semaphore, #tpu.memory_space<semaphore_mem>>) src(%dma_wait3A_400 : memref<128xi32, #tpu.memory_space<hbm>>) dst(%arg7 : memref<128xi32, #tpu.memory_space<vmem>>)
      tpu.yield
    }) : () -> ()
    %run_scoped3A_199 = arith.constant 0 : i32
    "tpu.region"() ({
      %run_scoped3A_388 = tpu.sem_alloc : memref<!tpu.dma_semaphore, #tpu.memory_space<semaphore_mem>>
      %dma_start3A_389 = arith.constant 1280 : i32
      %dma_start3A_390 = tpu.memref_slice %arg3[%add3A, %run_scoped3A_199, %dma_start3A_389] : memref<32x1x2560xi32, #tpu.memory_space<hbm>> -> memref<1x1x640xi32, #tpu.memory_space<hbm>>
      %dma_start3A_391 = tpu.memref_squeeze %dma_start3A_390 : memref<1x1x640xi32, #tpu.memory_space<hbm>> -> memref<640xi32, #tpu.memory_space<hbm>>
      %dma_start3A_392 = arith.constant 1280 : i32
      %dma_start3A_393 = tpu.memref_slice %arg3[%add3A, %run_scoped3A_199, %dma_start3A_392] : memref<32x1x2560xi32, #tpu.memory_space<hbm>> -> memref<1x1x640xi32, #tpu.memory_space<hbm>>
      %dma_start3A_394 = tpu.memref_squeeze %dma_start3A_393 : memref<1x1x640xi32, #tpu.memory_space<hbm>> -> memref<640xi32, #tpu.memory_space<hbm>>
      tpu.enqueue_dma source(%dma_start3A_394 : memref<640xi32, #tpu.memory_space<hbm>>) target(%arg8 : memref<640xi32, #tpu.memory_space<vmem>>) target_semaphore(%run_scoped3A_388 : memref<!tpu.dma_semaphore, #tpu.memory_space<semaphore_mem>>)
      %dma_wait3A_395 = arith.constant 1280 : i32
      %dma_wait3A_396 = tpu.memref_slice %arg3[%add3A, %run_scoped3A_199, %dma_wait3A_395] : memref<32x1x2560xi32, #tpu.memory_space<hbm>> -> memref<1x1x640xi32, #tpu.memory_space<hbm>>
      %dma_wait3A_397 = tpu.memref_squeeze %dma_wait3A_396 : memref<1x1x640xi32, #tpu.memory_space<hbm>> -> memref<640xi32, #tpu.memory_space<hbm>>
      %dma_wait3A_398 = arith.constant 1280 : i32
      %dma_wait3A_399 = tpu.memref_slice %arg3[%add3A, %run_scoped3A_199, %dma_wait3A_398] : memref<32x1x2560xi32, #tpu.memory_space<hbm>> -> memref<1x1x640xi32, #tpu.memory_space<hbm>>
      %dma_wait3A_400 = tpu.memref_squeeze %dma_wait3A_399 : memref<1x1x640xi32, #tpu.memory_space<hbm>> -> memref<640xi32, #tpu.memory_space<hbm>>
      tpu.wait_dma2 semaphore(%run_scoped3A_388 : memref<!tpu.dma_semaphore, #tpu.memory_space<semaphore_mem>>) src(%dma_wait3A_400 : memref<640xi32, #tpu.memory_space<hbm>>) dst(%arg8 : memref<640xi32, #tpu.memory_space<vmem>>)
      tpu.yield
    }) : () -> ()
    %dma_start3A_200 = arith.constant 0 : i32
    %dma_start3A_201 = arith.constant 0 : i32
    %dma_start3A_202 = tpu.memref_slice %arg4[%dma_start3A_200, %dma_start3A_201] : memref<1000000x128xf32, #tpu.memory_space<hbm>> -> memref<1000000x128xf32, #tpu.memory_space<hbm>>
    tpu.enqueue_indirect_dma source(%dma_start3A_202 : memref<1000000x128xf32, #tpu.memory_space<hbm>>) target(%arg9 : memref<128x128xf32, #tpu.memory_space<vmem>>) offsets(%arg7 : memref<128xi32, #tpu.memory_space<vmem>>) semaphore(%arg12 : memref<!tpu.dma_semaphore, #tpu.memory_space<semaphore_mem>>)
    %dma_start3A_203 = arith.constant 0 : i32
    %dma_start3A_204 = arith.constant 0 : i32
    %dma_start3A_205 = tpu.memref_slice %arg10[%dma_start3A_203, %dma_start3A_204] : memref<640x128xf32, #tpu.memory_space<vmem>> -> memref<128x128xf32, #tpu.memory_space<vmem>>
    %dma_start3A_206 = arith.constant 0 : i32
    %dma_start3A_207 = tpu.memref_slice %arg8[%dma_start3A_206] : memref<640xi32, #tpu.memory_space<vmem>> -> memref<128xi32, #tpu.memory_space<vmem>>
    %dma_start3A_208 = arith.constant 0 : i32
    %dma_start3A_209 = arith.constant 0 : i32
    %dma_start3A_210 = tpu.memref_slice %arg5[%dma_start3A_208, %dma_start3A_209] : memref<1000000x128xf32, #tpu.memory_space<hbm>> -> memref<1000000x128xf32, #tpu.memory_space<hbm>>
    tpu.enqueue_indirect_dma source(%dma_start3A_210 : memref<1000000x128xf32, #tpu.memory_space<hbm>>) target(%dma_start3A_205 : memref<128x128xf32, #tpu.memory_space<vmem>>) offsets(%dma_start3A_207 : memref<128xi32, #tpu.memory_space<vmem>>) semaphore(%arg12 : memref<!tpu.dma_semaphore, #tpu.memory_space<semaphore_mem>>)
    %dma_start3A_211 = arith.constant 128 : i32
    %dma_start3A_212 = arith.constant 0 : i32
    %dma_start3A_213 = tpu.memref_slice %arg10[%dma_start3A_211, %dma_start3A_212] : memref<640x128xf32, #tpu.memory_space<vmem>> -> memref<128x128xf32, #tpu.memory_space<vmem>>
    %dma_start3A_214 = arith.constant 128 : i32
    %dma_start3A_215 = tpu.memref_slice %arg8[%dma_start3A_214] : memref<640xi32, #tpu.memory_space<vmem>> -> memref<128xi32, #tpu.memory_space<vmem>>
    %dma_start3A_216 = arith.constant 0 : i32
    %dma_start3A_217 = arith.constant 0 : i32
    %dma_start3A_218 = tpu.memref_slice %arg5[%dma_start3A_216, %dma_start3A_217] : memref<1000000x128xf32, #tpu.memory_space<hbm>> -> memref<1000000x128xf32, #tpu.memory_space<hbm>>
    tpu.enqueue_indirect_dma source(%dma_start3A_218 : memref<1000000x128xf32, #tpu.memory_space<hbm>>) target(%dma_start3A_213 : memref<128x128xf32, #tpu.memory_space<vmem>>) offsets(%dma_start3A_215 : memref<128xi32, #tpu.memory_space<vmem>>) semaphore(%arg12 : memref<!tpu.dma_semaphore, #tpu.memory_space<semaphore_mem>>)
    %dma_start3A_219 = arith.constant 256 : i32
    %dma_start3A_220 = arith.constant 0 : i32
    %dma_start3A_221 = tpu.memref_slice %arg10[%dma_start3A_219, %dma_start3A_220] : memref<640x128xf32, #tpu.memory_space<vmem>> -> memref<128x128xf32, #tpu.memory_space<vmem>>
    %dma_start3A_222 = arith.constant 256 : i32
    %dma_start3A_223 = tpu.memref_slice %arg8[%dma_start3A_222] : memref<640xi32, #tpu.memory_space<vmem>> -> memref<128xi32, #tpu.memory_space<vmem>>
    %dma_start3A_224 = arith.constant 0 : i32
    %dma_start3A_225 = arith.constant 0 : i32
    %dma_start3A_226 = tpu.memref_slice %arg5[%dma_start3A_224, %dma_start3A_225] : memref<1000000x128xf32, #tpu.memory_space<hbm>> -> memref<1000000x128xf32, #tpu.memory_space<hbm>>
    tpu.enqueue_indirect_dma source(%dma_start3A_226 : memref<1000000x128xf32, #tpu.memory_space<hbm>>) target(%dma_start3A_221 : memref<128x128xf32, #tpu.memory_space<vmem>>) offsets(%dma_start3A_223 : memref<128xi32, #tpu.memory_space<vmem>>) semaphore(%arg12 : memref<!tpu.dma_semaphore, #tpu.memory_space<semaphore_mem>>)
    %dma_start3A_227 = arith.constant 384 : i32
    %dma_start3A_228 = arith.constant 0 : i32
    %dma_start3A_229 = tpu.memref_slice %arg10[%dma_start3A_227, %dma_start3A_228] : memref<640x128xf32, #tpu.memory_space<vmem>> -> memref<128x128xf32, #tpu.memory_space<vmem>>
    %dma_start3A_230 = arith.constant 384 : i32
    %dma_start3A_231 = tpu.memref_slice %arg8[%dma_start3A_230] : memref<640xi32, #tpu.memory_space<vmem>> -> memref<128xi32, #tpu.memory_space<vmem>>
    %dma_start3A_232 = arith.constant 0 : i32
    %dma_start3A_233 = arith.constant 0 : i32
    %dma_start3A_234 = tpu.memref_slice %arg5[%dma_start3A_232, %dma_start3A_233] : memref<1000000x128xf32, #tpu.memory_space<hbm>> -> memref<1000000x128xf32, #tpu.memory_space<hbm>>
    tpu.enqueue_indirect_dma source(%dma_start3A_234 : memref<1000000x128xf32, #tpu.memory_space<hbm>>) target(%dma_start3A_229 : memref<128x128xf32, #tpu.memory_space<vmem>>) offsets(%dma_start3A_231 : memref<128xi32, #tpu.memory_space<vmem>>) semaphore(%arg12 : memref<!tpu.dma_semaphore, #tpu.memory_space<semaphore_mem>>)
    %dma_start3A_235 = arith.constant 512 : i32
    %dma_start3A_236 = arith.constant 0 : i32
    %dma_start3A_237 = tpu.memref_slice %arg10[%dma_start3A_235, %dma_start3A_236] : memref<640x128xf32, #tpu.memory_space<vmem>> -> memref<128x128xf32, #tpu.memory_space<vmem>>
    %dma_start3A_238 = arith.constant 512 : i32
    %dma_start3A_239 = tpu.memref_slice %arg8[%dma_start3A_238] : memref<640xi32, #tpu.memory_space<vmem>> -> memref<128xi32, #tpu.memory_space<vmem>>
    %dma_start3A_240 = arith.constant 0 : i32
    %dma_start3A_241 = arith.constant 0 : i32
    %dma_start3A_242 = tpu.memref_slice %arg5[%dma_start3A_240, %dma_start3A_241] : memref<1000000x128xf32, #tpu.memory_space<hbm>> -> memref<1000000x128xf32, #tpu.memory_space<hbm>>
    tpu.enqueue_indirect_dma source(%dma_start3A_242 : memref<1000000x128xf32, #tpu.memory_space<hbm>>) target(%dma_start3A_237 : memref<128x128xf32, #tpu.memory_space<vmem>>) offsets(%dma_start3A_239 : memref<128xi32, #tpu.memory_space<vmem>>) semaphore(%arg12 : memref<!tpu.dma_semaphore, #tpu.memory_space<semaphore_mem>>)
    %dma_wait3A_243 = arith.constant 0 : i32
    %dma_wait3A_244 = arith.constant 0 : i32
    %dma_wait3A_245 = tpu.memref_slice %arg4[%dma_wait3A_243, %dma_wait3A_244] : memref<1000000x128xf32, #tpu.memory_space<hbm>> -> memref<1000000x128xf32, #tpu.memory_space<hbm>>
    tpu.wait_indirect_dma semaphore(%arg12 : memref<!tpu.dma_semaphore, #tpu.memory_space<semaphore_mem>>) src(%dma_wait3A_245 : memref<1000000x128xf32, #tpu.memory_space<hbm>>) dst(%arg9 : memref<128x128xf32, #tpu.memory_space<vmem>>)
    %dma_wait3A_246 = arith.constant 0 : i32
    %dma_wait3A_247 = arith.constant 0 : i32
    %dma_wait3A_248 = tpu.memref_slice %arg10[%dma_wait3A_246, %dma_wait3A_247] : memref<640x128xf32, #tpu.memory_space<vmem>> -> memref<128x128xf32, #tpu.memory_space<vmem>>
    %dma_wait3A_249 = arith.constant 0 : i32
    %dma_wait3A_250 = tpu.memref_slice %arg8[%dma_wait3A_249] : memref<640xi32, #tpu.memory_space<vmem>> -> memref<128xi32, #tpu.memory_space<vmem>>
    %dma_wait3A_251 = arith.constant 0 : i32
    %dma_wait3A_252 = arith.constant 0 : i32
    %dma_wait3A_253 = tpu.memref_slice %arg5[%dma_wait3A_251, %dma_wait3A_252] : memref<1000000x128xf32, #tpu.memory_space<hbm>> -> memref<1000000x128xf32, #tpu.memory_space<hbm>>
    tpu.wait_indirect_dma semaphore(%arg12 : memref<!tpu.dma_semaphore, #tpu.memory_space<semaphore_mem>>) src(%dma_wait3A_253 : memref<1000000x128xf32, #tpu.memory_space<hbm>>) dst(%dma_wait3A_248 : memref<128x128xf32, #tpu.memory_space<vmem>>)
    %dma_wait3A_254 = arith.constant 128 : i32
    %dma_wait3A_255 = arith.constant 0 : i32
    %dma_wait3A_256 = tpu.memref_slice %arg10[%dma_wait3A_254, %dma_wait3A_255] : memref<640x128xf32, #tpu.memory_space<vmem>> -> memref<128x128xf32, #tpu.memory_space<vmem>>
    %dma_wait3A_257 = arith.constant 128 : i32
    %dma_wait3A_258 = tpu.memref_slice %arg8[%dma_wait3A_257] : memref<640xi32, #tpu.memory_space<vmem>> -> memref<128xi32, #tpu.memory_space<vmem>>
    %dma_wait3A_259 = arith.constant 0 : i32
    %dma_wait3A_260 = arith.constant 0 : i32
    %dma_wait3A_261 = tpu.memref_slice %arg5[%dma_wait3A_259, %dma_wait3A_260] : memref<1000000x128xf32, #tpu.memory_space<hbm>> -> memref<1000000x128xf32, #tpu.memory_space<hbm>>
    tpu.wait_indirect_dma semaphore(%arg12 : memref<!tpu.dma_semaphore, #tpu.memory_space<semaphore_mem>>) src(%dma_wait3A_261 : memref<1000000x128xf32, #tpu.memory_space<hbm>>) dst(%dma_wait3A_256 : memref<128x128xf32, #tpu.memory_space<vmem>>)
    %dma_wait3A_262 = arith.constant 256 : i32
    %dma_wait3A_263 = arith.constant 0 : i32
    %dma_wait3A_264 = tpu.memref_slice %arg10[%dma_wait3A_262, %dma_wait3A_263] : memref<640x128xf32, #tpu.memory_space<vmem>> -> memref<128x128xf32, #tpu.memory_space<vmem>>
    %dma_wait3A_265 = arith.constant 256 : i32
    %dma_wait3A_266 = tpu.memref_slice %arg8[%dma_wait3A_265] : memref<640xi32, #tpu.memory_space<vmem>> -> memref<128xi32, #tpu.memory_space<vmem>>
    %dma_wait3A_267 = arith.constant 0 : i32
    %dma_wait3A_268 = arith.constant 0 : i32
    %dma_wait3A_269 = tpu.memref_slice %arg5[%dma_wait3A_267, %dma_wait3A_268] : memref<1000000x128xf32, #tpu.memory_space<hbm>> -> memref<1000000x128xf32, #tpu.memory_space<hbm>>
    tpu.wait_indirect_dma semaphore(%arg12 : memref<!tpu.dma_semaphore, #tpu.memory_space<semaphore_mem>>) src(%dma_wait3A_269 : memref<1000000x128xf32, #tpu.memory_space<hbm>>) dst(%dma_wait3A_264 : memref<128x128xf32, #tpu.memory_space<vmem>>)
    %dma_wait3A_270 = arith.constant 384 : i32
    %dma_wait3A_271 = arith.constant 0 : i32
    %dma_wait3A_272 = tpu.memref_slice %arg10[%dma_wait3A_270, %dma_wait3A_271] : memref<640x128xf32, #tpu.memory_space<vmem>> -> memref<128x128xf32, #tpu.memory_space<vmem>>
    %dma_wait3A_273 = arith.constant 384 : i32
    %dma_wait3A_274 = tpu.memref_slice %arg8[%dma_wait3A_273] : memref<640xi32, #tpu.memory_space<vmem>> -> memref<128xi32, #tpu.memory_space<vmem>>
    %dma_wait3A_275 = arith.constant 0 : i32
    %dma_wait3A_276 = arith.constant 0 : i32
    %dma_wait3A_277 = tpu.memref_slice %arg5[%dma_wait3A_275, %dma_wait3A_276] : memref<1000000x128xf32, #tpu.memory_space<hbm>> -> memref<1000000x128xf32, #tpu.memory_space<hbm>>
    tpu.wait_indirect_dma semaphore(%arg12 : memref<!tpu.dma_semaphore, #tpu.memory_space<semaphore_mem>>) src(%dma_wait3A_277 : memref<1000000x128xf32, #tpu.memory_space<hbm>>) dst(%dma_wait3A_272 : memref<128x128xf32, #tpu.memory_space<vmem>>)
    %dma_wait3A_278 = arith.constant 512 : i32
    %dma_wait3A_279 = arith.constant 0 : i32
    %dma_wait3A_280 = tpu.memref_slice %arg10[%dma_wait3A_278, %dma_wait3A_279] : memref<640x128xf32, #tpu.memory_space<vmem>> -> memref<128x128xf32, #tpu.memory_space<vmem>>
    %dma_wait3A_281 = arith.constant 512 : i32
    %dma_wait3A_282 = tpu.memref_slice %arg8[%dma_wait3A_281] : memref<640xi32, #tpu.memory_space<vmem>> -> memref<128xi32, #tpu.memory_space<vmem>>
    %dma_wait3A_283 = arith.constant 0 : i32
    %dma_wait3A_284 = arith.constant 0 : i32
    %dma_wait3A_285 = tpu.memref_slice %arg5[%dma_wait3A_283, %dma_wait3A_284] : memref<1000000x128xf32, #tpu.memory_space<hbm>> -> memref<1000000x128xf32, #tpu.memory_space<hbm>>
    tpu.wait_indirect_dma semaphore(%arg12 : memref<!tpu.dma_semaphore, #tpu.memory_space<semaphore_mem>>) src(%dma_wait3A_285 : memref<1000000x128xf32, #tpu.memory_space<hbm>>) dst(%dma_wait3A_280 : memref<128x128xf32, #tpu.memory_space<vmem>>)
    %scan3A_286 = arith.constant 0 : i32
    %scan3A_287 = arith.constant 0 : i32
    %scan3A_288 = arith.constant 128 : i32
    %scan3A_289 = arith.addi %scan3A_287, %scan3A_288 : i32
    %scan3A_290 = arith.constant 1 : i32
    scf.for %scan3A_388 = %scan3A_287 to %scan3A_289 step %scan3A_290  : i32 {
      %get3A = arith.index_cast %scan3A_388 : i32 to index
      %get3A_389 = arith.constant 0 : index
      %get3A_390 = tpu.vector_load %arg9[%get3A, %get3A_389] {strides = array<i32>} : memref<128x128xf32, #tpu.memory_space<vmem>>, vector<1x16xf32>,
      %get3A_391 = vector.shape_cast %get3A_390 : vector<1x16xf32> to vector<16xf32>
      %get3A_392 = arith.index_cast %scan3A_388 : i32 to index
      %get3A_393 = arith.constant 16 : index
      %get3A_394 = tpu.vector_load %arg9[%get3A_392, %get3A_393] {strides = array<i32>} : memref<128x128xf32, #tpu.memory_space<vmem>>, vector<1x16xf32>,
      %get3A_395 = vector.shape_cast %get3A_394 : vector<1x16xf32> to vector<16xf32>
      %get3A_396 = arith.index_cast %scan3A_388 : i32 to index
      %get3A_397 = arith.constant 32 : index
      %get3A_398 = tpu.vector_load %arg9[%get3A_396, %get3A_397] {strides = array<i32>} : memref<128x128xf32, #tpu.memory_space<vmem>>, vector<1x16xf32>,
      %get3A_399 = vector.shape_cast %get3A_398 : vector<1x16xf32> to vector<16xf32>
      %get3A_400 = arith.index_cast %scan3A_388 : i32 to index
      %get3A_401 = arith.constant 48 : index
      %get3A_402 = tpu.vector_load %arg9[%get3A_400, %get3A_401] {strides = array<i32>} : memref<128x128xf32, #tpu.memory_space<vmem>>, vector<1x16xf32>,
      %get3A_403 = vector.shape_cast %get3A_402 : vector<1x16xf32> to vector<16xf32>
      %mul3A_404 = arith.constant 5 : i32
      %mul3A_405 = arith.muli %scan3A_388, %mul3A_404 : i32
      %add3A_406 = arith.constant 0 : i32
      %add3A_407 = arith.addi %mul3A_405, %add3A_406 : i32
      %get3A_408 = arith.index_cast %add3A_407 : i32 to index
      %get3A_409 = arith.constant 0 : index
      %get3A_410 = tpu.vector_load %arg10[%get3A_408, %get3A_409] {strides = array<i32>} : memref<640x128xf32, #tpu.memory_space<vmem>>, vector<1x16xf32>,
      %get3A_411 = vector.shape_cast %get3A_410 : vector<1x16xf32> to vector<16xf32>
      %mul3A_412 = arith.mulf %get3A_391, %get3A_411 : vector<16xf32>
      %get3A_413 = arith.index_cast %add3A_407 : i32 to index
      %get3A_414 = arith.constant 16 : index
      %get3A_415 = tpu.vector_load %arg10[%get3A_413, %get3A_414] {strides = array<i32>} : memref<640x128xf32, #tpu.memory_space<vmem>>, vector<1x16xf32>,
      %get3A_416 = vector.shape_cast %get3A_415 : vector<1x16xf32> to vector<16xf32>
      %mul3A_417 = arith.mulf %get3A_395, %get3A_416 : vector<16xf32>
      %add3A_418 = arith.addf %mul3A_412, %mul3A_417 : vector<16xf32>
      %get3A_419 = arith.index_cast %add3A_407 : i32 to index
      %get3A_420 = arith.constant 32 : index
      %get3A_421 = tpu.vector_load %arg10[%get3A_419, %get3A_420] {strides = array<i32>} : memref<640x128xf32, #tpu.memory_space<vmem>>, vector<1x16xf32>,
      %get3A_422 = vector.shape_cast %get3A_421 : vector<1x16xf32> to vector<16xf32>
      %mul3A_423 = arith.mulf %get3A_399, %get3A_422 : vector<16xf32>
      %add3A_424 = arith.addf %add3A_418, %mul3A_423 : vector<16xf32>
      %get3A_425 = arith.index_cast %add3A_407 : i32 to index
      %get3A_426 = arith.constant 48 : index
      %get3A_427 = tpu.vector_load %arg10[%get3A_425, %get3A_426] {strides = array<i32>} : memref<640x128xf32, #tpu.memory_space<vmem>>, vector<1x16xf32>,
      %get3A_428 = vector.shape_cast %get3A_427 : vector<1x16xf32> to vector<16xf32>
      %mul3A_429 = arith.mulf %get3A_403, %get3A_428 : vector<16xf32>
      %add3A_430 = arith.addf %add3A_424, %mul3A_429 : vector<16xf32>
      %broadcast_in_dim3A = vector.shape_cast %xor3A_2 : vector<16xi32> to vector<16x1xi32>
      %gather3A = vector.shape_cast %broadcast_in_dim3A : vector<16x1xi32> to vector<16xi32>
      %gather3A_431 = tpu.dynamic_gather %add3A_430[%gather3A] in [0] : vector<16xf32>, vector<16xi32> -> vector<16xf32>
      %add3A_432 = arith.addf %add3A_430, %gather3A_431 : vector<16xf32>
      %broadcast_in_dim3A_433 = vector.shape_cast %xor3A_5 : vector<16xi32> to vector<16x1xi32>
      %gather3A_434 = vector.shape_cast %broadcast_in_dim3A_433 : vector<16x1xi32> to vector<16xi32>
      %gather3A_435 = tpu.dynamic_gather %add3A_432[%gather3A_434] in [0] : vector<16xf32>, vector<16xi32> -> vector<16xf32>
      %add3A_436 = arith.addf %add3A_432, %gather3A_435 : vector<16xf32>
      %broadcast_in_dim3A_437 = vector.shape_cast %xor3A_8 : vector<16xi32> to vector<16x1xi32>
      %gather3A_438 = vector.shape_cast %broadcast_in_dim3A_437 : vector<16x1xi32> to vector<16xi32>
      %gather3A_439 = tpu.dynamic_gather %add3A_436[%gather3A_438] in [0] : vector<16xf32>, vector<16xi32> -> vector<16xf32>
      %add3A_440 = arith.addf %add3A_436, %gather3A_439 : vector<16xf32>
      %broadcast_in_dim3A_441 = vector.shape_cast %xor3A_11 : vector<16xi32> to vector<16x1xi32>
      %gather3A_442 = vector.shape_cast %broadcast_in_dim3A_441 : vector<16x1xi32> to vector<16xi32>
      %gather3A_443 = tpu.dynamic_gather %add3A_440[%gather3A_442] in [0] : vector<16xf32>, vector<16xi32> -> vector<16xf32>
      %add3A_444 = arith.addf %add3A_440, %gather3A_443 : vector<16xf32>
      %mul3A_445 = arith.constant 5 : i32
      %mul3A_446 = arith.muli %scan3A_388, %mul3A_445 : i32
      %add3A_447 = arith.constant 1 : i32
      %add3A_448 = arith.addi %mul3A_446, %add3A_447 : i32
      %get3A_449 = arith.index_cast %add3A_448 : i32 to index
      %get3A_450 = arith.constant 0 : index
      %get3A_451 = tpu.vector_load %arg10[%get3A_449, %get3A_450] {strides = array<i32>} : memref<640x128xf32, #tpu.memory_space<vmem>>, vector<1x16xf32>,
      %get3A_452 = vector.shape_cast %get3A_451 : vector<1x16xf32> to vector<16xf32>
      %mul3A_453 = arith.mulf %get3A_391, %get3A_452 : vector<16xf32>
      %get3A_454 = arith.index_cast %add3A_448 : i32 to index
      %get3A_455 = arith.constant 16 : index
      %get3A_456 = tpu.vector_load %arg10[%get3A_454, %get3A_455] {strides = array<i32>} : memref<640x128xf32, #tpu.memory_space<vmem>>, vector<1x16xf32>,
      %get3A_457 = vector.shape_cast %get3A_456 : vector<1x16xf32> to vector<16xf32>
      %mul3A_458 = arith.mulf %get3A_395, %get3A_457 : vector<16xf32>
      %add3A_459 = arith.addf %mul3A_453, %mul3A_458 : vector<16xf32>
      %get3A_460 = arith.index_cast %add3A_448 : i32 to index
      %get3A_461 = arith.constant 32 : index
      %get3A_462 = tpu.vector_load %arg10[%get3A_460, %get3A_461] {strides = array<i32>} : memref<640x128xf32, #tpu.memory_space<vmem>>, vector<1x16xf32>,
      %get3A_463 = vector.shape_cast %get3A_462 : vector<1x16xf32> to vector<16xf32>
      %mul3A_464 = arith.mulf %get3A_399, %get3A_463 : vector<16xf32>
      %add3A_465 = arith.addf %add3A_459, %mul3A_464 : vector<16xf32>
      %get3A_466 = arith.index_cast %add3A_448 : i32 to index
      %get3A_467 = arith.constant 48 : index
      %get3A_468 = tpu.vector_load %arg10[%get3A_466, %get3A_467] {strides = array<i32>} : memref<640x128xf32, #tpu.memory_space<vmem>>, vector<1x16xf32>,
      %get3A_469 = vector.shape_cast %get3A_468 : vector<1x16xf32> to vector<16xf32>
      %mul3A_470 = arith.mulf %get3A_403, %get3A_469 : vector<16xf32>
      %add3A_471 = arith.addf %add3A_465, %mul3A_470 : vector<16xf32>
      %broadcast_in_dim3A_472 = vector.shape_cast %xor3A_2 : vector<16xi32> to vector<16x1xi32>
      %gather3A_473 = vector.shape_cast %broadcast_in_dim3A_472 : vector<16x1xi32> to vector<16xi32>
      %gather3A_474 = tpu.dynamic_gather %add3A_471[%gather3A_473] in [0] : vector<16xf32>, vector<16xi32> -> vector<16xf32>
      %add3A_475 = arith.addf %add3A_471, %gather3A_474 : vector<16xf32>
      %broadcast_in_dim3A_476 = vector.shape_cast %xor3A_5 : vector<16xi32> to vector<16x1xi32>
      %gather3A_477 = vector.shape_cast %broadcast_in_dim3A_476 : vector<16x1xi32> to vector<16xi32>
      %gather3A_478 = tpu.dynamic_gather %add3A_475[%gather3A_477] in [0] : vector<16xf32>, vector<16xi32> -> vector<16xf32>
      %add3A_479 = arith.addf %add3A_475, %gather3A_478 : vector<16xf32>
      %broadcast_in_dim3A_480 = vector.shape_cast %xor3A_8 : vector<16xi32> to vector<16x1xi32>
      %gather3A_481 = vector.shape_cast %broadcast_in_dim3A_480 : vector<16x1xi32> to vector<16xi32>
      %gather3A_482 = tpu.dynamic_gather %add3A_479[%gather3A_481] in [0] : vector<16xf32>, vector<16xi32> -> vector<16xf32>
      %add3A_483 = arith.addf %add3A_479, %gather3A_482 : vector<16xf32>
      %broadcast_in_dim3A_484 = vector.shape_cast %xor3A_11 : vector<16xi32> to vector<16x1xi32>
      %gather3A_485 = vector.shape_cast %broadcast_in_dim3A_484 : vector<16x1xi32> to vector<16xi32>
      %gather3A_486 = tpu.dynamic_gather %add3A_483[%gather3A_485] in [0] : vector<16xf32>, vector<16xi32> -> vector<16xf32>
      %add3A_487 = arith.addf %add3A_483, %gather3A_486 : vector<16xf32>
      %eq3A = arith.constant 1 : i32
      %eq3A_488 = vector.broadcast %eq3A : i32 to vector<16xi32>
      %eq3A_489 = arith.cmpi eq, %iota3A, %eq3A_488 : vector<16xi32>
      %select_n3A = arith.select %eq3A_489, %add3A_487, %add3A_444 : vector<16xi1>, vector<16xf32>
      %mul3A_490 = arith.constant 5 : i32
      %mul3A_491 = arith.muli %scan3A_388, %mul3A_490 : i32
      %add3A_492 = arith.constant 2 : i32
      %add3A_493 = arith.addi %mul3A_491, %add3A_492 : i32
      %get3A_494 = arith.index_cast %add3A_493 : i32 to index
      %get3A_495 = arith.constant 0 : index
      %get3A_496 = tpu.vector_load %arg10[%get3A_494, %get3A_495] {strides = array<i32>} : memref<640x128xf32, #tpu.memory_space<vmem>>, vector<1x16xf32>,
      %get3A_497 = vector.shape_cast %get3A_496 : vector<1x16xf32> to vector<16xf32>
      %mul3A_498 = arith.mulf %get3A_391, %get3A_497 : vector<16xf32>
      %get3A_499 = arith.index_cast %add3A_493 : i32 to index
      %get3A_500 = arith.constant 16 : index
      %get3A_501 = tpu.vector_load %arg10[%get3A_499, %get3A_500] {strides = array<i32>} : memref<640x128xf32, #tpu.memory_space<vmem>>, vector<1x16xf32>,
      %get3A_502 = vector.shape_cast %get3A_501 : vector<1x16xf32> to vector<16xf32>
      %mul3A_503 = arith.mulf %get3A_395, %get3A_502 : vector<16xf32>
      %add3A_504 = arith.addf %mul3A_498, %mul3A_503 : vector<16xf32>
      %get3A_505 = arith.index_cast %add3A_493 : i32 to index
      %get3A_506 = arith.constant 32 : index
      %get3A_507 = tpu.vector_load %arg10[%get3A_505, %get3A_506] {strides = array<i32>} : memref<640x128xf32, #tpu.memory_space<vmem>>, vector<1x16xf32>,
      %get3A_508 = vector.shape_cast %get3A_507 : vector<1x16xf32> to vector<16xf32>
      %mul3A_509 = arith.mulf %get3A_399, %get3A_508 : vector<16xf32>
      %add3A_510 = arith.addf %add3A_504, %mul3A_509 : vector<16xf32>
      %get3A_511 = arith.index_cast %add3A_493 : i32 to index
      %get3A_512 = arith.constant 48 : index
      %get3A_513 = tpu.vector_load %arg10[%get3A_511, %get3A_512] {strides = array<i32>} : memref<640x128xf32, #tpu.memory_space<vmem>>, vector<1x16xf32>,
      %get3A_514 = vector.shape_cast %get3A_513 : vector<1x16xf32> to vector<16xf32>
      %mul3A_515 = arith.mulf %get3A_403, %get3A_514 : vector<16xf32>
      %add3A_516 = arith.addf %add3A_510, %mul3A_515 : vector<16xf32>
      %broadcast_in_dim3A_517 = vector.shape_cast %xor3A_2 : vector<16xi32> to vector<16x1xi32>
      %gather3A_518 = vector.shape_cast %broadcast_in_dim3A_517 : vector<16x1xi32> to vector<16xi32>
      %gather3A_519 = tpu.dynamic_gather %add3A_516[%gather3A_518] in [0] : vector<16xf32>, vector<16xi32> -> vector<16xf32>
      %add3A_520 = arith.addf %add3A_516, %gather3A_519 : vector<16xf32>
      %broadcast_in_dim3A_521 = vector.shape_cast %xor3A_5 : vector<16xi32> to vector<16x1xi32>
      %gather3A_522 = vector.shape_cast %broadcast_in_dim3A_521 : vector<16x1xi32> to vector<16xi32>
      %gather3A_523 = tpu.dynamic_gather %add3A_520[%gather3A_522] in [0] : vector<16xf32>, vector<16xi32> -> vector<16xf32>
      %add3A_524 = arith.addf %add3A_520, %gather3A_523 : vector<16xf32>
      %broadcast_in_dim3A_525 = vector.shape_cast %xor3A_8 : vector<16xi32> to vector<16x1xi32>
      %gather3A_526 = vector.shape_cast %broadcast_in_dim3A_525 : vector<16x1xi32> to vector<16xi32>
      %gather3A_527 = tpu.dynamic_gather %add3A_524[%gather3A_526] in [0] : vector<16xf32>, vector<16xi32> -> vector<16xf32>
      %add3A_528 = arith.addf %add3A_524, %gather3A_527 : vector<16xf32>
      %broadcast_in_dim3A_529 = vector.shape_cast %xor3A_11 : vector<16xi32> to vector<16x1xi32>
      %gather3A_530 = vector.shape_cast %broadcast_in_dim3A_529 : vector<16x1xi32> to vector<16xi32>
      %gather3A_531 = tpu.dynamic_gather %add3A_528[%gather3A_530] in [0] : vector<16xf32>, vector<16xi32> -> vector<16xf32>
      %add3A_532 = arith.addf %add3A_528, %gather3A_531 : vector<16xf32>
      %eq3A_533 = arith.constant 2 : i32
      %eq3A_534 = vector.broadcast %eq3A_533 : i32 to vector<16xi32>
      %eq3A_535 = arith.cmpi eq, %iota3A, %eq3A_534 : vector<16xi32>
      %select_n3A_536 = arith.select %eq3A_535, %add3A_532, %select_n3A : vector<16xi1>, vector<16xf32>
      %mul3A_537 = arith.constant 5 : i32
      %mul3A_538 = arith.muli %scan3A_388, %mul3A_537 : i32
      %add3A_539 = arith.constant 3 : i32
      %add3A_540 = arith.addi %mul3A_538, %add3A_539 : i32
      %get3A_541 = arith.index_cast %add3A_540 : i32 to index
      %get3A_542 = arith.constant 0 : index
      %get3A_543 = tpu.vector_load %arg10[%get3A_541, %get3A_542] {strides = array<i32>} : memref<640x128xf32, #tpu.memory_space<vmem>>, vector<1x16xf32>,
      %get3A_544 = vector.shape_cast %get3A_543 : vector<1x16xf32> to vector<16xf32>
      %mul3A_545 = arith.mulf %get3A_391, %get3A_544 : vector<16xf32>
      %get3A_546 = arith.index_cast %add3A_540 : i32 to index
      %get3A_547 = arith.constant 16 : index
      %get3A_548 = tpu.vector_load %arg10[%get3A_546, %get3A_547] {strides = array<i32>} : memref<640x128xf32, #tpu.memory_space<vmem>>, vector<1x16xf32>,
      %get3A_549 = vector.shape_cast %get3A_548 : vector<1x16xf32> to vector<16xf32>
      %mul3A_550 = arith.mulf %get3A_395, %get3A_549 : vector<16xf32>
      %add3A_551 = arith.addf %mul3A_545, %mul3A_550 : vector<16xf32>
      %get3A_552 = arith.index_cast %add3A_540 : i32 to index
      %get3A_553 = arith.constant 32 : index
      %get3A_554 = tpu.vector_load %arg10[%get3A_552, %get3A_553] {strides = array<i32>} : memref<640x128xf32, #tpu.memory_space<vmem>>, vector<1x16xf32>,
      %get3A_555 = vector.shape_cast %get3A_554 : vector<1x16xf32> to vector<16xf32>
      %mul3A_556 = arith.mulf %get3A_399, %get3A_555 : vector<16xf32>
      %add3A_557 = arith.addf %add3A_551, %mul3A_556 : vector<16xf32>
      %get3A_558 = arith.index_cast %add3A_540 : i32 to index
      %get3A_559 = arith.constant 48 : index
      %get3A_560 = tpu.vector_load %arg10[%get3A_558, %get3A_559] {strides = array<i32>} : memref<640x128xf32, #tpu.memory_space<vmem>>, vector<1x16xf32>,
      %get3A_561 = vector.shape_cast %get3A_560 : vector<1x16xf32> to vector<16xf32>
      %mul3A_562 = arith.mulf %get3A_403, %get3A_561 : vector<16xf32>
      %add3A_563 = arith.addf %add3A_557, %mul3A_562 : vector<16xf32>
      %broadcast_in_dim3A_564 = vector.shape_cast %xor3A_2 : vector<16xi32> to vector<16x1xi32>
      %gather3A_565 = vector.shape_cast %broadcast_in_dim3A_564 : vector<16x1xi32> to vector<16xi32>
      %gather3A_566 = tpu.dynamic_gather %add3A_563[%gather3A_565] in [0] : vector<16xf32>, vector<16xi32> -> vector<16xf32>
      %add3A_567 = arith.addf %add3A_563, %gather3A_566 : vector<16xf32>
      %broadcast_in_dim3A_568 = vector.shape_cast %xor3A_5 : vector<16xi32> to vector<16x1xi32>
      %gather3A_569 = vector.shape_cast %broadcast_in_dim3A_568 : vector<16x1xi32> to vector<16xi32>
      %gather3A_570 = tpu.dynamic_gather %add3A_567[%gather3A_569] in [0] : vector<16xf32>, vector<16xi32> -> vector<16xf32>
      %add3A_571 = arith.addf %add3A_567, %gather3A_570 : vector<16xf32>
      %broadcast_in_dim3A_572 = vector.shape_cast %xor3A_8 : vector<16xi32> to vector<16x1xi32>
      %gather3A_573 = vector.shape_cast %broadcast_in_dim3A_572 : vector<16x1xi32> to vector<16xi32>
      %gather3A_574 = tpu.dynamic_gather %add3A_571[%gather3A_573] in [0] : vector<16xf32>, vector<16xi32> -> vector<16xf32>
      %add3A_575 = arith.addf %add3A_571, %gather3A_574 : vector<16xf32>
      %broadcast_in_dim3A_576 = vector.shape_cast %xor3A_11 : vector<16xi32> to vector<16x1xi32>
      %gather3A_577 = vector.shape_cast %broadcast_in_dim3A_576 : vector<16x1xi32> to vector<16xi32>
      %gather3A_578 = tpu.dynamic_gather %add3A_575[%gather3A_577] in [0] : vector<16xf32>, vector<16xi32> -> vector<16xf32>
      %add3A_579 = arith.addf %add3A_575, %gather3A_578 : vector<16xf32>
      %eq3A_580 = arith.constant 3 : i32
      %eq3A_581 = vector.broadcast %eq3A_580 : i32 to vector<16xi32>
      %eq3A_582 = arith.cmpi eq, %iota3A, %eq3A_581 : vector<16xi32>
      %select_n3A_583 = arith.select %eq3A_582, %add3A_579, %select_n3A_536 : vector<16xi1>, vector<16xf32>
      %mul3A_584 = arith.constant 5 : i32
      %mul3A_585 = arith.muli %scan3A_388, %mul3A_584 : i32
      %add3A_586 = arith.constant 4 : i32
      %add3A_587 = arith.addi %mul3A_585, %add3A_586 : i32
      %get3A_588 = arith.index_cast %add3A_587 : i32 to index
      %get3A_589 = arith.constant 0 : index
      %get3A_590 = tpu.vector_load %arg10[%get3A_588, %get3A_589] {strides = array<i32>} : memref<640x128xf32, #tpu.memory_space<vmem>>, vector<1x16xf32>,
      %get3A_591 = vector.shape_cast %get3A_590 : vector<1x16xf32> to vector<16xf32>
      %mul3A_592 = arith.mulf %get3A_391, %get3A_591 : vector<16xf32>
      %get3A_593 = arith.index_cast %add3A_587 : i32 to index
      %get3A_594 = arith.constant 16 : index
      %get3A_595 = tpu.vector_load %arg10[%get3A_593, %get3A_594] {strides = array<i32>} : memref<640x128xf32, #tpu.memory_space<vmem>>, vector<1x16xf32>,
      %get3A_596 = vector.shape_cast %get3A_595 : vector<1x16xf32> to vector<16xf32>
      %mul3A_597 = arith.mulf %get3A_395, %get3A_596 : vector<16xf32>
      %add3A_598 = arith.addf %mul3A_592, %mul3A_597 : vector<16xf32>
      %get3A_599 = arith.index_cast %add3A_587 : i32 to index
      %get3A_600 = arith.constant 32 : index
      %get3A_601 = tpu.vector_load %arg10[%get3A_599, %get3A_600] {strides = array<i32>} : memref<640x128xf32, #tpu.memory_space<vmem>>, vector<1x16xf32>,
      %get3A_602 = vector.shape_cast %get3A_601 : vector<1x16xf32> to vector<16xf32>
      %mul3A_603 = arith.mulf %get3A_399, %get3A_602 : vector<16xf32>
      %add3A_604 = arith.addf %add3A_598, %mul3A_603 : vector<16xf32>
      %get3A_605 = arith.index_cast %add3A_587 : i32 to index
      %get3A_606 = arith.constant 48 : index
      %get3A_607 = tpu.vector_load %arg10[%get3A_605, %get3A_606] {strides = array<i32>} : memref<640x128xf32, #tpu.memory_space<vmem>>, vector<1x16xf32>,
      %get3A_608 = vector.shape_cast %get3A_607 : vector<1x16xf32> to vector<16xf32>
      %mul3A_609 = arith.mulf %get3A_403, %get3A_608 : vector<16xf32>
      %add3A_610 = arith.addf %add3A_604, %mul3A_609 : vector<16xf32>
      %broadcast_in_dim3A_611 = vector.shape_cast %xor3A_2 : vector<16xi32> to vector<16x1xi32>
      %gather3A_612 = vector.shape_cast %broadcast_in_dim3A_611 : vector<16x1xi32> to vector<16xi32>
      %gather3A_613 = tpu.dynamic_gather %add3A_610[%gather3A_612] in [0] : vector<16xf32>, vector<16xi32> -> vector<16xf32>
      %add3A_614 = arith.addf %add3A_610, %gather3A_613 : vector<16xf32>
      %broadcast_in_dim3A_615 = vector.shape_cast %xor3A_5 : vector<16xi32> to vector<16x1xi32>
      %gather3A_616 = vector.shape_cast %broadcast_in_dim3A_615 : vector<16x1xi32> to vector<16xi32>
      %gather3A_617 = tpu.dynamic_gather %add3A_614[%gather3A_616] in [0] : vector<16xf32>, vector<16xi32> -> vector<16xf32>
      %add3A_618 = arith.addf %add3A_614, %gather3A_617 : vector<16xf32>
      %broadcast_in_dim3A_619 = vector.shape_cast %xor3A_8 : vector<16xi32> to vector<16x1xi32>
      %gather3A_620 = vector.shape_cast %broadcast_in_dim3A_619 : vector<16x1xi32> to vector<16xi32>
      %gather3A_621 = tpu.dynamic_gather %add3A_618[%gather3A_620] in [0] : vector<16xf32>, vector<16xi32> -> vector<16xf32>
      %add3A_622 = arith.addf %add3A_618, %gather3A_621 : vector<16xf32>
      %broadcast_in_dim3A_623 = vector.shape_cast %xor3A_11 : vector<16xi32> to vector<16x1xi32>
      %gather3A_624 = vector.shape_cast %broadcast_in_dim3A_623 : vector<16x1xi32> to vector<16xi32>
      %gather3A_625 = tpu.dynamic_gather %add3A_622[%gather3A_624] in [0] : vector<16xf32>, vector<16xi32> -> vector<16xf32>
      %add3A_626 = arith.addf %add3A_622, %gather3A_625 : vector<16xf32>
      %eq3A_627 = arith.constant 4 : i32
      %eq3A_628 = vector.broadcast %eq3A_627 : i32 to vector<16xi32>
      %eq3A_629 = arith.cmpi eq, %iota3A, %eq3A_628 : vector<16xi32>
      %select_n3A_630 = arith.select %eq3A_629, %add3A_626, %select_n3A_583 : vector<16xi1>, vector<16xf32>
      %mul3A_631 = arith.constant 5 : i32
      %mul3A_632 = arith.muli %scan3A_388, %mul3A_631 : i32
      %swap3A = arith.index_cast %mul3A_632 : i32 to index
      %swap3A_633 = tpu.vector_load %arg11[%swap3A] {strides = array<i32>} : memref<656xf32, #tpu.memory_space<vmem>>, vector<16xf32>,
      %swap3A_634 = vector.shape_cast %swap3A_633 : vector<16xf32> to vector<16xf32>
      %swap3A_635 = vector.shape_cast %select_n3A_630 : vector<16xf32> to vector<16xf32>
      tpu.vector_store %arg11[%swap3A], %swap3A_635 {strides = array<i32>} : memref<656xf32, #tpu.memory_space<vmem>>, vector<16xf32>,
    }
    %scan3A_291 = arith.constant 128 : i32
    %run_scoped3A_292 = arith.constant 0 : i32
    "tpu.region"() ({
      %run_scoped3A_388 = tpu.sem_alloc : memref<!tpu.dma_semaphore, #tpu.memory_space<semaphore_mem>>
      %dma_start3A_389 = arith.constant 0 : i32
      %dma_start3A_390 = tpu.memref_slice %arg11[%dma_start3A_389] : memref<656xf32, #tpu.memory_space<vmem>> -> memref<640xf32, #tpu.memory_space<vmem>>
      %dma_start3A_391 = arith.constant 1280 : i32
      %dma_start3A_392 = tpu.memref_slice %arg6[%add3A, %run_scoped3A_292, %dma_start3A_391] : memref<32x1x2560xf32, #tpu.memory_space<hbm>> -> memref<1x1x640xf32, #tpu.memory_space<hbm>>
      %dma_start3A_393 = tpu.memref_squeeze %dma_start3A_392 : memref<1x1x640xf32, #tpu.memory_space<hbm>> -> memref<640xf32, #tpu.memory_space<hbm>>
      %dma_start3A_394 = arith.constant 1280 : i32
      %dma_start3A_395 = tpu.memref_slice %arg6[%add3A, %run_scoped3A_292, %dma_start3A_394] : memref<32x1x2560xf32, #tpu.memory_space<hbm>> -> memref<1x1x640xf32, #tpu.memory_space<hbm>>
      %dma_start3A_396 = tpu.memref_squeeze %dma_start3A_395 : memref<1x1x640xf32, #tpu.memory_space<hbm>> -> memref<640xf32, #tpu.memory_space<hbm>>
      %dma_start3A_397 = arith.constant 0 : i32
      %dma_start3A_398 = tpu.memref_slice %arg11[%dma_start3A_397] : memref<656xf32, #tpu.memory_space<vmem>> -> memref<640xf32, #tpu.memory_space<vmem>>
      tpu.enqueue_dma source(%dma_start3A_398 : memref<640xf32, #tpu.memory_space<vmem>>) target(%dma_start3A_396 : memref<640xf32, #tpu.memory_space<hbm>>) target_semaphore(%run_scoped3A_388 : memref<!tpu.dma_semaphore, #tpu.memory_space<semaphore_mem>>)
      %dma_wait3A_399 = arith.constant 0 : i32
      %dma_wait3A_400 = tpu.memref_slice %arg11[%dma_wait3A_399] : memref<656xf32, #tpu.memory_space<vmem>> -> memref<640xf32, #tpu.memory_space<vmem>>
      %dma_wait3A_401 = arith.constant 1280 : i32
      %dma_wait3A_402 = tpu.memref_slice %arg6[%add3A, %run_scoped3A_292, %dma_wait3A_401] : memref<32x1x2560xf32, #tpu.memory_space<hbm>> -> memref<1x1x640xf32, #tpu.memory_space<hbm>>
      %dma_wait3A_403 = tpu.memref_squeeze %dma_wait3A_402 : memref<1x1x640xf32, #tpu.memory_space<hbm>> -> memref<640xf32, #tpu.memory_space<hbm>>
      %dma_wait3A_404 = arith.constant 1280 : i32
      %dma_wait3A_405 = tpu.memref_slice %arg6[%add3A, %run_scoped3A_292, %dma_wait3A_404] : memref<32x1x2560xf32, #tpu.memory_space<hbm>> -> memref<1x1x640xf32, #tpu.memory_space<hbm>>
      %dma_wait3A_406 = tpu.memref_squeeze %dma_wait3A_405 : memref<1x1x640xf32, #tpu.memory_space<hbm>> -> memref<640xf32, #tpu.memory_space<hbm>>
      %dma_wait3A_407 = arith.constant 0 : i32
      %dma_wait3A_408 = tpu.memref_slice %arg11[%dma_wait3A_407] : memref<656xf32, #tpu.memory_space<vmem>> -> memref<640xf32, #tpu.memory_space<vmem>>
      tpu.wait_dma2 semaphore(%run_scoped3A_388 : memref<!tpu.dma_semaphore, #tpu.memory_space<semaphore_mem>>) src(%dma_wait3A_408 : memref<640xf32, #tpu.memory_space<vmem>>) dst(%dma_wait3A_406 : memref<640xf32, #tpu.memory_space<hbm>>)
      tpu.yield
    }) : () -> ()
    %run_scoped3A_293 = arith.constant 0 : i32
    "tpu.region"() ({
      %run_scoped3A_388 = tpu.sem_alloc : memref<!tpu.dma_semaphore, #tpu.memory_space<semaphore_mem>>
      %dma_start3A_389 = arith.constant 384 : i32
      %dma_start3A_390 = tpu.memref_slice %arg2[%add3A, %run_scoped3A_293, %dma_start3A_389] : memref<32x1x512xi32, #tpu.memory_space<hbm>> -> memref<1x1x128xi32, #tpu.memory_space<hbm>>
      %dma_start3A_391 = tpu.memref_squeeze %dma_start3A_390 : memref<1x1x128xi32, #tpu.memory_space<hbm>> -> memref<128xi32, #tpu.memory_space<hbm>>
      %dma_start3A_392 = arith.constant 384 : i32
      %dma_start3A_393 = tpu.memref_slice %arg2[%add3A, %run_scoped3A_293, %dma_start3A_392] : memref<32x1x512xi32, #tpu.memory_space<hbm>> -> memref<1x1x128xi32, #tpu.memory_space<hbm>>
      %dma_start3A_394 = tpu.memref_squeeze %dma_start3A_393 : memref<1x1x128xi32, #tpu.memory_space<hbm>> -> memref<128xi32, #tpu.memory_space<hbm>>
      tpu.enqueue_dma source(%dma_start3A_394 : memref<128xi32, #tpu.memory_space<hbm>>) target(%arg7 : memref<128xi32, #tpu.memory_space<vmem>>) target_semaphore(%run_scoped3A_388 : memref<!tpu.dma_semaphore, #tpu.memory_space<semaphore_mem>>)
      %dma_wait3A_395 = arith.constant 384 : i32
      %dma_wait3A_396 = tpu.memref_slice %arg2[%add3A, %run_scoped3A_293, %dma_wait3A_395] : memref<32x1x512xi32, #tpu.memory_space<hbm>> -> memref<1x1x128xi32, #tpu.memory_space<hbm>>
      %dma_wait3A_397 = tpu.memref_squeeze %dma_wait3A_396 : memref<1x1x128xi32, #tpu.memory_space<hbm>> -> memref<128xi32, #tpu.memory_space<hbm>>
      %dma_wait3A_398 = arith.constant 384 : i32
      %dma_wait3A_399 = tpu.memref_slice %arg2[%add3A, %run_scoped3A_293, %dma_wait3A_398] : memref<32x1x512xi32, #tpu.memory_space<hbm>> -> memref<1x1x128xi32, #tpu.memory_space<hbm>>
      %dma_wait3A_400 = tpu.memref_squeeze %dma_wait3A_399 : memref<1x1x128xi32, #tpu.memory_space<hbm>> -> memref<128xi32, #tpu.memory_space<hbm>>
      tpu.wait_dma2 semaphore(%run_scoped3A_388 : memref<!tpu.dma_semaphore, #tpu.memory_space<semaphore_mem>>) src(%dma_wait3A_400 : memref<128xi32, #tpu.memory_space<hbm>>) dst(%arg7 : memref<128xi32, #tpu.memory_space<vmem>>)
      tpu.yield
    }) : () -> ()
    %run_scoped3A_294 = arith.constant 0 : i32
    "tpu.region"() ({
      %run_scoped3A_388 = tpu.sem_alloc : memref<!tpu.dma_semaphore, #tpu.memory_space<semaphore_mem>>
      %dma_start3A_389 = arith.constant 1920 : i32
      %dma_start3A_390 = tpu.memref_slice %arg3[%add3A, %run_scoped3A_294, %dma_start3A_389] : memref<32x1x2560xi32, #tpu.memory_space<hbm>> -> memref<1x1x640xi32, #tpu.memory_space<hbm>>
      %dma_start3A_391 = tpu.memref_squeeze %dma_start3A_390 : memref<1x1x640xi32, #tpu.memory_space<hbm>> -> memref<640xi32, #tpu.memory_space<hbm>>
      %dma_start3A_392 = arith.constant 1920 : i32
      %dma_start3A_393 = tpu.memref_slice %arg3[%add3A, %run_scoped3A_294, %dma_start3A_392] : memref<32x1x2560xi32, #tpu.memory_space<hbm>> -> memref<1x1x640xi32, #tpu.memory_space<hbm>>
      %dma_start3A_394 = tpu.memref_squeeze %dma_start3A_393 : memref<1x1x640xi32, #tpu.memory_space<hbm>> -> memref<640xi32, #tpu.memory_space<hbm>>
      tpu.enqueue_dma source(%dma_start3A_394 : memref<640xi32, #tpu.memory_space<hbm>>) target(%arg8 : memref<640xi32, #tpu.memory_space<vmem>>) target_semaphore(%run_scoped3A_388 : memref<!tpu.dma_semaphore, #tpu.memory_space<semaphore_mem>>)
      %dma_wait3A_395 = arith.constant 1920 : i32
      %dma_wait3A_396 = tpu.memref_slice %arg3[%add3A, %run_scoped3A_294, %dma_wait3A_395] : memref<32x1x2560xi32, #tpu.memory_space<hbm>> -> memref<1x1x640xi32, #tpu.memory_space<hbm>>
      %dma_wait3A_397 = tpu.memref_squeeze %dma_wait3A_396 : memref<1x1x640xi32, #tpu.memory_space<hbm>> -> memref<640xi32, #tpu.memory_space<hbm>>
      %dma_wait3A_398 = arith.constant 1920 : i32
      %dma_wait3A_399 = tpu.memref_slice %arg3[%add3A, %run_scoped3A_294, %dma_wait3A_398] : memref<32x1x2560xi32, #tpu.memory_space<hbm>> -> memref<1x1x640xi32, #tpu.memory_space<hbm>>
      %dma_wait3A_400 = tpu.memref_squeeze %dma_wait3A_399 : memref<1x1x640xi32, #tpu.memory_space<hbm>> -> memref<640xi32, #tpu.memory_space<hbm>>
      tpu.wait_dma2 semaphore(%run_scoped3A_388 : memref<!tpu.dma_semaphore, #tpu.memory_space<semaphore_mem>>) src(%dma_wait3A_400 : memref<640xi32, #tpu.memory_space<hbm>>) dst(%arg8 : memref<640xi32, #tpu.memory_space<vmem>>)
      tpu.yield
    }) : () -> ()
    %dma_start3A_295 = arith.constant 0 : i32
    %dma_start3A_296 = arith.constant 0 : i32
    %dma_start3A_297 = tpu.memref_slice %arg4[%dma_start3A_295, %dma_start3A_296] : memref<1000000x128xf32, #tpu.memory_space<hbm>> -> memref<1000000x128xf32, #tpu.memory_space<hbm>>
    tpu.enqueue_indirect_dma source(%dma_start3A_297 : memref<1000000x128xf32, #tpu.memory_space<hbm>>) target(%arg9 : memref<128x128xf32, #tpu.memory_space<vmem>>) offsets(%arg7 : memref<128xi32, #tpu.memory_space<vmem>>) semaphore(%arg12 : memref<!tpu.dma_semaphore, #tpu.memory_space<semaphore_mem>>)
    %dma_start3A_298 = arith.constant 0 : i32
    %dma_start3A_299 = arith.constant 0 : i32
    %dma_start3A_300 = tpu.memref_slice %arg10[%dma_start3A_298, %dma_start3A_299] : memref<640x128xf32, #tpu.memory_space<vmem>> -> memref<128x128xf32, #tpu.memory_space<vmem>>
    %dma_start3A_301 = arith.constant 0 : i32
    %dma_start3A_302 = tpu.memref_slice %arg8[%dma_start3A_301] : memref<640xi32, #tpu.memory_space<vmem>> -> memref<128xi32, #tpu.memory_space<vmem>>
    %dma_start3A_303 = arith.constant 0 : i32
    %dma_start3A_304 = arith.constant 0 : i32
    %dma_start3A_305 = tpu.memref_slice %arg5[%dma_start3A_303, %dma_start3A_304] : memref<1000000x128xf32, #tpu.memory_space<hbm>> -> memref<1000000x128xf32, #tpu.memory_space<hbm>>
    tpu.enqueue_indirect_dma source(%dma_start3A_305 : memref<1000000x128xf32, #tpu.memory_space<hbm>>) target(%dma_start3A_300 : memref<128x128xf32, #tpu.memory_space<vmem>>) offsets(%dma_start3A_302 : memref<128xi32, #tpu.memory_space<vmem>>) semaphore(%arg12 : memref<!tpu.dma_semaphore, #tpu.memory_space<semaphore_mem>>)
    %dma_start3A_306 = arith.constant 128 : i32
    %dma_start3A_307 = arith.constant 0 : i32
    %dma_start3A_308 = tpu.memref_slice %arg10[%dma_start3A_306, %dma_start3A_307] : memref<640x128xf32, #tpu.memory_space<vmem>> -> memref<128x128xf32, #tpu.memory_space<vmem>>
    %dma_start3A_309 = arith.constant 128 : i32
    %dma_start3A_310 = tpu.memref_slice %arg8[%dma_start3A_309] : memref<640xi32, #tpu.memory_space<vmem>> -> memref<128xi32, #tpu.memory_space<vmem>>
    %dma_start3A_311 = arith.constant 0 : i32
    %dma_start3A_312 = arith.constant 0 : i32
    %dma_start3A_313 = tpu.memref_slice %arg5[%dma_start3A_311, %dma_start3A_312] : memref<1000000x128xf32, #tpu.memory_space<hbm>> -> memref<1000000x128xf32, #tpu.memory_space<hbm>>
    tpu.enqueue_indirect_dma source(%dma_start3A_313 : memref<1000000x128xf32, #tpu.memory_space<hbm>>) target(%dma_start3A_308 : memref<128x128xf32, #tpu.memory_space<vmem>>) offsets(%dma_start3A_310 : memref<128xi32, #tpu.memory_space<vmem>>) semaphore(%arg12 : memref<!tpu.dma_semaphore, #tpu.memory_space<semaphore_mem>>)
    %dma_start3A_314 = arith.constant 256 : i32
    %dma_start3A_315 = arith.constant 0 : i32
    %dma_start3A_316 = tpu.memref_slice %arg10[%dma_start3A_314, %dma_start3A_315] : memref<640x128xf32, #tpu.memory_space<vmem>> -> memref<128x128xf32, #tpu.memory_space<vmem>>
    %dma_start3A_317 = arith.constant 256 : i32
    %dma_start3A_318 = tpu.memref_slice %arg8[%dma_start3A_317] : memref<640xi32, #tpu.memory_space<vmem>> -> memref<128xi32, #tpu.memory_space<vmem>>
    %dma_start3A_319 = arith.constant 0 : i32
    %dma_start3A_320 = arith.constant 0 : i32
    %dma_start3A_321 = tpu.memref_slice %arg5[%dma_start3A_319, %dma_start3A_320] : memref<1000000x128xf32, #tpu.memory_space<hbm>> -> memref<1000000x128xf32, #tpu.memory_space<hbm>>
    tpu.enqueue_indirect_dma source(%dma_start3A_321 : memref<1000000x128xf32, #tpu.memory_space<hbm>>) target(%dma_start3A_316 : memref<128x128xf32, #tpu.memory_space<vmem>>) offsets(%dma_start3A_318 : memref<128xi32, #tpu.memory_space<vmem>>) semaphore(%arg12 : memref<!tpu.dma_semaphore, #tpu.memory_space<semaphore_mem>>)
    %dma_start3A_322 = arith.constant 384 : i32
    %dma_start3A_323 = arith.constant 0 : i32
    %dma_start3A_324 = tpu.memref_slice %arg10[%dma_start3A_322, %dma_start3A_323] : memref<640x128xf32, #tpu.memory_space<vmem>> -> memref<128x128xf32, #tpu.memory_space<vmem>>
    %dma_start3A_325 = arith.constant 384 : i32
    %dma_start3A_326 = tpu.memref_slice %arg8[%dma_start3A_325] : memref<640xi32, #tpu.memory_space<vmem>> -> memref<128xi32, #tpu.memory_space<vmem>>
    %dma_start3A_327 = arith.constant 0 : i32
    %dma_start3A_328 = arith.constant 0 : i32
    %dma_start3A_329 = tpu.memref_slice %arg5[%dma_start3A_327, %dma_start3A_328] : memref<1000000x128xf32, #tpu.memory_space<hbm>> -> memref<1000000x128xf32, #tpu.memory_space<hbm>>
    tpu.enqueue_indirect_dma source(%dma_start3A_329 : memref<1000000x128xf32, #tpu.memory_space<hbm>>) target(%dma_start3A_324 : memref<128x128xf32, #tpu.memory_space<vmem>>) offsets(%dma_start3A_326 : memref<128xi32, #tpu.memory_space<vmem>>) semaphore(%arg12 : memref<!tpu.dma_semaphore, #tpu.memory_space<semaphore_mem>>)
    %dma_start3A_330 = arith.constant 512 : i32
    %dma_start3A_331 = arith.constant 0 : i32
    %dma_start3A_332 = tpu.memref_slice %arg10[%dma_start3A_330, %dma_start3A_331] : memref<640x128xf32, #tpu.memory_space<vmem>> -> memref<128x128xf32, #tpu.memory_space<vmem>>
    %dma_start3A_333 = arith.constant 512 : i32
    %dma_start3A_334 = tpu.memref_slice %arg8[%dma_start3A_333] : memref<640xi32, #tpu.memory_space<vmem>> -> memref<128xi32, #tpu.memory_space<vmem>>
    %dma_start3A_335 = arith.constant 0 : i32
    %dma_start3A_336 = arith.constant 0 : i32
    %dma_start3A_337 = tpu.memref_slice %arg5[%dma_start3A_335, %dma_start3A_336] : memref<1000000x128xf32, #tpu.memory_space<hbm>> -> memref<1000000x128xf32, #tpu.memory_space<hbm>>
    tpu.enqueue_indirect_dma source(%dma_start3A_337 : memref<1000000x128xf32, #tpu.memory_space<hbm>>) target(%dma_start3A_332 : memref<128x128xf32, #tpu.memory_space<vmem>>) offsets(%dma_start3A_334 : memref<128xi32, #tpu.memory_space<vmem>>) semaphore(%arg12 : memref<!tpu.dma_semaphore, #tpu.memory_space<semaphore_mem>>)
    %dma_wait3A_338 = arith.constant 0 : i32
    %dma_wait3A_339 = arith.constant 0 : i32
    %dma_wait3A_340 = tpu.memref_slice %arg4[%dma_wait3A_338, %dma_wait3A_339] : memref<1000000x128xf32, #tpu.memory_space<hbm>> -> memref<1000000x128xf32, #tpu.memory_space<hbm>>
    tpu.wait_indirect_dma semaphore(%arg12 : memref<!tpu.dma_semaphore, #tpu.memory_space<semaphore_mem>>) src(%dma_wait3A_340 : memref<1000000x128xf32, #tpu.memory_space<hbm>>) dst(%arg9 : memref<128x128xf32, #tpu.memory_space<vmem>>)
    %dma_wait3A_341 = arith.constant 0 : i32
    %dma_wait3A_342 = arith.constant 0 : i32
    %dma_wait3A_343 = tpu.memref_slice %arg10[%dma_wait3A_341, %dma_wait3A_342] : memref<640x128xf32, #tpu.memory_space<vmem>> -> memref<128x128xf32, #tpu.memory_space<vmem>>
    %dma_wait3A_344 = arith.constant 0 : i32
    %dma_wait3A_345 = tpu.memref_slice %arg8[%dma_wait3A_344] : memref<640xi32, #tpu.memory_space<vmem>> -> memref<128xi32, #tpu.memory_space<vmem>>
    %dma_wait3A_346 = arith.constant 0 : i32
    %dma_wait3A_347 = arith.constant 0 : i32
    %dma_wait3A_348 = tpu.memref_slice %arg5[%dma_wait3A_346, %dma_wait3A_347] : memref<1000000x128xf32, #tpu.memory_space<hbm>> -> memref<1000000x128xf32, #tpu.memory_space<hbm>>
    tpu.wait_indirect_dma semaphore(%arg12 : memref<!tpu.dma_semaphore, #tpu.memory_space<semaphore_mem>>) src(%dma_wait3A_348 : memref<1000000x128xf32, #tpu.memory_space<hbm>>) dst(%dma_wait3A_343 : memref<128x128xf32, #tpu.memory_space<vmem>>)
    %dma_wait3A_349 = arith.constant 128 : i32
    %dma_wait3A_350 = arith.constant 0 : i32
    %dma_wait3A_351 = tpu.memref_slice %arg10[%dma_wait3A_349, %dma_wait3A_350] : memref<640x128xf32, #tpu.memory_space<vmem>> -> memref<128x128xf32, #tpu.memory_space<vmem>>
    %dma_wait3A_352 = arith.constant 128 : i32
    %dma_wait3A_353 = tpu.memref_slice %arg8[%dma_wait3A_352] : memref<640xi32, #tpu.memory_space<vmem>> -> memref<128xi32, #tpu.memory_space<vmem>>
    %dma_wait3A_354 = arith.constant 0 : i32
    %dma_wait3A_355 = arith.constant 0 : i32
    %dma_wait3A_356 = tpu.memref_slice %arg5[%dma_wait3A_354, %dma_wait3A_355] : memref<1000000x128xf32, #tpu.memory_space<hbm>> -> memref<1000000x128xf32, #tpu.memory_space<hbm>>
    tpu.wait_indirect_dma semaphore(%arg12 : memref<!tpu.dma_semaphore, #tpu.memory_space<semaphore_mem>>) src(%dma_wait3A_356 : memref<1000000x128xf32, #tpu.memory_space<hbm>>) dst(%dma_wait3A_351 : memref<128x128xf32, #tpu.memory_space<vmem>>)
    %dma_wait3A_357 = arith.constant 256 : i32
    %dma_wait3A_358 = arith.constant 0 : i32
    %dma_wait3A_359 = tpu.memref_slice %arg10[%dma_wait3A_357, %dma_wait3A_358] : memref<640x128xf32, #tpu.memory_space<vmem>> -> memref<128x128xf32, #tpu.memory_space<vmem>>
    %dma_wait3A_360 = arith.constant 256 : i32
    %dma_wait3A_361 = tpu.memref_slice %arg8[%dma_wait3A_360] : memref<640xi32, #tpu.memory_space<vmem>> -> memref<128xi32, #tpu.memory_space<vmem>>
    %dma_wait3A_362 = arith.constant 0 : i32
    %dma_wait3A_363 = arith.constant 0 : i32
    %dma_wait3A_364 = tpu.memref_slice %arg5[%dma_wait3A_362, %dma_wait3A_363] : memref<1000000x128xf32, #tpu.memory_space<hbm>> -> memref<1000000x128xf32, #tpu.memory_space<hbm>>
    tpu.wait_indirect_dma semaphore(%arg12 : memref<!tpu.dma_semaphore, #tpu.memory_space<semaphore_mem>>) src(%dma_wait3A_364 : memref<1000000x128xf32, #tpu.memory_space<hbm>>) dst(%dma_wait3A_359 : memref<128x128xf32, #tpu.memory_space<vmem>>)
    %dma_wait3A_365 = arith.constant 384 : i32
    %dma_wait3A_366 = arith.constant 0 : i32
    %dma_wait3A_367 = tpu.memref_slice %arg10[%dma_wait3A_365, %dma_wait3A_366] : memref<640x128xf32, #tpu.memory_space<vmem>> -> memref<128x128xf32, #tpu.memory_space<vmem>>
    %dma_wait3A_368 = arith.constant 384 : i32
    %dma_wait3A_369 = tpu.memref_slice %arg8[%dma_wait3A_368] : memref<640xi32, #tpu.memory_space<vmem>> -> memref<128xi32, #tpu.memory_space<vmem>>
    %dma_wait3A_370 = arith.constant 0 : i32
    %dma_wait3A_371 = arith.constant 0 : i32
    %dma_wait3A_372 = tpu.memref_slice %arg5[%dma_wait3A_370, %dma_wait3A_371] : memref<1000000x128xf32, #tpu.memory_space<hbm>> -> memref<1000000x128xf32, #tpu.memory_space<hbm>>
    tpu.wait_indirect_dma semaphore(%arg12 : memref<!tpu.dma_semaphore, #tpu.memory_space<semaphore_mem>>) src(%dma_wait3A_372 : memref<1000000x128xf32, #tpu.memory_space<hbm>>) dst(%dma_wait3A_367 : memref<128x128xf32, #tpu.memory_space<vmem>>)
    %dma_wait3A_373 = arith.constant 512 : i32
    %dma_wait3A_374 = arith.constant 0 : i32
    %dma_wait3A_375 = tpu.memref_slice %arg10[%dma_wait3A_373, %dma_wait3A_374] : memref<640x128xf32, #tpu.memory_space<vmem>> -> memref<128x128xf32, #tpu.memory_space<vmem>>
    %dma_wait3A_376 = arith.constant 512 : i32
    %dma_wait3A_377 = tpu.memref_slice %arg8[%dma_wait3A_376] : memref<640xi32, #tpu.memory_space<vmem>> -> memref<128xi32, #tpu.memory_space<vmem>>
    %dma_wait3A_378 = arith.constant 0 : i32
    %dma_wait3A_379 = arith.constant 0 : i32
    %dma_wait3A_380 = tpu.memref_slice %arg5[%dma_wait3A_378, %dma_wait3A_379] : memref<1000000x128xf32, #tpu.memory_space<hbm>> -> memref<1000000x128xf32, #tpu.memory_space<hbm>>
    tpu.wait_indirect_dma semaphore(%arg12 : memref<!tpu.dma_semaphore, #tpu.memory_space<semaphore_mem>>) src(%dma_wait3A_380 : memref<1000000x128xf32, #tpu.memory_space<hbm>>) dst(%dma_wait3A_375 : memref<128x128xf32, #tpu.memory_space<vmem>>)
    %scan3A_381 = arith.constant 0 : i32
    %scan3A_382 = arith.constant 0 : i32
    %scan3A_383 = arith.constant 128 : i32
    %scan3A_384 = arith.addi %scan3A_382, %scan3A_383 : i32
    %scan3A_385 = arith.constant 1 : i32
    scf.for %scan3A_388 = %scan3A_382 to %scan3A_384 step %scan3A_385  : i32 {
      %get3A = arith.index_cast %scan3A_388 : i32 to index
      %get3A_389 = arith.constant 0 : index
      %get3A_390 = tpu.vector_load %arg9[%get3A, %get3A_389] {strides = array<i32>} : memref<128x128xf32, #tpu.memory_space<vmem>>, vector<1x16xf32>,
      %get3A_391 = vector.shape_cast %get3A_390 : vector<1x16xf32> to vector<16xf32>
      %get3A_392 = arith.index_cast %scan3A_388 : i32 to index
      %get3A_393 = arith.constant 16 : index
      %get3A_394 = tpu.vector_load %arg9[%get3A_392, %get3A_393] {strides = array<i32>} : memref<128x128xf32, #tpu.memory_space<vmem>>, vector<1x16xf32>,
      %get3A_395 = vector.shape_cast %get3A_394 : vector<1x16xf32> to vector<16xf32>
      %get3A_396 = arith.index_cast %scan3A_388 : i32 to index
      %get3A_397 = arith.constant 32 : index
      %get3A_398 = tpu.vector_load %arg9[%get3A_396, %get3A_397] {strides = array<i32>} : memref<128x128xf32, #tpu.memory_space<vmem>>, vector<1x16xf32>,
      %get3A_399 = vector.shape_cast %get3A_398 : vector<1x16xf32> to vector<16xf32>
      %get3A_400 = arith.index_cast %scan3A_388 : i32 to index
      %get3A_401 = arith.constant 48 : index
      %get3A_402 = tpu.vector_load %arg9[%get3A_400, %get3A_401] {strides = array<i32>} : memref<128x128xf32, #tpu.memory_space<vmem>>, vector<1x16xf32>,
      %get3A_403 = vector.shape_cast %get3A_402 : vector<1x16xf32> to vector<16xf32>
      %mul3A_404 = arith.constant 5 : i32
      %mul3A_405 = arith.muli %scan3A_388, %mul3A_404 : i32
      %add3A_406 = arith.constant 0 : i32
      %add3A_407 = arith.addi %mul3A_405, %add3A_406 : i32
      %get3A_408 = arith.index_cast %add3A_407 : i32 to index
      %get3A_409 = arith.constant 0 : index
      %get3A_410 = tpu.vector_load %arg10[%get3A_408, %get3A_409] {strides = array<i32>} : memref<640x128xf32, #tpu.memory_space<vmem>>, vector<1x16xf32>,
      %get3A_411 = vector.shape_cast %get3A_410 : vector<1x16xf32> to vector<16xf32>
      %mul3A_412 = arith.mulf %get3A_391, %get3A_411 : vector<16xf32>
      %get3A_413 = arith.index_cast %add3A_407 : i32 to index
      %get3A_414 = arith.constant 16 : index
      %get3A_415 = tpu.vector_load %arg10[%get3A_413, %get3A_414] {strides = array<i32>} : memref<640x128xf32, #tpu.memory_space<vmem>>, vector<1x16xf32>,
      %get3A_416 = vector.shape_cast %get3A_415 : vector<1x16xf32> to vector<16xf32>
      %mul3A_417 = arith.mulf %get3A_395, %get3A_416 : vector<16xf32>
      %add3A_418 = arith.addf %mul3A_412, %mul3A_417 : vector<16xf32>
      %get3A_419 = arith.index_cast %add3A_407 : i32 to index
      %get3A_420 = arith.constant 32 : index
      %get3A_421 = tpu.vector_load %arg10[%get3A_419, %get3A_420] {strides = array<i32>} : memref<640x128xf32, #tpu.memory_space<vmem>>, vector<1x16xf32>,
      %get3A_422 = vector.shape_cast %get3A_421 : vector<1x16xf32> to vector<16xf32>
      %mul3A_423 = arith.mulf %get3A_399, %get3A_422 : vector<16xf32>
      %add3A_424 = arith.addf %add3A_418, %mul3A_423 : vector<16xf32>
      %get3A_425 = arith.index_cast %add3A_407 : i32 to index
      %get3A_426 = arith.constant 48 : index
      %get3A_427 = tpu.vector_load %arg10[%get3A_425, %get3A_426] {strides = array<i32>} : memref<640x128xf32, #tpu.memory_space<vmem>>, vector<1x16xf32>,
      %get3A_428 = vector.shape_cast %get3A_427 : vector<1x16xf32> to vector<16xf32>
      %mul3A_429 = arith.mulf %get3A_403, %get3A_428 : vector<16xf32>
      %add3A_430 = arith.addf %add3A_424, %mul3A_429 : vector<16xf32>
      %broadcast_in_dim3A = vector.shape_cast %xor3A_2 : vector<16xi32> to vector<16x1xi32>
      %gather3A = vector.shape_cast %broadcast_in_dim3A : vector<16x1xi32> to vector<16xi32>
      %gather3A_431 = tpu.dynamic_gather %add3A_430[%gather3A] in [0] : vector<16xf32>, vector<16xi32> -> vector<16xf32>
      %add3A_432 = arith.addf %add3A_430, %gather3A_431 : vector<16xf32>
      %broadcast_in_dim3A_433 = vector.shape_cast %xor3A_5 : vector<16xi32> to vector<16x1xi32>
      %gather3A_434 = vector.shape_cast %broadcast_in_dim3A_433 : vector<16x1xi32> to vector<16xi32>
      %gather3A_435 = tpu.dynamic_gather %add3A_432[%gather3A_434] in [0] : vector<16xf32>, vector<16xi32> -> vector<16xf32>
      %add3A_436 = arith.addf %add3A_432, %gather3A_435 : vector<16xf32>
      %broadcast_in_dim3A_437 = vector.shape_cast %xor3A_8 : vector<16xi32> to vector<16x1xi32>
      %gather3A_438 = vector.shape_cast %broadcast_in_dim3A_437 : vector<16x1xi32> to vector<16xi32>
      %gather3A_439 = tpu.dynamic_gather %add3A_436[%gather3A_438] in [0] : vector<16xf32>, vector<16xi32> -> vector<16xf32>
      %add3A_440 = arith.addf %add3A_436, %gather3A_439 : vector<16xf32>
      %broadcast_in_dim3A_441 = vector.shape_cast %xor3A_11 : vector<16xi32> to vector<16x1xi32>
      %gather3A_442 = vector.shape_cast %broadcast_in_dim3A_441 : vector<16x1xi32> to vector<16xi32>
      %gather3A_443 = tpu.dynamic_gather %add3A_440[%gather3A_442] in [0] : vector<16xf32>, vector<16xi32> -> vector<16xf32>
      %add3A_444 = arith.addf %add3A_440, %gather3A_443 : vector<16xf32>
      %mul3A_445 = arith.constant 5 : i32
      %mul3A_446 = arith.muli %scan3A_388, %mul3A_445 : i32
      %add3A_447 = arith.constant 1 : i32
      %add3A_448 = arith.addi %mul3A_446, %add3A_447 : i32
      %get3A_449 = arith.index_cast %add3A_448 : i32 to index
      %get3A_450 = arith.constant 0 : index
      %get3A_451 = tpu.vector_load %arg10[%get3A_449, %get3A_450] {strides = array<i32>} : memref<640x128xf32, #tpu.memory_space<vmem>>, vector<1x16xf32>,
      %get3A_452 = vector.shape_cast %get3A_451 : vector<1x16xf32> to vector<16xf32>
      %mul3A_453 = arith.mulf %get3A_391, %get3A_452 : vector<16xf32>
      %get3A_454 = arith.index_cast %add3A_448 : i32 to index
      %get3A_455 = arith.constant 16 : index
      %get3A_456 = tpu.vector_load %arg10[%get3A_454, %get3A_455] {strides = array<i32>} : memref<640x128xf32, #tpu.memory_space<vmem>>, vector<1x16xf32>,
      %get3A_457 = vector.shape_cast %get3A_456 : vector<1x16xf32> to vector<16xf32>
      %mul3A_458 = arith.mulf %get3A_395, %get3A_457 : vector<16xf32>
      %add3A_459 = arith.addf %mul3A_453, %mul3A_458 : vector<16xf32>
      %get3A_460 = arith.index_cast %add3A_448 : i32 to index
      %get3A_461 = arith.constant 32 : index
      %get3A_462 = tpu.vector_load %arg10[%get3A_460, %get3A_461] {strides = array<i32>} : memref<640x128xf32, #tpu.memory_space<vmem>>, vector<1x16xf32>,
      %get3A_463 = vector.shape_cast %get3A_462 : vector<1x16xf32> to vector<16xf32>
      %mul3A_464 = arith.mulf %get3A_399, %get3A_463 : vector<16xf32>
      %add3A_465 = arith.addf %add3A_459, %mul3A_464 : vector<16xf32>
      %get3A_466 = arith.index_cast %add3A_448 : i32 to index
      %get3A_467 = arith.constant 48 : index
      %get3A_468 = tpu.vector_load %arg10[%get3A_466, %get3A_467] {strides = array<i32>} : memref<640x128xf32, #tpu.memory_space<vmem>>, vector<1x16xf32>,
      %get3A_469 = vector.shape_cast %get3A_468 : vector<1x16xf32> to vector<16xf32>
      %mul3A_470 = arith.mulf %get3A_403, %get3A_469 : vector<16xf32>
      %add3A_471 = arith.addf %add3A_465, %mul3A_470 : vector<16xf32>
      %broadcast_in_dim3A_472 = vector.shape_cast %xor3A_2 : vector<16xi32> to vector<16x1xi32>
      %gather3A_473 = vector.shape_cast %broadcast_in_dim3A_472 : vector<16x1xi32> to vector<16xi32>
      %gather3A_474 = tpu.dynamic_gather %add3A_471[%gather3A_473] in [0] : vector<16xf32>, vector<16xi32> -> vector<16xf32>
      %add3A_475 = arith.addf %add3A_471, %gather3A_474 : vector<16xf32>
      %broadcast_in_dim3A_476 = vector.shape_cast %xor3A_5 : vector<16xi32> to vector<16x1xi32>
      %gather3A_477 = vector.shape_cast %broadcast_in_dim3A_476 : vector<16x1xi32> to vector<16xi32>
      %gather3A_478 = tpu.dynamic_gather %add3A_475[%gather3A_477] in [0] : vector<16xf32>, vector<16xi32> -> vector<16xf32>
      %add3A_479 = arith.addf %add3A_475, %gather3A_478 : vector<16xf32>
      %broadcast_in_dim3A_480 = vector.shape_cast %xor3A_8 : vector<16xi32> to vector<16x1xi32>
      %gather3A_481 = vector.shape_cast %broadcast_in_dim3A_480 : vector<16x1xi32> to vector<16xi32>
      %gather3A_482 = tpu.dynamic_gather %add3A_479[%gather3A_481] in [0] : vector<16xf32>, vector<16xi32> -> vector<16xf32>
      %add3A_483 = arith.addf %add3A_479, %gather3A_482 : vector<16xf32>
      %broadcast_in_dim3A_484 = vector.shape_cast %xor3A_11 : vector<16xi32> to vector<16x1xi32>
      %gather3A_485 = vector.shape_cast %broadcast_in_dim3A_484 : vector<16x1xi32> to vector<16xi32>
      %gather3A_486 = tpu.dynamic_gather %add3A_483[%gather3A_485] in [0] : vector<16xf32>, vector<16xi32> -> vector<16xf32>
      %add3A_487 = arith.addf %add3A_483, %gather3A_486 : vector<16xf32>
      %eq3A = arith.constant 1 : i32
      %eq3A_488 = vector.broadcast %eq3A : i32 to vector<16xi32>
      %eq3A_489 = arith.cmpi eq, %iota3A, %eq3A_488 : vector<16xi32>
      %select_n3A = arith.select %eq3A_489, %add3A_487, %add3A_444 : vector<16xi1>, vector<16xf32>
      %mul3A_490 = arith.constant 5 : i32
      %mul3A_491 = arith.muli %scan3A_388, %mul3A_490 : i32
      %add3A_492 = arith.constant 2 : i32
      %add3A_493 = arith.addi %mul3A_491, %add3A_492 : i32
      %get3A_494 = arith.index_cast %add3A_493 : i32 to index
      %get3A_495 = arith.constant 0 : index
      %get3A_496 = tpu.vector_load %arg10[%get3A_494, %get3A_495] {strides = array<i32>} : memref<640x128xf32, #tpu.memory_space<vmem>>, vector<1x16xf32>,
      %get3A_497 = vector.shape_cast %get3A_496 : vector<1x16xf32> to vector<16xf32>
      %mul3A_498 = arith.mulf %get3A_391, %get3A_497 : vector<16xf32>
      %get3A_499 = arith.index_cast %add3A_493 : i32 to index
      %get3A_500 = arith.constant 16 : index
      %get3A_501 = tpu.vector_load %arg10[%get3A_499, %get3A_500] {strides = array<i32>} : memref<640x128xf32, #tpu.memory_space<vmem>>, vector<1x16xf32>,
      %get3A_502 = vector.shape_cast %get3A_501 : vector<1x16xf32> to vector<16xf32>
      %mul3A_503 = arith.mulf %get3A_395, %get3A_502 : vector<16xf32>
      %add3A_504 = arith.addf %mul3A_498, %mul3A_503 : vector<16xf32>
      %get3A_505 = arith.index_cast %add3A_493 : i32 to index
      %get3A_506 = arith.constant 32 : index
      %get3A_507 = tpu.vector_load %arg10[%get3A_505, %get3A_506] {strides = array<i32>} : memref<640x128xf32, #tpu.memory_space<vmem>>, vector<1x16xf32>,
      %get3A_508 = vector.shape_cast %get3A_507 : vector<1x16xf32> to vector<16xf32>
      %mul3A_509 = arith.mulf %get3A_399, %get3A_508 : vector<16xf32>
      %add3A_510 = arith.addf %add3A_504, %mul3A_509 : vector<16xf32>
      %get3A_511 = arith.index_cast %add3A_493 : i32 to index
      %get3A_512 = arith.constant 48 : index
      %get3A_513 = tpu.vector_load %arg10[%get3A_511, %get3A_512] {strides = array<i32>} : memref<640x128xf32, #tpu.memory_space<vmem>>, vector<1x16xf32>,
      %get3A_514 = vector.shape_cast %get3A_513 : vector<1x16xf32> to vector<16xf32>
      %mul3A_515 = arith.mulf %get3A_403, %get3A_514 : vector<16xf32>
      %add3A_516 = arith.addf %add3A_510, %mul3A_515 : vector<16xf32>
      %broadcast_in_dim3A_517 = vector.shape_cast %xor3A_2 : vector<16xi32> to vector<16x1xi32>
      %gather3A_518 = vector.shape_cast %broadcast_in_dim3A_517 : vector<16x1xi32> to vector<16xi32>
      %gather3A_519 = tpu.dynamic_gather %add3A_516[%gather3A_518] in [0] : vector<16xf32>, vector<16xi32> -> vector<16xf32>
      %add3A_520 = arith.addf %add3A_516, %gather3A_519 : vector<16xf32>
      %broadcast_in_dim3A_521 = vector.shape_cast %xor3A_5 : vector<16xi32> to vector<16x1xi32>
      %gather3A_522 = vector.shape_cast %broadcast_in_dim3A_521 : vector<16x1xi32> to vector<16xi32>
      %gather3A_523 = tpu.dynamic_gather %add3A_520[%gather3A_522] in [0] : vector<16xf32>, vector<16xi32> -> vector<16xf32>
      %add3A_524 = arith.addf %add3A_520, %gather3A_523 : vector<16xf32>
      %broadcast_in_dim3A_525 = vector.shape_cast %xor3A_8 : vector<16xi32> to vector<16x1xi32>
      %gather3A_526 = vector.shape_cast %broadcast_in_dim3A_525 : vector<16x1xi32> to vector<16xi32>
      %gather3A_527 = tpu.dynamic_gather %add3A_524[%gather3A_526] in [0] : vector<16xf32>, vector<16xi32> -> vector<16xf32>
      %add3A_528 = arith.addf %add3A_524, %gather3A_527 : vector<16xf32>
      %broadcast_in_dim3A_529 = vector.shape_cast %xor3A_11 : vector<16xi32> to vector<16x1xi32>
      %gather3A_530 = vector.shape_cast %broadcast_in_dim3A_529 : vector<16x1xi32> to vector<16xi32>
      %gather3A_531 = tpu.dynamic_gather %add3A_528[%gather3A_530] in [0] : vector<16xf32>, vector<16xi32> -> vector<16xf32>
      %add3A_532 = arith.addf %add3A_528, %gather3A_531 : vector<16xf32>
      %eq3A_533 = arith.constant 2 : i32
      %eq3A_534 = vector.broadcast %eq3A_533 : i32 to vector<16xi32>
      %eq3A_535 = arith.cmpi eq, %iota3A, %eq3A_534 : vector<16xi32>
      %select_n3A_536 = arith.select %eq3A_535, %add3A_532, %select_n3A : vector<16xi1>, vector<16xf32>
      %mul3A_537 = arith.constant 5 : i32
      %mul3A_538 = arith.muli %scan3A_388, %mul3A_537 : i32
      %add3A_539 = arith.constant 3 : i32
      %add3A_540 = arith.addi %mul3A_538, %add3A_539 : i32
      %get3A_541 = arith.index_cast %add3A_540 : i32 to index
      %get3A_542 = arith.constant 0 : index
      %get3A_543 = tpu.vector_load %arg10[%get3A_541, %get3A_542] {strides = array<i32>} : memref<640x128xf32, #tpu.memory_space<vmem>>, vector<1x16xf32>,
      %get3A_544 = vector.shape_cast %get3A_543 : vector<1x16xf32> to vector<16xf32>
      %mul3A_545 = arith.mulf %get3A_391, %get3A_544 : vector<16xf32>
      %get3A_546 = arith.index_cast %add3A_540 : i32 to index
      %get3A_547 = arith.constant 16 : index
      %get3A_548 = tpu.vector_load %arg10[%get3A_546, %get3A_547] {strides = array<i32>} : memref<640x128xf32, #tpu.memory_space<vmem>>, vector<1x16xf32>,
      %get3A_549 = vector.shape_cast %get3A_548 : vector<1x16xf32> to vector<16xf32>
      %mul3A_550 = arith.mulf %get3A_395, %get3A_549 : vector<16xf32>
      %add3A_551 = arith.addf %mul3A_545, %mul3A_550 : vector<16xf32>
      %get3A_552 = arith.index_cast %add3A_540 : i32 to index
      %get3A_553 = arith.constant 32 : index
      %get3A_554 = tpu.vector_load %arg10[%get3A_552, %get3A_553] {strides = array<i32>} : memref<640x128xf32, #tpu.memory_space<vmem>>, vector<1x16xf32>,
      %get3A_555 = vector.shape_cast %get3A_554 : vector<1x16xf32> to vector<16xf32>
      %mul3A_556 = arith.mulf %get3A_399, %get3A_555 : vector<16xf32>
      %add3A_557 = arith.addf %add3A_551, %mul3A_556 : vector<16xf32>
      %get3A_558 = arith.index_cast %add3A_540 : i32 to index
      %get3A_559 = arith.constant 48 : index
      %get3A_560 = tpu.vector_load %arg10[%get3A_558, %get3A_559] {strides = array<i32>} : memref<640x128xf32, #tpu.memory_space<vmem>>, vector<1x16xf32>,
      %get3A_561 = vector.shape_cast %get3A_560 : vector<1x16xf32> to vector<16xf32>
      %mul3A_562 = arith.mulf %get3A_403, %get3A_561 : vector<16xf32>
      %add3A_563 = arith.addf %add3A_557, %mul3A_562 : vector<16xf32>
      %broadcast_in_dim3A_564 = vector.shape_cast %xor3A_2 : vector<16xi32> to vector<16x1xi32>
      %gather3A_565 = vector.shape_cast %broadcast_in_dim3A_564 : vector<16x1xi32> to vector<16xi32>
      %gather3A_566 = tpu.dynamic_gather %add3A_563[%gather3A_565] in [0] : vector<16xf32>, vector<16xi32> -> vector<16xf32>
      %add3A_567 = arith.addf %add3A_563, %gather3A_566 : vector<16xf32>
      %broadcast_in_dim3A_568 = vector.shape_cast %xor3A_5 : vector<16xi32> to vector<16x1xi32>
      %gather3A_569 = vector.shape_cast %broadcast_in_dim3A_568 : vector<16x1xi32> to vector<16xi32>
      %gather3A_570 = tpu.dynamic_gather %add3A_567[%gather3A_569] in [0] : vector<16xf32>, vector<16xi32> -> vector<16xf32>
      %add3A_571 = arith.addf %add3A_567, %gather3A_570 : vector<16xf32>
      %broadcast_in_dim3A_572 = vector.shape_cast %xor3A_8 : vector<16xi32> to vector<16x1xi32>
      %gather3A_573 = vector.shape_cast %broadcast_in_dim3A_572 : vector<16x1xi32> to vector<16xi32>
      %gather3A_574 = tpu.dynamic_gather %add3A_571[%gather3A_573] in [0] : vector<16xf32>, vector<16xi32> -> vector<16xf32>
      %add3A_575 = arith.addf %add3A_571, %gather3A_574 : vector<16xf32>
      %broadcast_in_dim3A_576 = vector.shape_cast %xor3A_11 : vector<16xi32> to vector<16x1xi32>
      %gather3A_577 = vector.shape_cast %broadcast_in_dim3A_576 : vector<16x1xi32> to vector<16xi32>
      %gather3A_578 = tpu.dynamic_gather %add3A_575[%gather3A_577] in [0] : vector<16xf32>, vector<16xi32> -> vector<16xf32>
      %add3A_579 = arith.addf %add3A_575, %gather3A_578 : vector<16xf32>
      %eq3A_580 = arith.constant 3 : i32
      %eq3A_581 = vector.broadcast %eq3A_580 : i32 to vector<16xi32>
      %eq3A_582 = arith.cmpi eq, %iota3A, %eq3A_581 : vector<16xi32>
      %select_n3A_583 = arith.select %eq3A_582, %add3A_579, %select_n3A_536 : vector<16xi1>, vector<16xf32>
      %mul3A_584 = arith.constant 5 : i32
      %mul3A_585 = arith.muli %scan3A_388, %mul3A_584 : i32
      %add3A_586 = arith.constant 4 : i32
      %add3A_587 = arith.addi %mul3A_585, %add3A_586 : i32
      %get3A_588 = arith.index_cast %add3A_587 : i32 to index
      %get3A_589 = arith.constant 0 : index
      %get3A_590 = tpu.vector_load %arg10[%get3A_588, %get3A_589] {strides = array<i32>} : memref<640x128xf32, #tpu.memory_space<vmem>>, vector<1x16xf32>,
      %get3A_591 = vector.shape_cast %get3A_590 : vector<1x16xf32> to vector<16xf32>
      %mul3A_592 = arith.mulf %get3A_391, %get3A_591 : vector<16xf32>
      %get3A_593 = arith.index_cast %add3A_587 : i32 to index
      %get3A_594 = arith.constant 16 : index
      %get3A_595 = tpu.vector_load %arg10[%get3A_593, %get3A_594] {strides = array<i32>} : memref<640x128xf32, #tpu.memory_space<vmem>>, vector<1x16xf32>,
      %get3A_596 = vector.shape_cast %get3A_595 : vector<1x16xf32> to vector<16xf32>
      %mul3A_597 = arith.mulf %get3A_395, %get3A_596 : vector<16xf32>
      %add3A_598 = arith.addf %mul3A_592, %mul3A_597 : vector<16xf32>
      %get3A_599 = arith.index_cast %add3A_587 : i32 to index
      %get3A_600 = arith.constant 32 : index
      %get3A_601 = tpu.vector_load %arg10[%get3A_599, %get3A_600] {strides = array<i32>} : memref<640x128xf32, #tpu.memory_space<vmem>>, vector<1x16xf32>,
      %get3A_602 = vector.shape_cast %get3A_601 : vector<1x16xf32> to vector<16xf32>
      %mul3A_603 = arith.mulf %get3A_399, %get3A_602 : vector<16xf32>
      %add3A_604 = arith.addf %add3A_598, %mul3A_603 : vector<16xf32>
      %get3A_605 = arith.index_cast %add3A_587 : i32 to index
      %get3A_606 = arith.constant 48 : index
      %get3A_607 = tpu.vector_load %arg10[%get3A_605, %get3A_606] {strides = array<i32>} : memref<640x128xf32, #tpu.memory_space<vmem>>, vector<1x16xf32>,
      %get3A_608 = vector.shape_cast %get3A_607 : vector<1x16xf32> to vector<16xf32>
      %mul3A_609 = arith.mulf %get3A_403, %get3A_608 : vector<16xf32>
      %add3A_610 = arith.addf %add3A_604, %mul3A_609 : vector<16xf32>
      %broadcast_in_dim3A_611 = vector.shape_cast %xor3A_2 : vector<16xi32> to vector<16x1xi32>
      %gather3A_612 = vector.shape_cast %broadcast_in_dim3A_611 : vector<16x1xi32> to vector<16xi32>
      %gather3A_613 = tpu.dynamic_gather %add3A_610[%gather3A_612] in [0] : vector<16xf32>, vector<16xi32> -> vector<16xf32>
      %add3A_614 = arith.addf %add3A_610, %gather3A_613 : vector<16xf32>
      %broadcast_in_dim3A_615 = vector.shape_cast %xor3A_5 : vector<16xi32> to vector<16x1xi32>
      %gather3A_616 = vector.shape_cast %broadcast_in_dim3A_615 : vector<16x1xi32> to vector<16xi32>
      %gather3A_617 = tpu.dynamic_gather %add3A_614[%gather3A_616] in [0] : vector<16xf32>, vector<16xi32> -> vector<16xf32>
      %add3A_618 = arith.addf %add3A_614, %gather3A_617 : vector<16xf32>
      %broadcast_in_dim3A_619 = vector.shape_cast %xor3A_8 : vector<16xi32> to vector<16x1xi32>
      %gather3A_620 = vector.shape_cast %broadcast_in_dim3A_619 : vector<16x1xi32> to vector<16xi32>
      %gather3A_621 = tpu.dynamic_gather %add3A_618[%gather3A_620] in [0] : vector<16xf32>, vector<16xi32> -> vector<16xf32>
      %add3A_622 = arith.addf %add3A_618, %gather3A_621 : vector<16xf32>
      %broadcast_in_dim3A_623 = vector.shape_cast %xor3A_11 : vector<16xi32> to vector<16x1xi32>
      %gather3A_624 = vector.shape_cast %broadcast_in_dim3A_623 : vector<16x1xi32> to vector<16xi32>
      %gather3A_625 = tpu.dynamic_gather %add3A_622[%gather3A_624] in [0] : vector<16xf32>, vector<16xi32> -> vector<16xf32>
      %add3A_626 = arith.addf %add3A_622, %gather3A_625 : vector<16xf32>
      %eq3A_627 = arith.constant 4 : i32
      %eq3A_628 = vector.broadcast %eq3A_627 : i32 to vector<16xi32>
      %eq3A_629 = arith.cmpi eq, %iota3A, %eq3A_628 : vector<16xi32>
      %select_n3A_630 = arith.select %eq3A_629, %add3A_626, %select_n3A_583 : vector<16xi1>, vector<16xf32>
      %mul3A_631 = arith.constant 5 : i32
      %mul3A_632 = arith.muli %scan3A_388, %mul3A_631 : i32
      %swap3A = arith.index_cast %mul3A_632 : i32 to index
      %swap3A_633 = tpu.vector_load %arg11[%swap3A] {strides = array<i32>} : memref<656xf32, #tpu.memory_space<vmem>>, vector<16xf32>,
      %swap3A_634 = vector.shape_cast %swap3A_633 : vector<16xf32> to vector<16xf32>
      %swap3A_635 = vector.shape_cast %select_n3A_630 : vector<16xf32> to vector<16xf32>
      tpu.vector_store %arg11[%swap3A], %swap3A_635 {strides = array<i32>} : memref<656xf32, #tpu.memory_space<vmem>>, vector<16xf32>,
    }
    %scan3A_386 = arith.constant 128 : i32
    %run_scoped3A_387 = arith.constant 0 : i32
    "tpu.region"() ({
      %run_scoped3A_388 = tpu.sem_alloc : memref<!tpu.dma_semaphore, #tpu.memory_space<semaphore_mem>>
      %dma_start3A_389 = arith.constant 0 : i32
      %dma_start3A_390 = tpu.memref_slice %arg11[%dma_start3A_389] : memref<656xf32, #tpu.memory_space<vmem>> -> memref<640xf32, #tpu.memory_space<vmem>>
      %dma_start3A_391 = arith.constant 1920 : i32
      %dma_start3A_392 = tpu.memref_slice %arg6[%add3A, %run_scoped3A_387, %dma_start3A_391] : memref<32x1x2560xf32, #tpu.memory_space<hbm>> -> memref<1x1x640xf32, #tpu.memory_space<hbm>>
      %dma_start3A_393 = tpu.memref_squeeze %dma_start3A_392 : memref<1x1x640xf32, #tpu.memory_space<hbm>> -> memref<640xf32, #tpu.memory_space<hbm>>
      %dma_start3A_394 = arith.constant 1920 : i32
      %dma_start3A_395 = tpu.memref_slice %arg6[%add3A, %run_scoped3A_387, %dma_start3A_394] : memref<32x1x2560xf32, #tpu.memory_space<hbm>> -> memref<1x1x640xf32, #tpu.memory_space<hbm>>
      %dma_start3A_396 = tpu.memref_squeeze %dma_start3A_395 : memref<1x1x640xf32, #tpu.memory_space<hbm>> -> memref<640xf32, #tpu.memory_space<hbm>>
      %dma_start3A_397 = arith.constant 0 : i32
      %dma_start3A_398 = tpu.memref_slice %arg11[%dma_start3A_397] : memref<656xf32, #tpu.memory_space<vmem>> -> memref<640xf32, #tpu.memory_space<vmem>>
      tpu.enqueue_dma source(%dma_start3A_398 : memref<640xf32, #tpu.memory_space<vmem>>) target(%dma_start3A_396 : memref<640xf32, #tpu.memory_space<hbm>>) target_semaphore(%run_scoped3A_388 : memref<!tpu.dma_semaphore, #tpu.memory_space<semaphore_mem>>)
      %dma_wait3A_399 = arith.constant 0 : i32
      %dma_wait3A_400 = tpu.memref_slice %arg11[%dma_wait3A_399] : memref<656xf32, #tpu.memory_space<vmem>> -> memref<640xf32, #tpu.memory_space<vmem>>
      %dma_wait3A_401 = arith.constant 1920 : i32
      %dma_wait3A_402 = tpu.memref_slice %arg6[%add3A, %run_scoped3A_387, %dma_wait3A_401] : memref<32x1x2560xf32, #tpu.memory_space<hbm>> -> memref<1x1x640xf32, #tpu.memory_space<hbm>>
      %dma_wait3A_403 = tpu.memref_squeeze %dma_wait3A_402 : memref<1x1x640xf32, #tpu.memory_space<hbm>> -> memref<640xf32, #tpu.memory_space<hbm>>
      %dma_wait3A_404 = arith.constant 1920 : i32
      %dma_wait3A_405 = tpu.memref_slice %arg6[%add3A, %run_scoped3A_387, %dma_wait3A_404] : memref<32x1x2560xf32, #tpu.memory_space<hbm>> -> memref<1x1x640xf32, #tpu.memory_space<hbm>>
      %dma_wait3A_406 = tpu.memref_squeeze %dma_wait3A_405 : memref<1x1x640xf32, #tpu.memory_space<hbm>> -> memref<640xf32, #tpu.memory_space<hbm>>
      %dma_wait3A_407 = arith.constant 0 : i32
      %dma_wait3A_408 = tpu.memref_slice %arg11[%dma_wait3A_407] : memref<656xf32, #tpu.memory_space<vmem>> -> memref<640xf32, #tpu.memory_space<vmem>>
      tpu.wait_dma2 semaphore(%run_scoped3A_388 : memref<!tpu.dma_semaphore, #tpu.memory_space<semaphore_mem>>) src(%dma_wait3A_408 : memref<640xf32, #tpu.memory_space<vmem>>) dst(%dma_wait3A_406 : memref<640xf32, #tpu.memory_space<hbm>>)
      tpu.yield
    }) : () -> ()
    return
  }
}

</mosaic_0001>

<sc_bundles>
// kernel: _run.3.cloned.1.call-start
scs
__scs_entry_jumppad:
0x0: {  	(pc) =	sbr.rel $0x88, $3  }
0x1: {  	(tag) =	ssettag $0x0;
	lr =	simm.s32 $0x1  }
0x2: {  	[smem:$0x3F9D] =	sst lr;
	_ =	strace $0xD0000000  }
0x3: {  	_ = 	snop  }
0x4: {  	_ = 	snop  }
0x5: {  	_ = 	snop  }
0x6: {  	_ = 	snop  }
0x7: {  	_ = 	snop  }
__scs_overlays_trampoline_lowered:
0x8: {  	[smem:$0x3FAC] =	sst s0  }
0x9: {  	[smem:$0x3FAD] =	sst s1  }
0xa: {  	[smem:$0x3FAE] =	sst s2  }
0xb: {  	[smem:$0x3FAF] =	sst s3  }
0xc: {  	[smem:$0x3FB0] =	sst s4  }
0xd: {  	[smem:$0x3FB1] =	sst s5  }
0xe: {  	[smem:$0x3FB2] =	sst s6  }
0xf: {  	[smem:$0x3FB3] =	sst s7  }
0x10: {  	[smem:$0x3FB4] =	sst s8  }
0x11: {  	[smem:$0x3FB5] =	sst s9;
	s0 =	simm.s32 @!p0 $0x0  }
0x12: {  	s1 =	sld [smem:$0x3F9B];
	s0 =	simm.s32 @p0 $0x1  }
0x13: {  	[smem:$0x3FB6] =	sst s0;
	s0 =	simm.s32 @!p1 $0x0  }
0x14: {  	s2 =	sld [smem:$0x3F9A];
	s0 =	simm.s32 @p1 $0x1  }
0x15: {  	[smem:$0x3FB7] =	sst s0;
	s0 =	simm.s32 @!p2 $0x0  }
0x16: {  	s3 =	sld [smem:$0x3FDB];
	s0 =	simm.s32 @p2 $0x1  }
0x17: {  	s4 =	simm.s32 $0x1BF5;
	[smem:$0x3FB9] =	sst s0  }
0x18: {  	s0 =	sld [smem:$0x3F9C];
	_ =	swait.ge [sflag:s4], $0x0  }
0x19: {  	s7 =	sld [smem:$0x3F9D]  }
0x1a: {  	s8 =	sadd.s32 $0xFFFFE003, lr  }
0x1b: {  	s9 =	sadd.s32 $0xFFFFFEF7, lr;
	s5 =	simm.s32 $0xFFFFFFFF;
	p2 =	slt.u32 s8, $0xFFFFF086  }
0x1c: {  	p1 =	slt.u32 s9, $0xF7A;
	s5 =	simm.s32 @!p2 $0x0  }
0x1d: {  	s5 =	simm.s32 @p1 $0x1;
	p0 =	seq.s32 s7, s2  }
0x1e: {  	s7 =	smul.u32 @!p0 $0xF7A, s2;
	p2 =	seq.s32 @!p0 s5, $0x0  }
0x1f: {  	s9 =	smul.u32 $0xF7A, s1;
	s8 =	simm.s32 @!p0 $0x1BF5;
	p2 =	por !p2, p0  }
0x20: {  	[sflag:s8] =	ssyncset.s32 @!p0 $0xFFFFF086;
	s6 =	sadd.s32 @!p0 s3, s7;
	s7 =	simm.s32 @!p0 $0x108  }
0x21: {  	s3 =	sadd.s32 s3, s9;
	s6 =	sadd.s32 @!p0 $0x88, s6;
	s7 =	simm.s32 @p2 $0x1082  }
0x22: {  	[simem:s7], [sflag:s8] =	dma.local @!p0 [hbm:s6], $0xF7A  }
0x23: {  	s9 =	sor.u32 $0xD0000000, s2;
	s6 =	simm.s32 $0x108;
	_ =	swait.ge @!p0 [sflag:s8], $0x0  }
0x24: {  	s3 =	sadd.s32 $0x88, s3;
	s6 =	simm.s32 @!p1 $0x1082;
	[sflag:s4] =	ssyncset.s32 $0xFFFFF086  }
0x25: {  	[simem:s6], [sflag:s4] =	dma.local [hbm:s3], $0xF7A  }
0x26: {  	[smem:$0x3F9D] =	sst s1;
	(tag) =	ssettag s2;
	_ =	strace s9  }
0x27: {  	s1 =	sld [smem:$0x3FAD]  }
0x28: {  	s2 =	sld [smem:$0x3FAE]  }
0x29: {  	s4 =	sld [smem:$0x3FB0]  }
0x2a: {  	p0 =	seq.s32 s5, $0x0;
	s5 =	sld [smem:$0x3FB1]  }
0x2b: {  	s6 =	sld [smem:$0x3FB2]  }
0x2c: {  	s7 =	sld [smem:$0x3FB3]  }
0x2d: {  	s3 =	simm.s32 $0x108;
	s8 =	sld [smem:$0x3FB4]  }
0x2e: {  	s3 =	simm.s32 @!p0 $0x1082;
	s9 =	sld [smem:$0x3FB5]  }
0x2f: {  	lr =	sadd.s32 s0, s3;
	s0 =	sld [smem:$0x3FAC]  }
0x30: {  	s3 =	sld [smem:$0x3FAF]  }
0x31: {  	[smem:$0x3FB8] =	sst s10  }
0x32: {  	s10 =	sld [smem:$0x3FB6];
	_ =	sdelay $0x3  }
0x33: {  	p0 =	seq.s32 s10, $0x1;
	s10 =	sld [smem:$0x3FB8];
	_ =	sdelay $0x3  }
0x34: {  	[smem:$0x3FB8] =	sst s10  }
0x35: {  	s10 =	sld [smem:$0x3FB7];
	_ =	sdelay $0x3  }
0x36: {  	p1 =	seq.s32 s10, $0x1;
	s10 =	sld [smem:$0x3FB8];
	_ =	sdelay $0x3  }
0x37: {  	[smem:$0x3FB8] =	sst s10  }
0x38: {  	s10 =	sld [smem:$0x3FB9]  }
0x39: {  	_ = 	snop;
	(pc) =	sbr.ind lr, $3  }
0x3a: {  	_ = 	snop  }
0x3b: {  	_ = 	snop  }
0x3c: {  	p2 =	seq.s32 s10, $0x1;
	s10 =	sld [smem:$0x3FB8]  }
0x3d: {  	_ =	shalt  }
0x3e: {  	_ =	shalt  }
0x3f: {  	_ =	shalt  }
0x40: {  	_ =	shalt  }
0x41: {  	_ =	shalt  }
0x42: {  	_ =	shalt  }
0x43: {  	_ =	shalt  }
0x44: {  	_ =	shalt  }
0x45: {  	_ =	shalt  }
0x46: {  	_ =	shalt  }
0x47: {  	_ =	shalt  }
0x48: {  	_ =	shalt  }
0x49: {  	_ =	shalt  }
0x4a: {  	_ =	shalt  }
0x4b: {  	_ =	shalt  }
0x4c: {  	_ =	shalt  }
0x4d: {  	_ =	shalt  }
0x4e: {  	_ =	shalt  }
0x4f: {  	_ =	shalt  }
0x50: {  	_ =	shalt  }
0x51: {  	_ =	shalt  }
0x52: {  	_ =	shalt  }
0x53: {  	_ =	shalt  }
0x54: {  	_ =	shalt  }
0x55: {  	_ =	shalt  }
0x56: {  	_ =	shalt  }
0x57: {  	_ =	shalt  }
0x58: {  	_ =	shalt  }
0x59: {  	_ =	shalt  }
0x5a: {  	_ =	shalt  }
0x5b: {  	_ =	shalt  }
0x5c: {  	_ =	shalt  }
0x5d: {  	_ =	shalt  }
0x5e: {  	_ =	shalt  }
0x5f: {  	_ =	shalt  }
0x60: {  	_ =	shalt  }
0x61: {  	_ =	shalt  }
0x62: {  	_ =	shalt  }
0x63: {  	_ =	shalt  }
0x64: {  	_ =	shalt  }
0x65: {  	_ =	shalt  }
0x66: {  	_ =	shalt  }
0x67: {  	_ =	shalt  }
0x68: {  	_ =	shalt  }
0x69: {  	_ =	shalt  }
0x6a: {  	_ =	shalt  }
0x6b: {  	_ =	shalt  }
0x6c: {  	_ =	shalt  }
0x6d: {  	_ =	shalt  }
0x6e: {  	_ =	shalt  }
0x6f: {  	_ =	shalt  }
0x70: {  	_ =	shalt  }
0x71: {  	_ =	shalt  }
0x72: {  	_ =	shalt  }
0x73: {  	_ =	shalt  }
0x74: {  	_ =	shalt  }
0x75: {  	_ =	shalt  }
0x76: {  	_ =	shalt  }
0x77: {  	_ =	shalt  }
0x78: {  	_ =	shalt  }
0x79: {  	_ =	shalt  }
0x7a: {  	_ =	shalt  }
0x7b: {  	_ =	shalt  }
0x7c: {  	_ =	shalt  }
0x7d: {  	_ =	shalt  }
0x7e: {  	_ =	shalt  }
0x7f: {  	_ =	shalt  }
0x80: {  	_ =	shalt  }
0x81: {  	_ =	shalt  }
0x82: {  	_ =	shalt  }
0x83: {  	_ =	shalt  }
0x84: {  	_ =	shalt  }
0x85: {  	_ =	shalt  }
0x86: {  	_ =	shalt  }
0x87: {  	_ =	shalt  }
.Lfunc_end0:
.L_simem_size_0:
called_computation_lowered:
.L_overlay_start_0:
0x88: {  	s2 =	sld [smem:$0x3FD9]  }
0x89: {  	s3 =	sld [smem:$0x3FFE];
	_ =	sdelay $0x1  }
0x8a: {  	s1 =	srdreg.scid  }
0x8b: {  	s0 =	sand.u32 $0x1, s1  }
0x8c: {  	s18 =	sshll.u32 s0, $0xA;
	s2 =	sadd.s32 s3, s2  }
0x8d: {  	s2 =	sadd.s32 s2, s18  }
0x8e: {  	[smem:$0x3FC4] =	sst s2  }
0x8f: {  	_ = 	snop  }
0x90: {  	s2 =	sld [smem:$0x3FC9]  }
0x91: {  	s19 =	sld [smem:$0x3FC8]  }
0x92: {  	s4 =	sld [smem:$0x3FC7]  }
0x93: {  	s5 =	sld [smem:$0x3FC6]  }
0x94: {  	s6 =	sld [smem:$0x3FD0];
	(tm) =	ssettm $0x1  }
0x95: {  	s7 =	sld [smem:$0x3FFB];
	_ =	sdelay $0x3  }
0x96: {  	_ =	strace s7  }
0x97: {  	s7 =	sld [smem:$0x3FFC];
	_ =	sdelay $0x3  }
0x98: {  	_ =	strace s7  }
0x99: {  	s7 =	sld [smem:$0x3FFD];
	_ =	sdelay $0x3  }
0x9a: {  	_ =	strace s7  }
0x9b: {  	_ =	strace $0x8FFFFFFF  }
0x9c: {  	s20 =	sld [smem:$0x3FDB];
	_ =	sdelay $0x1  }
0x9d: {  	s8 =	simm.s32 $_scs_section_size  }
0x9e: {  	s9 =	simm.s32 $_size__tile_overlayer_lowered;
	s10 =	simm.s32 $_tile_overlayer_lowered  }
0x9f: {  	s23 =	simm.s32 $0x1BFF;
	s22 =	sshll.u32 s10, $0x1;
	s7 =	sadd.s32 s8, s20  }
0xa0: {  	s11 =	simm.s32 $0x0;
	s21 =	sshll.u32 s9, $0x1;
	s9 =	sadd.s32 s22, s7  }
0xa1: {  	[timem:s11], [sflag:s23] =	dma.local [hbm:s9], s21  }
0xa2: {  	_ =	swait.ge [sflag:s23], s21  }
0xa3: {  	s8 =	ssub.s32 $0x0, s21;
	[sflag:s23] =	ssyncset.done $0x0  }
0xa4: {  	[sflag:s23] =	ssyncadd.s32 s8;
	_ =	sdelay $0x1  }
0xa5: {  	s24 =	simm.s32 $0x1B8B  }
0xa6: {  	_ =	swait.ge [sflag:s24], $0x1  }
0xa7: {  	[sflag:s24] =	ssyncset.done $0x0  }
0xa8: {  	s25 =	simm.s32 $0x1B8E;
	[sflag:s24] =	ssyncadd.s32 $0xFFFFFFFF  }
0xa9: {  	s26 =	simm.s32 $execute0_lowered;
	[smem:$0x3FD2] =	sst s25  }
0xaa: {  	s8 =	sshll.u32 s26, $0x1;
	_ =	strace $0x80000046;
	[dreg:$0x1] =	wrdreg $0xFFFFFFFF  }
0xab: {  	s28 =	simm.s32 $_size_execute0_lowered;
	s7 =	sadd.s32 s7, s8;
	[dreg:$0x0] =	wrdreg $0x0  }
0xac: {  	s8 =	sshll.u32 s28, $0x1;
	[dreg:$0x2] =	wrdreg s7  }
0xad: {  	[dreg:$0x3] =	wrdreg s8  }
0xae: {  	[dreg:$0x4] =	wrdreg $0xC0  }
0xaf: {  	_ =	task [dreg:s11], $0x5FFFF  }
0xb0: {  	[dreg:$0x1] =	wrdreg $0xFFFFFFFF  }
0xb1: {  	[dreg:$0x0] =	wrdreg $0x60  }
0xb2: {  	[dreg:$0x2] =	wrdreg s2  }
0xb3: {  	[dreg:$0x3] =	wrdreg s19  }
0xb4: {  	[dreg:$0x4] =	wrdreg s4  }
0xb5: {  	[dreg:$0x5] =	wrdreg s5  }
0xb6: {  	[dreg:$0x6] =	wrdreg s6  }
0xb7: {  	[dreg:$0x7] =	wrdreg $0x9  }
0xb8: {  	_ =	task.clear_ibuf [dreg:s11], $0x8FFFF;
	_ =	strace $0x90000046  }
0xb9: {  	s29 =	simm.s32 $0x9;
	_ =	strace $0x80000048  }
0xba: {  	_ =	swait.ge [sflag:s29], $0x1  }
0xbb: {  	[sflag:s29] =	ssyncadd.s32 $0xFFFFFFFF  }
0xbc: {  	_ =	strace $0x90000048  }
0xbd: {  	_ =	sfence  }
0xbe: {  	s30 =	sld [smem:$0x0];
	_ =	sdelay $0x2  }
0xbf: {  	s31 =	sshll.u32 s1, $0xD;
	s1 =	sshrl.u32 s1, $0x2  }
0xc0: {  	s3 =	sand.u32 $0x4000, s31;
	s1 =	sadd.s32 s1, s30  }
0xc1: {  	s0 =	sor.u32 s3, s0;
	s1 =	sshll.u32 s1, $0x11  }
0xc2: {  	s0 =	sor.u32 s1, s0  }
0xc3: {  	s0 =	sadd.s32 $0x8F2B, s0  }
0xc4: {  	[sflag:s0] =	ssyncadd.remote.s32 $0x1  }
0xc5: {  	_ =	sfence.sel $0xFFFF  }
0xc6: {  	[dreg:$0x0] =	wrdreg $0xFFFFFFFF;
	(pc) =	sbr.abs _section_cstart, $3  }
0xc7: {  	[dreg:$0x1] =	wrdreg $0xFFFFFFFF  }
0xc8: {  	_ =	task.clear_ibuf [dreg:s11], $0x2FFFF;
	_ =	strace $0x9FFFFFFF  }
0xc9: {  	(tm) =	ssettm $0x7FFFFFFF  }
tec
execute0_lowered:
.L_overlay_start_1:
0x0: {  	(tag) =	ssettag $0x1  }
0x1: {  	s0 =	rddreg [dreg:$0x0]  }
0x2: {  	s3 =	rddreg [dreg:$0x1]  }
0x3: {  	s1 =	rddreg [dreg:$0x2]  }
0x4: {  	s2 =	rddreg [dreg:$0x3];
	s4 =	srdreg.scid  }
0x5: {  	s7 =	stileid.u32;
	s6 =	rddreg [dreg:$0x4]  }
0x6: {  	s18 =	simm.s32 $0x2;
	s19 =	simm.s32 $0x80;
	s20 =	simm.s32 $0x300  }
0x7: {  	s21 =	simm.s32 $0x4300;
	s28 =	simm.s32 $0x10300;
	s29 =	simm.s32 $0x280  }
0x8: {  	s30 =	simm.s32 $0x14300;
	s5 =	sand.u32 $0x1, s4;
	s7 =	sshll.u32 s7, $0x1  }
0x9: {  	v0 =	vimm.s32 $0xFEDCBA98;
	v1 =	vimm.s32 $0x76543210;
	s31 =	simm.s32 $0x1;
	s4 =	simm.s32 $0x0;
	s7 =	sor.u32 s5, s7  }
0xa: {  	v2 =	vimm.s32 $0xBA98FEDC;
	v3 =	vimm.s32 $0x32107654;
	[smem:$0x7FF] =	sst s4;
	s5 =	ssub.s32 $0x2, s5;
	s8 =	smul.u32 $0xA00, s7  }
0xb: {  	v4 =	vimm.s32 $0xDCFE98BA;
	v5 =	vimm.s32 $0x54761032;
	_ =	strace $0x80000047;
	s9 =	sshrl.u32 s5, $0x1;
	s7 =	sshll.u32 s7, $0x6  }
0xc: {  	v6 =	vimm.s32 $0xEFCDAB89;
	v7 =	vimm.s32 $0x67452301;
	vm0 =	vcmask $0x314;
	s9 =	ssub.s32 s5, s9;
	s5 =	sadd.s32 s0, s7;
	s22 =	sshrl.u32 s8, $0x3  }
0xd: {  	v0 =	vunpack.c.l.s4.s8 v0;
	v1 =	vunpack.c.l.s4.s8 v1;
	v2 =	vunpack.c.l.s4.s8 v2;
	s25 =	sadd.s32 $0x10, s5;
	s11 =	sadd.s32 $0x20, s5;
	s14 =	sadd.s32 $0x30, s5  }
0xe: {  	v3 =	vunpack.c.l.s4.s8 v3;
	v4 =	vunpack.c.l.s4.s8 v4;
	v5 =	vunpack.c.l.s4.s8 v5;
	s17 =	smax.u32 s9, $0x1;
	s23 =	sadd.s32 s3, s22;
	s24 =	sadd.s32 $0x50, s22  }
0xf: {  	v6 =	vunpack.c.l.s4.s8 v6;
	v7 =	vunpack.c.l.s4.s8 v7;
	v0 =	vunpack.c.0.s8.s32 v0;
	s8 =	sadd.s32 $0xA0, s22;
	s10 =	sadd.s32 s6, s22;
	[dreg:$0x8] =	wrdreg s25  }
0x10: {  	v2 =	vunpack.c.0.s8.s32 v2;
	v3 =	vunpack.c.0.s8.s32 v3;
	v4 =	vunpack.c.0.s8.s32 v4;
	s0 =	sadd.s32 $0xF0, s22;
	s22 =	simm.s32 $0x100;
	[dreg:$0x6] =	wrdreg s23  }
0x11: {  	v5 =	vunpack.c.0.s8.s32 v5;
	v6 =	vunpack.c.0.s8.s32 v6;
	v7 =	vunpack.c.0.s8.s32 v7;
	s25 =	simm.s32 $0xC300;
	[dreg:$0x7] =	wrdreg s10;
	s26 =	sadd.s32 s3, s24  }
0x12: {  	vm1 =	vcmask $0x714;
	v1 =	vunpack.c.0.s8.s32 v1;
	v2 =	vcombine.low v3, v2;
	s7 =	sadd.s32 s6, s24;
	s12 =	sadd.s32 s3, s8;
	s13 =	sadd.s32 s6, s8  }
0x13: {  	v3 =	vcombine.low v5, v4;
	v4 =	vcombine.low v7, v6;
	v0 =	vand.u32 $0xF, v0;
	s15 =	sadd.s32 s3, s0;
	s16 =	sadd.s32 s6, s0;
	s23 =	simm.s32 $0x8300  }
0x14: {  	vm2 =	vcmask $0xB14;
	vm3 =	vcmask $0xF14;
	v0 =	vcombine.low v0, v1;
	s24 =	simm.s32 $0x180;
	s3 =	simm.s32 $0x18300;
	[dreg:$0x9] =	wrdreg s26  }
0x15: {  	v1 =	vand.u32 $0xF, v2;
	v2 =	vand.u32 $0xF, v3;
	v3 =	vand.u32 $0xF, v4;
	s0 =	simm.s32 $0x0;
	[dreg:$0xa] =	wrdreg s7;
	s26 =	simm.s32 $0x200  }
.LBB2_1:
0x16: {  	[tilespmem:s4], [sflag:$0x2] =	stream.linear.gather [hbm4b:s5+s4], $0x80, $0x38;
	[tilespmem:$0x18600] =	vst v63  }
0x17: {  	_ =	swait.ge [sflag:s18], $0x80  }
0x18: {  	[sflag:s18] =	ssyncset.done $0x0  }
0x19: {  	s6 =	rddreg [dreg:$0x6];
	[sflag:s18] =	ssyncadd.s32 $0xFFFFFF80  }
0x1a: {  	[tilespmem:s19], [sflag:$0x2] =	stream.linear.gather [hbm4b:s6+s4], $0x280, $0x38;
	[tilespmem:$0x18600] =	vst v63  }
0x1b: {  	_ =	swait.ge [sflag:s18], $0x280  }
0x1c: {  	[sflag:s18] =	ssyncset.done $0x0  }
0x1d: {  	[sflag:s18] =	ssyncadd.s32 $0xFFFFFD80  }
0x1e: {  	[tilespmem:s20], [sflag:$0x1] =	stream.indirect.gather [hbm4b:s1+s19], $0x80, s4, s19, $0xb8;
	[tilespmem:$0x18600] =	vst v63  }
0x1f: {  	_ = 	snop  }
0x20: {  	[tilespmem:s21], [sflag:$0x1] =	stream.indirect.gather [hbm4b:s2+s19], $0x80, s19, s19, $0xb8;
	[tilespmem:$0x18600] =	vst v63  }
0x21: {  	_ = 	snop  }
0x22: {  	[tilespmem:s23], [sflag:$0x1] =	stream.indirect.gather [hbm4b:s2+s19], $0x80, s22, s19, $0xb8;
	[tilespmem:$0x18600] =	vst v63  }
0x23: {  	_ = 	snop  }
0x24: {  	[tilespmem:s25], [sflag:$0x1] =	stream.indirect.gather [hbm4b:s2+s19], $0x80, s24, s19, $0xb8;
	[tilespmem:$0x18600] =	vst v63  }
0x25: {  	_ = 	snop  }
0x26: {  	[tilespmem:s28], [sflag:$0x1] =	stream.indirect.gather [hbm4b:s2+s19], $0x80, s26, s19, $0xb8;
	[tilespmem:$0x18600] =	vst v63  }
0x27: {  	_ = 	snop  }
0x28: {  	[tilespmem:s30], [sflag:$0x1] =	stream.indirect.gather [hbm4b:s2+s19], $0x80, s29, s19, $0xb8;
	[tilespmem:$0x18600] =	vst v63  }
0x29: {  	_ =	swait.ge [sflag:s31], $0x4000  }
0x2a: {  	[sflag:s31] =	ssyncset.done $0x0  }
0x2b: {  	[sflag:s31] =	ssyncadd.s32 $0xFFFFC000  }
0x2c: {  	_ =	swait.ge [sflag:s31], $0x4000  }
0x2d: {  	[sflag:s31] =	ssyncset.done $0x0  }
0x2e: {  	[sflag:s31] =	ssyncadd.s32 $0xFFFFC000  }
0x2f: {  	_ =	swait.ge [sflag:s31], $0x4000  }
0x30: {  	[sflag:s31] =	ssyncset.done $0x0  }
0x31: {  	[sflag:s31] =	ssyncadd.s32 $0xFFFFC000  }
0x32: {  	_ =	swait.ge [sflag:s31], $0x4000  }
0x33: {  	[sflag:s31] =	ssyncset.done $0x0  }
0x34: {  	[sflag:s31] =	ssyncadd.s32 $0xFFFFC000  }
0x35: {  	_ =	swait.ge [sflag:s31], $0x4000  }
0x36: {  	[sflag:s31] =	ssyncset.done $0x0  }
0x37: {  	[sflag:s31] =	ssyncadd.s32 $0xFFFFC000  }
0x38: {  	_ =	swait.ge [sflag:s31], $0x4000  }
0x39: {  	[sflag:s31] =	ssyncset.done $0x0  }
0x3a: {  	s7 =	simm.s32 $0x4420;
	[sflag:s31] =	ssyncadd.s32 $0xFFFFC000  }
0x3b: {  	v6 =	vld [tilespmem:s7+$0x10]  }
0x3c: {  	v11 =	vld [tilespmem:s7+$0x80]  }
0x3d: {  	v10 =	vld [tilespmem:s7+$0xE0]  }
0x3e: {  	v9 =	vld [tilespmem:s7+$0xF0]  }
0x3f: {  	v7 =	vld [tilespmem:s7+$0xFFFFFF10]  }
0x40: {  	v13 =	vld [tilespmem:s7+$0x60]  }
0x41: {  	v8 =	vld [tilespmem:s7+$0x70]  }
0x42: {  	v18 =	vld [tilespmem:s7+$0xFFFFFF00]  }
0x43: {  	v14 =	vld [tilespmem:s7+$0xFFFFFFE0]  }
0x44: {  	v16 =	vld [tilespmem:s7+$0xFFFFFEE0]  }
0x45: {  	s8 =	simm.s32 $0x320;
	v12 =	vld [tilespmem:s7+$0xFFFFFEF0]  }
0x46: {  	v4 =	vld [tilespmem:s8+$0x10]  }
0x47: {  	v5 =	vld [tilespmem:s8+$0x0]  }
0x48: {  	v17 =	vld [tilespmem:s8+$0xFFFFFFE0]  }
0x49: {  	v20 =	vld [tilespmem:s7+$0xFFFFFF60]  }
0x4a: {  	v15 =	vld [tilespmem:s8+$0xFFFFFFF0]  }
0x4b: {  	s9 =	simm.s32 $0x14;
	s6 =	simm.s32 $0x0;
	v19 =	vld [tilespmem:s7+$0xFFFFFF70];
	v7 =	vmul.f32 v7, v4;
	v6 =	vmul.f32 v6, v4  }
.LBB2_2:
0x4c: {  	p0 =	sne.s32 s9, $0x9EC;
	v18 =	vmul.f32 v18, v5;
	v21 =	vld [tilespmem:s7+$0xFFFFFFF0];
	v11 =	vmul.f32 v11, v5  }
0x4d: {  	v22 =	vld [tilespmem:s7+$0xFFFFFF80];
	v13 =	vmul.f32 v13, v17;
	v10 =	vmul.f32 v10, v17  }
0x4e: {  	v16 =	vmul.f32 v16, v17;
	v14 =	vmul.f32 v14, v17;
	v23 =	vld [tilespmem:s7+$0x0]  }
0x4f: {  	v17 =	vmul.f32 v20, v17;
	v20 =	vld [tilespmem:s7+$0xFFFFFF90];
	v9 =	vmul.f32 v9, v15  }
0x50: {  	v12 =	vmul.f32 v12, v15;
	v19 =	vmul.f32 v19, v15;
	v24 =	vld [tilespmem:s7+$0x100]  }
0x51: {  	v8 =	vmul.f32 v8, v15;
	v21 =	vmul.f32 v21, v15;
	v15 =	vld [tilespmem:s7+$0x90];
	v9 =	vadd.f32 v9, v10  }
0x52: {  	v10 =	vadd.f32 v12, v16;
	v12 =	vadd.f32 v19, v17;
	v16 =	vmul.f32 v22, v5;
	v17 =	vld [tilespmem:s7+$0x110]  }
0x53: {  	v8 =	vadd.f32 v8, v13;
	v14 =	vadd.f32 v21, v14;
	v19 =	vmul.f32 v23, v5  }
0x54: {  	v10 =	vadd.f32 v18, v10;
	v12 =	vadd.f32 v16, v12;
	v13 =	vmul.f32 v20, v4  }
0x55: {  	v8 =	vadd.f32 v11, v8;
	v14 =	vadd.f32 v19, v14;
	v5 =	vmul.f32 v24, v5  }
0x56: {  	v7 =	vadd.f32 v7, v10;
	v10 =	vadd.f32 v13, v12;
	v11 =	vmul.f32 v15, v4  }
0x57: {  	v6 =	vadd.f32 v6, v14;
	v5 =	vadd.f32 v5, v9;
	v4 =	vmul.f32 v17, v4  }
0x58: {  	v9 =	vperm.xlane v7, v0;
	v12 =	vperm.xlane v10, v0;
	v8 =	vadd.f32 v11, v8  }
0x59: {  	v11 =	vperm.xlane v6, v0;
	v4 =	vadd.f32 v4, v5  }
0x5a: {  	v5 =	vadd.f32 v7, v9;
	v7 =	vadd.f32 v10, v12;
	v9 =	vperm.xlane v8, v0  }
0x5b: {  	v6 =	vadd.f32 v6, v11;
	v10 =	vperm.xlane v4, v0  }
0x5c: {  	v11 =	vperm.xlane v5, v1;
	v12 =	vperm.xlane v7, v1;
	v8 =	vadd.f32 v8, v9  }
0x5d: {  	v9 =	vperm.xlane v6, v1;
	v4 =	vadd.f32 v4, v10  }
0x5e: {  	v5 =	vadd.f32 v5, v11;
	v7 =	vadd.f32 v7, v12;
	v10 =	vperm.xlane v8, v1  }
0x5f: {  	v6 =	vadd.f32 v6, v9;
	v9 =	vperm.xlane v4, v1  }
0x60: {  	v11 =	vperm.xlane v5, v2;
	v12 =	vperm.xlane v7, v2;
	v8 =	vadd.f32 v8, v10  }
0x61: {  	v10 =	vperm.xlane v6, v2;
	v4 =	vadd.f32 v4, v9  }
0x62: {  	v5 =	vadd.f32 v5, v11;
	v7 =	vadd.f32 v7, v12;
	v9 =	vperm.xlane v8, v2  }
0x63: {  	v6 =	vadd.f32 v6, v10;
	v10 =	vperm.xlane v4, v2  }
0x64: {  	v11 =	vperm.xlane v5, v3;
	v12 =	vperm.xlane v7, v3;
	v8 =	vadd.f32 v8, v9  }
0x65: {  	v9 =	vperm.xlane v6, v3;
	v4 =	vadd.f32 v4, v10  }
0x66: {  	v5 =	vadd.f32 v5, v11;
	v7 =	vadd.f32 v7, v12;
	v10 =	vperm.xlane v8, v3  }
0x67: {  	v6 =	vadd.f32 v6, v9;
	v9 =	vperm.xlane v4, v3  }
0x68: {  	v5 =	vsel vm0, v5, v7;
	v7 =	vadd.f32 v8, v10  }
0x69: {  	v5 =	vsel vm1, v5, v6;
	v4 =	vadd.f32 v4, v9  }
0x6a: {  	v5 =	vsel vm2, v5, v7  }
0x6b: {  	s10 =	sshra.s32 s6, $0x2;
	s6 =	smov.u32 s9;
	v4 =	vsel vm3, v5, v4  }
0x6c: {  	s7 =	sadd.s32 $0x280, s7;
	[tilespmem:s10+$0x18300] =	vst v4  }
0x6d: {  	v6 =	vld [tilespmem:s7+$0x10]  }
0x6e: {  	v11 =	vld [tilespmem:s7+$0x80]  }
0x6f: {  	v10 =	vld [tilespmem:s7+$0xE0]  }
0x70: {  	v9 =	vld [tilespmem:s7+$0xF0]  }
0x71: {  	v7 =	vld [tilespmem:s7+$0xFFFFFF10]  }
0x72: {  	v13 =	vld [tilespmem:s7+$0x60]  }
0x73: {  	v8 =	vld [tilespmem:s7+$0x70]  }
0x74: {  	v18 =	vld [tilespmem:s7+$0xFFFFFF00]  }
0x75: {  	v14 =	vld [tilespmem:s7+$0xFFFFFFE0]  }
0x76: {  	v16 =	vld [tilespmem:s7+$0xFFFFFEE0]  }
0x77: {  	s8 =	sadd.s32 $0x80, s8;
	v12 =	vld [tilespmem:s7+$0xFFFFFEF0]  }
0x78: {  	v4 =	vld [tilespmem:s8+$0x10]  }
.Ltmp0:
0x79: {  	v5 =	vld [tilespmem:s8+$0x0];
	(pc) =	sbr.rel @p0 .LBB2_2-.Ltmp0, $4  }
0x7a: {  	v17 =	vld [tilespmem:s8+$0xFFFFFFE0]  }
0x7b: {  	v20 =	vld [tilespmem:s7+$0xFFFFFF60]  }
0x7c: {  	v15 =	vld [tilespmem:s8+$0xFFFFFFF0]  }
0x7d: {  	s9 =	sadd.s32 $0x14, s9;
	v7 =	vmul.f32 v7, v4;
	v19 =	vld [tilespmem:s7+$0xFFFFFF70];
	v6 =	vmul.f32 v6, v4  }
0x7e: {  	v18 =	vmul.f32 v18, v5;
	v21 =	vld [tilespmem:s7+$0xFFFFFFF0];
	v11 =	vmul.f32 v11, v5  }
0x7f: {  	v22 =	vld [tilespmem:s7+$0xFFFFFF80];
	v13 =	vmul.f32 v13, v17;
	v10 =	vmul.f32 v10, v17  }
0x80: {  	v23 =	vld [tilespmem:s7+$0x0];
	v16 =	vmul.f32 v16, v17;
	v14 =	vmul.f32 v14, v17  }
0x81: {  	v17 =	vmul.f32 v20, v17;
	v20 =	vld [tilespmem:s7+$0xFFFFFF90];
	v9 =	vmul.f32 v9, v15  }
0x82: {  	v24 =	vld [tilespmem:s7+$0x100];
	v12 =	vmul.f32 v12, v15;
	v19 =	vmul.f32 v19, v15  }
0x83: {  	v8 =	vmul.f32 v8, v15;
	v21 =	vmul.f32 v21, v15;
	v15 =	vld [tilespmem:s7+$0x90];
	v9 =	vadd.f32 v9, v10  }
0x84: {  	v10 =	vadd.f32 v12, v16;
	v16 =	vmul.f32 v22, v5;
	v12 =	vadd.f32 v19, v17;
	v17 =	vld [tilespmem:s7+$0x110]  }
0x85: {  	v8 =	vadd.f32 v8, v13;
	v19 =	vmul.f32 v23, v5;
	v14 =	vadd.f32 v21, v14  }
0x86: {  	v10 =	vadd.f32 v18, v10;
	v13 =	vmul.f32 v20, v4;
	v12 =	vadd.f32 v16, v12  }
0x87: {  	v5 =	vmul.f32 v24, v5;
	v8 =	vadd.f32 v11, v8;
	v14 =	vadd.f32 v19, v14  }
0x88: {  	v7 =	vadd.f32 v7, v10;
	v10 =	vadd.f32 v13, v12;
	v11 =	vmul.f32 v15, v4  }
0x89: {  	v5 =	vadd.f32 v5, v9;
	v6 =	vadd.f32 v6, v14;
	v4 =	vmul.f32 v17, v4  }
0x8a: {  	v9 =	vperm.xlane v7, v0;
	v12 =	vperm.xlane v10, v0;
	v8 =	vadd.f32 v11, v8  }
0x8b: {  	v11 =	vperm.xlane v6, v0;
	v4 =	vadd.f32 v4, v5  }
0x8c: {  	v5 =	vadd.f32 v7, v9;
	v7 =	vadd.f32 v10, v12;
	v9 =	vperm.xlane v8, v0  }
0x8d: {  	v6 =	vadd.f32 v6, v11;
	v10 =	vperm.xlane v4, v0  }
0x8e: {  	v11 =	vperm.xlane v5, v1;
	v12 =	vperm.xlane v7, v1;
	v8 =	vadd.f32 v8, v9  }
0x8f: {  	v9 =	vperm.xlane v6, v1;
	v4 =	vadd.f32 v4, v10  }
0x90: {  	v5 =	vadd.f32 v5, v11;
	v7 =	vadd.f32 v7, v12;
	v10 =	vperm.xlane v8, v1  }
0x91: {  	v6 =	vadd.f32 v6, v9;
	v9 =	vperm.xlane v4, v1  }
0x92: {  	v11 =	vperm.xlane v5, v2;
	v12 =	vperm.xlane v7, v2;
	v8 =	vadd.f32 v8, v10  }
0x93: {  	v10 =	vperm.xlane v6, v2;
	v4 =	vadd.f32 v4, v9  }
0x94: {  	v5 =	vadd.f32 v5, v11;
	v7 =	vadd.f32 v7, v12;
	v9 =	vperm.xlane v8, v2  }
0x95: {  	v6 =	vadd.f32 v6, v10;
	v10 =	vperm.xlane v4, v2  }
0x96: {  	v11 =	vperm.xlane v5, v3;
	v12 =	vperm.xlane v7, v3;
	v8 =	vadd.f32 v8, v9  }
0x97: {  	v9 =	vperm.xlane v6, v3;
	v4 =	vadd.f32 v4, v10  }
0x98: {  	v5 =	vadd.f32 v5, v11;
	v7 =	vadd.f32 v7, v12;
	v10 =	vperm.xlane v8, v3  }
0x99: {  	v6 =	vadd.f32 v6, v9;
	v9 =	vperm.xlane v4, v3  }
0x9a: {  	v5 =	vsel vm0, v5, v7;
	v7 =	vadd.f32 v8, v10  }
0x9b: {  	v5 =	vsel vm1, v5, v6;
	v4 =	vadd.f32 v4, v9  }
0x9c: {  	v5 =	vsel vm2, v5, v7  }
0x9d: {  	s6 =	sshra.s32 s6, $0x2;
	v4 =	vsel vm3, v5, v4  }
0x9e: {  	s8 =	rddreg [dreg:$0x7];
	[tilespmem:s6+$0x18300] =	vst v4;
	s6 =	simm.s32 $0x0  }
0x9f: {  	[hbm4b:s8+s6] =	stream.linear.scatter [tilespmem:s3], [sflag:$0x2], $0x280, $0x38;
	[tilespmem:$0x18600] =	vst v63  }
0xa0: {  	_ =	swait.ge [sflag:s18], $0x280  }
0xa1: {  	[sflag:s18] =	ssyncset.done $0x0  }
0xa2: {  	s9 =	rddreg [dreg:$0x8];
	[sflag:s18] =	ssyncadd.s32 $0xFFFFFD80  }
0xa3: {  	[tilespmem:s6], [sflag:$0x2] =	stream.linear.gather [hbm4b:s9+s6], $0x80, $0x38;
	[tilespmem:$0x18600] =	vst v63  }
0xa4: {  	_ =	swait.ge [sflag:s18], $0x80  }
0xa5: {  	[sflag:s18] =	ssyncset.done $0x0  }
0xa6: {  	s10 =	rddreg [dreg:$0x9];
	[sflag:s18] =	ssyncadd.s32 $0xFFFFFF80  }
0xa7: {  	[tilespmem:s19], [sflag:$0x2] =	stream.linear.gather [hbm4b:s10+s6], $0x280, $0x38;
	[tilespmem:$0x18600] =	vst v63  }
0xa8: {  	_ =	swait.ge [sflag:s18], $0x280  }
0xa9: {  	[sflag:s18] =	ssyncset.done $0x0  }
0xaa: {  	[sflag:s18] =	ssyncadd.s32 $0xFFFFFD80  }
0xab: {  	[tilespmem:s20], [sflag:$0x1] =	stream.indirect.gather [hbm4b:s1+s19], $0x80, s6, s19, $0xb8;
	[tilespmem:$0x18600] =	vst v63  }
0xac: {  	_ = 	snop  }
0xad: {  	[tilespmem:s21], [sflag:$0x1] =	stream.indirect.gather [hbm4b:s2+s19], $0x80, s19, s19, $0xb8;
	[tilespmem:$0x18600] =	vst v63  }
0xae: {  	_ = 	snop  }
0xaf: {  	[tilespmem:s23], [sflag:$0x1] =	stream.indirect.gather [hbm4b:s2+s19], $0x80, s22, s19, $0xb8;
	[tilespmem:$0x18600] =	vst v63  }
0xb0: {  	_ = 	snop  }
0xb1: {  	[tilespmem:s25], [sflag:$0x1] =	stream.indirect.gather [hbm4b:s2+s19], $0x80, s24, s19, $0xb8;
	[tilespmem:$0x18600] =	vst v63  }
0xb2: {  	_ = 	snop  }
0xb3: {  	[tilespmem:s28], [sflag:$0x1] =	stream.indirect.gather [hbm4b:s2+s19], $0x80, s26, s19, $0xb8;
	[tilespmem:$0x18600] =	vst v63  }
0xb4: {  	_ = 	snop  }
0xb5: {  	[tilespmem:s30], [sflag:$0x1] =	stream.indirect.gather [hbm4b:s2+s19], $0x80, s29, s19, $0xb8;
	[tilespmem:$0x18600] =	vst v63  }
0xb6: {  	_ =	swait.ge [sflag:s31], $0x4000  }
0xb7: {  	[sflag:s31] =	ssyncset.done $0x0  }
0xb8: {  	[sflag:s31] =	ssyncadd.s32 $0xFFFFC000  }
0xb9: {  	_ =	swait.ge [sflag:s31], $0x4000  }
0xba: {  	[sflag:s31] =	ssyncset.done $0x0  }
0xbb: {  	[sflag:s31] =	ssyncadd.s32 $0xFFFFC000  }
0xbc: {  	_ =	swait.ge [sflag:s31], $0x4000  }
0xbd: {  	[sflag:s31] =	ssyncset.done $0x0  }
0xbe: {  	[sflag:s31] =	ssyncadd.s32 $0xFFFFC000  }
0xbf: {  	_ =	swait.ge [sflag:s31], $0x4000  }
0xc0: {  	[sflag:s31] =	ssyncset.done $0x0  }
0xc1: {  	[sflag:s31] =	ssyncadd.s32 $0xFFFFC000  }
0xc2: {  	_ =	swait.ge [sflag:s31], $0x4000  }
0xc3: {  	[sflag:s31] =	ssyncset.done $0x0  }
0xc4: {  	[sflag:s31] =	ssyncadd.s32 $0xFFFFC000  }
0xc5: {  	_ =	swait.ge [sflag:s31], $0x4000  }
0xc6: {  	[sflag:s31] =	ssyncset.done $0x0  }
0xc7: {  	s7 =	simm.s32 $0x4420;
	[sflag:s31] =	ssyncadd.s32 $0xFFFFC000  }
0xc8: {  	v6 =	vld [tilespmem:s7+$0x10]  }
0xc9: {  	v11 =	vld [tilespmem:s7+$0x80]  }
0xca: {  	v10 =	vld [tilespmem:s7+$0xE0]  }
0xcb: {  	v9 =	vld [tilespmem:s7+$0xF0]  }
0xcc: {  	v7 =	vld [tilespmem:s7+$0xFFFFFF10]  }
0xcd: {  	v13 =	vld [tilespmem:s7+$0x60]  }
0xce: {  	v8 =	vld [tilespmem:s7+$0x70]  }
0xcf: {  	v18 =	vld [tilespmem:s7+$0xFFFFFF00]  }
0xd0: {  	v14 =	vld [tilespmem:s7+$0xFFFFFFE0]  }
0xd1: {  	v16 =	vld [tilespmem:s7+$0xFFFFFEE0]  }
0xd2: {  	s8 =	simm.s32 $0x320;
	v12 =	vld [tilespmem:s7+$0xFFFFFEF0]  }
0xd3: {  	v4 =	vld [tilespmem:s8+$0x10]  }
0xd4: {  	v5 =	vld [tilespmem:s8+$0x0]  }
0xd5: {  	v17 =	vld [tilespmem:s8+$0xFFFFFFE0]  }
0xd6: {  	v20 =	vld [tilespmem:s7+$0xFFFFFF60]  }
0xd7: {  	v15 =	vld [tilespmem:s8+$0xFFFFFFF0]  }
0xd8: {  	s9 =	simm.s32 $0x14;
	v19 =	vld [tilespmem:s7+$0xFFFFFF70];
	v7 =	vmul.f32 v7, v4;
	v6 =	vmul.f32 v6, v4  }
.LBB2_4:
0xd9: {  	p0 =	sne.s32 s9, $0x9EC;
	v18 =	vmul.f32 v18, v5;
	v21 =	vld [tilespmem:s7+$0xFFFFFFF0];
	v11 =	vmul.f32 v11, v5  }
0xda: {  	v22 =	vld [tilespmem:s7+$0xFFFFFF80];
	v13 =	vmul.f32 v13, v17;
	v10 =	vmul.f32 v10, v17  }
0xdb: {  	v16 =	vmul.f32 v16, v17;
	v14 =	vmul.f32 v14, v17;
	v23 =	vld [tilespmem:s7+$0x0]  }
0xdc: {  	v17 =	vmul.f32 v20, v17;
	v20 =	vld [tilespmem:s7+$0xFFFFFF90];
	v9 =	vmul.f32 v9, v15  }
0xdd: {  	v12 =	vmul.f32 v12, v15;
	v19 =	vmul.f32 v19, v15;
	v24 =	vld [tilespmem:s7+$0x100]  }
0xde: {  	v8 =	vmul.f32 v8, v15;
	v21 =	vmul.f32 v21, v15;
	v15 =	vld [tilespmem:s7+$0x90];
	v9 =	vadd.f32 v9, v10  }
0xdf: {  	v10 =	vadd.f32 v12, v16;
	v12 =	vadd.f32 v19, v17;
	v16 =	vmul.f32 v22, v5;
	v17 =	vld [tilespmem:s7+$0x110]  }
0xe0: {  	v8 =	vadd.f32 v8, v13;
	v14 =	vadd.f32 v21, v14;
	v19 =	vmul.f32 v23, v5  }
0xe1: {  	v10 =	vadd.f32 v18, v10;
	v12 =	vadd.f32 v16, v12;
	v13 =	vmul.f32 v20, v4  }
0xe2: {  	v8 =	vadd.f32 v11, v8;
	v14 =	vadd.f32 v19, v14;
	v5 =	vmul.f32 v24, v5  }
0xe3: {  	v7 =	vadd.f32 v7, v10;
	v10 =	vadd.f32 v13, v12;
	v11 =	vmul.f32 v15, v4  }
0xe4: {  	v6 =	vadd.f32 v6, v14;
	v5 =	vadd.f32 v5, v9;
	v4 =	vmul.f32 v17, v4  }
0xe5: {  	v9 =	vperm.xlane v7, v0;
	v12 =	vperm.xlane v10, v0;
	v8 =	vadd.f32 v11, v8  }
0xe6: {  	v11 =	vperm.xlane v6, v0;
	v4 =	vadd.f32 v4, v5  }
0xe7: {  	v5 =	vadd.f32 v7, v9;
	v7 =	vadd.f32 v10, v12;
	v9 =	vperm.xlane v8, v0  }
0xe8: {  	v6 =	vadd.f32 v6, v11;
	v10 =	vperm.xlane v4, v0  }
0xe9: {  	v11 =	vperm.xlane v5, v1;
	v12 =	vperm.xlane v7, v1;
	v8 =	vadd.f32 v8, v9  }
0xea: {  	v9 =	vperm.xlane v6, v1;
	v4 =	vadd.f32 v4, v10  }
0xeb: {  	v5 =	vadd.f32 v5, v11;
	v7 =	vadd.f32 v7, v12;
	v10 =	vperm.xlane v8, v1  }
0xec: {  	v6 =	vadd.f32 v6, v9;
	v9 =	vperm.xlane v4, v1  }
0xed: {  	v11 =	vperm.xlane v5, v2;
	v12 =	vperm.xlane v7, v2;
	v8 =	vadd.f32 v8, v10  }
0xee: {  	v10 =	vperm.xlane v6, v2;
	v4 =	vadd.f32 v4, v9  }
0xef: {  	v5 =	vadd.f32 v5, v11;
	v7 =	vadd.f32 v7, v12;
	v9 =	vperm.xlane v8, v2  }
0xf0: {  	v6 =	vadd.f32 v6, v10;
	v10 =	vperm.xlane v4, v2  }
0xf1: {  	v11 =	vperm.xlane v5, v3;
	v12 =	vperm.xlane v7, v3;
	v8 =	vadd.f32 v8, v9  }
0xf2: {  	v9 =	vperm.xlane v6, v3;
	v4 =	vadd.f32 v4, v10  }
0xf3: {  	v5 =	vadd.f32 v5, v11;
	v7 =	vadd.f32 v7, v12;
	v10 =	vperm.xlane v8, v3  }
0xf4: {  	v6 =	vadd.f32 v6, v9;
	v9 =	vperm.xlane v4, v3  }
0xf5: {  	v5 =	vsel vm0, v5, v7;
	v7 =	vadd.f32 v8, v10  }
0xf6: {  	v5 =	vsel vm1, v5, v6;
	v4 =	vadd.f32 v4, v9  }
0xf7: {  	v5 =	vsel vm2, v5, v7  }
0xf8: {  	s10 =	sshra.s32 s6, $0x2;
	s6 =	smov.u32 s9;
	v4 =	vsel vm3, v5, v4  }
0xf9: {  	s7 =	sadd.s32 $0x280, s7;
	[tilespmem:s10+$0x18300] =	vst v4  }
0xfa: {  	v6 =	vld [tilespmem:s7+$0x10]  }
0xfb: {  	v11 =	vld [tilespmem:s7+$0x80]  }
0xfc: {  	v10 =	vld [tilespmem:s7+$0xE0]  }
0xfd: {  	v9 =	vld [tilespmem:s7+$0xF0]  }
0xfe: {  	v7 =	vld [tilespmem:s7+$0xFFFFFF10]  }
0xff: {  	v13 =	vld [tilespmem:s7+$0x60]  }
0x100: {  	v8 =	vld [tilespmem:s7+$0x70]  }
0x101: {  	v18 =	vld [tilespmem:s7+$0xFFFFFF00]  }
0x102: {  	v14 =	vld [tilespmem:s7+$0xFFFFFFE0]  }
0x103: {  	v16 =	vld [tilespmem:s7+$0xFFFFFEE0]  }
0x104: {  	s8 =	sadd.s32 $0x80, s8;
	v12 =	vld [tilespmem:s7+$0xFFFFFEF0]  }
0x105: {  	v4 =	vld [tilespmem:s8+$0x10]  }
.Ltmp1:
0x106: {  	v5 =	vld [tilespmem:s8+$0x0];
	(pc) =	sbr.rel @p0 .LBB2_4-.Ltmp1, $4  }
0x107: {  	v17 =	vld [tilespmem:s8+$0xFFFFFFE0]  }
0x108: {  	v20 =	vld [tilespmem:s7+$0xFFFFFF60]  }
0x109: {  	v15 =	vld [tilespmem:s8+$0xFFFFFFF0]  }
0x10a: {  	s9 =	sadd.s32 $0x14, s9;
	v7 =	vmul.f32 v7, v4;
	v19 =	vld [tilespmem:s7+$0xFFFFFF70];
	v6 =	vmul.f32 v6, v4  }
0x10b: {  	v18 =	vmul.f32 v18, v5;
	v21 =	vld [tilespmem:s7+$0xFFFFFFF0];
	v11 =	vmul.f32 v11, v5  }
0x10c: {  	v22 =	vld [tilespmem:s7+$0xFFFFFF80];
	v13 =	vmul.f32 v13, v17;
	v10 =	vmul.f32 v10, v17  }
0x10d: {  	v23 =	vld [tilespmem:s7+$0x0];
	v16 =	vmul.f32 v16, v17;
	v14 =	vmul.f32 v14, v17  }
0x10e: {  	v17 =	vmul.f32 v20, v17;
	v20 =	vld [tilespmem:s7+$0xFFFFFF90];
	v9 =	vmul.f32 v9, v15  }
0x10f: {  	v24 =	vld [tilespmem:s7+$0x100];
	v12 =	vmul.f32 v12, v15;
	v19 =	vmul.f32 v19, v15  }
0x110: {  	v8 =	vmul.f32 v8, v15;
	v21 =	vmul.f32 v21, v15;
	v15 =	vld [tilespmem:s7+$0x90];
	v9 =	vadd.f32 v9, v10  }
0x111: {  	v10 =	vadd.f32 v12, v16;
	v16 =	vmul.f32 v22, v5;
	v12 =	vadd.f32 v19, v17;
	v17 =	vld [tilespmem:s7+$0x110]  }
0x112: {  	v8 =	vadd.f32 v8, v13;
	v19 =	vmul.f32 v23, v5;
	v14 =	vadd.f32 v21, v14  }
0x113: {  	v10 =	vadd.f32 v18, v10;
	v13 =	vmul.f32 v20, v4;
	v12 =	vadd.f32 v16, v12  }
0x114: {  	v5 =	vmul.f32 v24, v5;
	v8 =	vadd.f32 v11, v8;
	v14 =	vadd.f32 v19, v14  }
0x115: {  	v7 =	vadd.f32 v7, v10;
	v10 =	vadd.f32 v13, v12;
	v11 =	vmul.f32 v15, v4  }
0x116: {  	v5 =	vadd.f32 v5, v9;
	v6 =	vadd.f32 v6, v14;
	v4 =	vmul.f32 v17, v4  }
0x117: {  	v9 =	vperm.xlane v7, v0;
	v12 =	vperm.xlane v10, v0;
	v8 =	vadd.f32 v11, v8  }
0x118: {  	v11 =	vperm.xlane v6, v0;
	v4 =	vadd.f32 v4, v5  }
0x119: {  	v5 =	vadd.f32 v7, v9;
	v7 =	vadd.f32 v10, v12;
	v9 =	vperm.xlane v8, v0  }
0x11a: {  	v6 =	vadd.f32 v6, v11;
	v10 =	vperm.xlane v4, v0  }
0x11b: {  	v11 =	vperm.xlane v5, v1;
	v12 =	vperm.xlane v7, v1;
	v8 =	vadd.f32 v8, v9  }
0x11c: {  	v9 =	vperm.xlane v6, v1;
	v4 =	vadd.f32 v4, v10  }
0x11d: {  	v5 =	vadd.f32 v5, v11;
	v7 =	vadd.f32 v7, v12;
	v10 =	vperm.xlane v8, v1  }
0x11e: {  	v6 =	vadd.f32 v6, v9;
	v9 =	vperm.xlane v4, v1  }
0x11f: {  	v11 =	vperm.xlane v5, v2;
	v12 =	vperm.xlane v7, v2;
	v8 =	vadd.f32 v8, v10  }
0x120: {  	v10 =	vperm.xlane v6, v2;
	v4 =	vadd.f32 v4, v9  }
0x121: {  	v5 =	vadd.f32 v5, v11;
	v7 =	vadd.f32 v7, v12;
	v9 =	vperm.xlane v8, v2  }
0x122: {  	v6 =	vadd.f32 v6, v10;
	v10 =	vperm.xlane v4, v2  }
0x123: {  	v11 =	vperm.xlane v5, v3;
	v12 =	vperm.xlane v7, v3;
	v8 =	vadd.f32 v8, v9  }
0x124: {  	v9 =	vperm.xlane v6, v3;
	v4 =	vadd.f32 v4, v10  }
0x125: {  	v5 =	vadd.f32 v5, v11;
	v7 =	vadd.f32 v7, v12;
	v10 =	vperm.xlane v8, v3  }
0x126: {  	v6 =	vadd.f32 v6, v9;
	v9 =	vperm.xlane v4, v3  }
0x127: {  	v5 =	vsel vm0, v5, v7;
	v7 =	vadd.f32 v8, v10  }
0x128: {  	v5 =	vsel vm1, v5, v6;
	v4 =	vadd.f32 v4, v9  }
0x129: {  	v5 =	vsel vm2, v5, v7  }
0x12a: {  	s6 =	sshra.s32 s6, $0x2;
	v4 =	vsel vm3, v5, v4  }
0x12b: {  	s10 =	rddreg [dreg:$0xa];
	[tilespmem:s6+$0x18300] =	vst v4;
	s6 =	simm.s32 $0x0  }
0x12c: {  	[hbm4b:s10+s6] =	stream.linear.scatter [tilespmem:s3], [sflag:$0x2], $0x280, $0x38;
	[tilespmem:$0x18600] =	vst v63  }
0x12d: {  	_ =	swait.ge [sflag:s18], $0x280  }
0x12e: {  	[sflag:s18] =	ssyncset.done $0x0  }
0x12f: {  	[sflag:s18] =	ssyncadd.s32 $0xFFFFFD80  }
0x130: {  	[tilespmem:s6], [sflag:$0x2] =	stream.linear.gather [hbm4b:s11+s6], $0x80, $0x38;
	[tilespmem:$0x18600] =	vst v63  }
0x131: {  	_ =	swait.ge [sflag:s18], $0x80  }
0x132: {  	[sflag:s18] =	ssyncset.done $0x0  }
0x133: {  	[sflag:s18] =	ssyncadd.s32 $0xFFFFFF80  }
0x134: {  	[tilespmem:s19], [sflag:$0x2] =	stream.linear.gather [hbm4b:s12+s6], $0x280, $0x38;
	[tilespmem:$0x18600] =	vst v63  }
0x135: {  	_ =	swait.ge [sflag:s18], $0x280  }
0x136: {  	[sflag:s18] =	ssyncset.done $0x0  }
0x137: {  	[sflag:s18] =	ssyncadd.s32 $0xFFFFFD80  }
0x138: {  	[tilespmem:s20], [sflag:$0x1] =	stream.indirect.gather [hbm4b:s1+s19], $0x80, s6, s19, $0xb8;
	[tilespmem:$0x18600] =	vst v63  }
0x139: {  	_ = 	snop  }
0x13a: {  	[tilespmem:s21], [sflag:$0x1] =	stream.indirect.gather [hbm4b:s2+s19], $0x80, s19, s19, $0xb8;
	[tilespmem:$0x18600] =	vst v63  }
0x13b: {  	_ = 	snop  }
0x13c: {  	[tilespmem:s23], [sflag:$0x1] =	stream.indirect.gather [hbm4b:s2+s19], $0x80, s22, s19, $0xb8;
	[tilespmem:$0x18600] =	vst v63  }
0x13d: {  	_ = 	snop  }
0x13e: {  	[tilespmem:s25], [sflag:$0x1] =	stream.indirect.gather [hbm4b:s2+s19], $0x80, s24, s19, $0xb8;
	[tilespmem:$0x18600] =	vst v63  }
0x13f: {  	_ = 	snop  }
0x140: {  	[tilespmem:s28], [sflag:$0x1] =	stream.indirect.gather [hbm4b:s2+s19], $0x80, s26, s19, $0xb8;
	[tilespmem:$0x18600] =	vst v63  }
0x141: {  	_ = 	snop  }
0x142: {  	[tilespmem:s30], [sflag:$0x1] =	stream.indirect.gather [hbm4b:s2+s19], $0x80, s29, s19, $0xb8;
	[tilespmem:$0x18600] =	vst v63  }
0x143: {  	_ =	swait.ge [sflag:s31], $0x4000  }
0x144: {  	[sflag:s31] =	ssyncset.done $0x0  }
0x145: {  	[sflag:s31] =	ssyncadd.s32 $0xFFFFC000  }
0x146: {  	_ =	swait.ge [sflag:s31], $0x4000  }
0x147: {  	[sflag:s31] =	ssyncset.done $0x0  }
0x148: {  	[sflag:s31] =	ssyncadd.s32 $0xFFFFC000  }
0x149: {  	_ =	swait.ge [sflag:s31], $0x4000  }
0x14a: {  	[sflag:s31] =	ssyncset.done $0x0  }
0x14b: {  	[sflag:s31] =	ssyncadd.s32 $0xFFFFC000  }
0x14c: {  	_ =	swait.ge [sflag:s31], $0x4000  }
0x14d: {  	[sflag:s31] =	ssyncset.done $0x0  }
0x14e: {  	[sflag:s31] =	ssyncadd.s32 $0xFFFFC000  }
0x14f: {  	_ =	swait.ge [sflag:s31], $0x4000  }
0x150: {  	[sflag:s31] =	ssyncset.done $0x0  }
0x151: {  	[sflag:s31] =	ssyncadd.s32 $0xFFFFC000  }
0x152: {  	_ =	swait.ge [sflag:s31], $0x4000  }
0x153: {  	[sflag:s31] =	ssyncset.done $0x0  }
0x154: {  	s7 =	simm.s32 $0x4420;
	[sflag:s31] =	ssyncadd.s32 $0xFFFFC000  }
0x155: {  	v6 =	vld [tilespmem:s7+$0x10]  }
0x156: {  	v11 =	vld [tilespmem:s7+$0x80]  }
0x157: {  	v10 =	vld [tilespmem:s7+$0xE0]  }
0x158: {  	v9 =	vld [tilespmem:s7+$0xF0]  }
0x159: {  	v7 =	vld [tilespmem:s7+$0xFFFFFF10]  }
0x15a: {  	v13 =	vld [tilespmem:s7+$0x60]  }
0x15b: {  	v8 =	vld [tilespmem:s7+$0x70]  }
0x15c: {  	v18 =	vld [tilespmem:s7+$0xFFFFFF00]  }
0x15d: {  	v14 =	vld [tilespmem:s7+$0xFFFFFFE0]  }
0x15e: {  	v16 =	vld [tilespmem:s7+$0xFFFFFEE0]  }
0x15f: {  	s8 =	simm.s32 $0x320;
	v12 =	vld [tilespmem:s7+$0xFFFFFEF0]  }
0x160: {  	v4 =	vld [tilespmem:s8+$0x10]  }
0x161: {  	v5 =	vld [tilespmem:s8+$0x0]  }
0x162: {  	v17 =	vld [tilespmem:s8+$0xFFFFFFE0]  }
0x163: {  	v20 =	vld [tilespmem:s7+$0xFFFFFF60]  }
0x164: {  	v15 =	vld [tilespmem:s8+$0xFFFFFFF0]  }
0x165: {  	s9 =	simm.s32 $0x14;
	v19 =	vld [tilespmem:s7+$0xFFFFFF70];
	v7 =	vmul.f32 v7, v4;
	v6 =	vmul.f32 v6, v4  }
.LBB2_6:
0x166: {  	p0 =	sne.s32 s9, $0x9EC;
	v18 =	vmul.f32 v18, v5;
	v21 =	vld [tilespmem:s7+$0xFFFFFFF0];
	v11 =	vmul.f32 v11, v5  }
0x167: {  	v22 =	vld [tilespmem:s7+$0xFFFFFF80];
	v13 =	vmul.f32 v13, v17;
	v10 =	vmul.f32 v10, v17  }
0x168: {  	v16 =	vmul.f32 v16, v17;
	v14 =	vmul.f32 v14, v17;
	v23 =	vld [tilespmem:s7+$0x0]  }
0x169: {  	v17 =	vmul.f32 v20, v17;
	v20 =	vld [tilespmem:s7+$0xFFFFFF90];
	v9 =	vmul.f32 v9, v15  }
0x16a: {  	v12 =	vmul.f32 v12, v15;
	v19 =	vmul.f32 v19, v15;
	v24 =	vld [tilespmem:s7+$0x100]  }
0x16b: {  	v8 =	vmul.f32 v8, v15;
	v21 =	vmul.f32 v21, v15;
	v15 =	vld [tilespmem:s7+$0x90];
	v9 =	vadd.f32 v9, v10  }
0x16c: {  	v10 =	vadd.f32 v12, v16;
	v12 =	vadd.f32 v19, v17;
	v16 =	vmul.f32 v22, v5;
	v17 =	vld [tilespmem:s7+$0x110]  }
0x16d: {  	v8 =	vadd.f32 v8, v13;
	v14 =	vadd.f32 v21, v14;
	v19 =	vmul.f32 v23, v5  }
0x16e: {  	v10 =	vadd.f32 v18, v10;
	v12 =	vadd.f32 v16, v12;
	v13 =	vmul.f32 v20, v4  }
0x16f: {  	v8 =	vadd.f32 v11, v8;
	v14 =	vadd.f32 v19, v14;
	v5 =	vmul.f32 v24, v5  }
0x170: {  	v7 =	vadd.f32 v7, v10;
	v10 =	vadd.f32 v13, v12;
	v11 =	vmul.f32 v15, v4  }
0x171: {  	v6 =	vadd.f32 v6, v14;
	v5 =	vadd.f32 v5, v9;
	v4 =	vmul.f32 v17, v4  }
0x172: {  	v9 =	vperm.xlane v7, v0;
	v12 =	vperm.xlane v10, v0;
	v8 =	vadd.f32 v11, v8  }
0x173: {  	v11 =	vperm.xlane v6, v0;
	v4 =	vadd.f32 v4, v5  }
0x174: {  	v5 =	vadd.f32 v7, v9;
	v7 =	vadd.f32 v10, v12;
	v9 =	vperm.xlane v8, v0  }
0x175: {  	v6 =	vadd.f32 v6, v11;
	v10 =	vperm.xlane v4, v0  }
0x176: {  	v11 =	vperm.xlane v5, v1;
	v12 =	vperm.xlane v7, v1;
	v8 =	vadd.f32 v8, v9  }
0x177: {  	v9 =	vperm.xlane v6, v1;
	v4 =	vadd.f32 v4, v10  }
0x178: {  	v5 =	vadd.f32 v5, v11;
	v7 =	vadd.f32 v7, v12;
	v10 =	vperm.xlane v8, v1  }
0x179: {  	v6 =	vadd.f32 v6, v9;
	v9 =	vperm.xlane v4, v1  }
0x17a: {  	v11 =	vperm.xlane v5, v2;
	v12 =	vperm.xlane v7, v2;
	v8 =	vadd.f32 v8, v10  }
0x17b: {  	v10 =	vperm.xlane v6, v2;
	v4 =	vadd.f32 v4, v9  }
0x17c: {  	v5 =	vadd.f32 v5, v11;
	v7 =	vadd.f32 v7, v12;
	v9 =	vperm.xlane v8, v2  }
0x17d: {  	v6 =	vadd.f32 v6, v10;
	v10 =	vperm.xlane v4, v2  }
0x17e: {  	v11 =	vperm.xlane v5, v3;
	v12 =	vperm.xlane v7, v3;
	v8 =	vadd.f32 v8, v9  }
0x17f: {  	v9 =	vperm.xlane v6, v3;
	v4 =	vadd.f32 v4, v10  }
0x180: {  	v5 =	vadd.f32 v5, v11;
	v7 =	vadd.f32 v7, v12;
	v10 =	vperm.xlane v8, v3  }
0x181: {  	v6 =	vadd.f32 v6, v9;
	v9 =	vperm.xlane v4, v3  }
0x182: {  	v5 =	vsel vm0, v5, v7;
	v7 =	vadd.f32 v8, v10  }
0x183: {  	v5 =	vsel vm1, v5, v6;
	v4 =	vadd.f32 v4, v9  }
0x184: {  	v5 =	vsel vm2, v5, v7  }
0x185: {  	s10 =	sshra.s32 s6, $0x2;
	s6 =	smov.u32 s9;
	v4 =	vsel vm3, v5, v4  }
0x186: {  	s7 =	sadd.s32 $0x280, s7;
	[tilespmem:s10+$0x18300] =	vst v4  }
0x187: {  	v6 =	vld [tilespmem:s7+$0x10]  }
0x188: {  	v11 =	vld [tilespmem:s7+$0x80]  }
0x189: {  	v10 =	vld [tilespmem:s7+$0xE0]  }
0x18a: {  	v9 =	vld [tilespmem:s7+$0xF0]  }
0x18b: {  	v7 =	vld [tilespmem:s7+$0xFFFFFF10]  }
0x18c: {  	v13 =	vld [tilespmem:s7+$0x60]  }
0x18d: {  	v8 =	vld [tilespmem:s7+$0x70]  }
0x18e: {  	v18 =	vld [tilespmem:s7+$0xFFFFFF00]  }
0x18f: {  	v14 =	vld [tilespmem:s7+$0xFFFFFFE0]  }
0x190: {  	v16 =	vld [tilespmem:s7+$0xFFFFFEE0]  }
0x191: {  	s8 =	sadd.s32 $0x80, s8;
	v12 =	vld [tilespmem:s7+$0xFFFFFEF0]  }
0x192: {  	v4 =	vld [tilespmem:s8+$0x10]  }
.Ltmp2:
0x193: {  	v5 =	vld [tilespmem:s8+$0x0];
	(pc) =	sbr.rel @p0 .LBB2_6-.Ltmp2, $4  }
0x194: {  	v17 =	vld [tilespmem:s8+$0xFFFFFFE0]  }
0x195: {  	v20 =	vld [tilespmem:s7+$0xFFFFFF60]  }
0x196: {  	v15 =	vld [tilespmem:s8+$0xFFFFFFF0]  }
0x197: {  	s9 =	sadd.s32 $0x14, s9;
	v7 =	vmul.f32 v7, v4;
	v19 =	vld [tilespmem:s7+$0xFFFFFF70];
	v6 =	vmul.f32 v6, v4  }
0x198: {  	v18 =	vmul.f32 v18, v5;
	v21 =	vld [tilespmem:s7+$0xFFFFFFF0];
	v11 =	vmul.f32 v11, v5  }
0x199: {  	v22 =	vld [tilespmem:s7+$0xFFFFFF80];
	v13 =	vmul.f32 v13, v17;
	v10 =	vmul.f32 v10, v17  }
0x19a: {  	v23 =	vld [tilespmem:s7+$0x0];
	v16 =	vmul.f32 v16, v17;
	v14 =	vmul.f32 v14, v17  }
0x19b: {  	v17 =	vmul.f32 v20, v17;
	v20 =	vld [tilespmem:s7+$0xFFFFFF90];
	v9 =	vmul.f32 v9, v15  }
0x19c: {  	v24 =	vld [tilespmem:s7+$0x100];
	v12 =	vmul.f32 v12, v15;
	v19 =	vmul.f32 v19, v15  }
0x19d: {  	v8 =	vmul.f32 v8, v15;
	v21 =	vmul.f32 v21, v15;
	v15 =	vld [tilespmem:s7+$0x90];
	v9 =	vadd.f32 v9, v10  }
0x19e: {  	v10 =	vadd.f32 v12, v16;
	v16 =	vmul.f32 v22, v5;
	v12 =	vadd.f32 v19, v17;
	v17 =	vld [tilespmem:s7+$0x110]  }
0x19f: {  	v8 =	vadd.f32 v8, v13;
	v19 =	vmul.f32 v23, v5;
	v14 =	vadd.f32 v21, v14  }
0x1a0: {  	v10 =	vadd.f32 v18, v10;
	v13 =	vmul.f32 v20, v4;
	v12 =	vadd.f32 v16, v12  }
0x1a1: {  	v5 =	vmul.f32 v24, v5;
	v8 =	vadd.f32 v11, v8;
	v14 =	vadd.f32 v19, v14  }
0x1a2: {  	v7 =	vadd.f32 v7, v10;
	v10 =	vadd.f32 v13, v12;
	v11 =	vmul.f32 v15, v4  }
0x1a3: {  	v5 =	vadd.f32 v5, v9;
	v6 =	vadd.f32 v6, v14;
	v4 =	vmul.f32 v17, v4  }
0x1a4: {  	v9 =	vperm.xlane v7, v0;
	v12 =	vperm.xlane v10, v0;
	v8 =	vadd.f32 v11, v8  }
0x1a5: {  	v11 =	vperm.xlane v6, v0;
	v4 =	vadd.f32 v4, v5  }
0x1a6: {  	v5 =	vadd.f32 v7, v9;
	v7 =	vadd.f32 v10, v12;
	v9 =	vperm.xlane v8, v0  }
0x1a7: {  	v6 =	vadd.f32 v6, v11;
	v10 =	vperm.xlane v4, v0  }
0x1a8: {  	v11 =	vperm.xlane v5, v1;
	v12 =	vperm.xlane v7, v1;
	v8 =	vadd.f32 v8, v9  }
0x1a9: {  	v9 =	vperm.xlane v6, v1;
	v4 =	vadd.f32 v4, v10  }
0x1aa: {  	v5 =	vadd.f32 v5, v11;
	v7 =	vadd.f32 v7, v12;
	v10 =	vperm.xlane v8, v1  }
0x1ab: {  	v6 =	vadd.f32 v6, v9;
	v9 =	vperm.xlane v4, v1  }
0x1ac: {  	v11 =	vperm.xlane v5, v2;
	v12 =	vperm.xlane v7, v2;
	v8 =	vadd.f32 v8, v10  }
0x1ad: {  	v10 =	vperm.xlane v6, v2;
	v4 =	vadd.f32 v4, v9  }
0x1ae: {  	v5 =	vadd.f32 v5, v11;
	v7 =	vadd.f32 v7, v12;
	v9 =	vperm.xlane v8, v2  }
0x1af: {  	v6 =	vadd.f32 v6, v10;
	v10 =	vperm.xlane v4, v2  }
0x1b0: {  	v11 =	vperm.xlane v5, v3;
	v12 =	vperm.xlane v7, v3;
	v8 =	vadd.f32 v8, v9  }
0x1b1: {  	v9 =	vperm.xlane v6, v3;
	v4 =	vadd.f32 v4, v10  }
0x1b2: {  	v5 =	vadd.f32 v5, v11;
	v7 =	vadd.f32 v7, v12;
	v10 =	vperm.xlane v8, v3  }
0x1b3: {  	v6 =	vadd.f32 v6, v9;
	v9 =	vperm.xlane v4, v3  }
0x1b4: {  	v5 =	vsel vm0, v5, v7;
	v7 =	vadd.f32 v8, v10  }
0x1b5: {  	v5 =	vsel vm1, v5, v6;
	v4 =	vadd.f32 v4, v9  }
0x1b6: {  	v5 =	vsel vm2, v5, v7  }
0x1b7: {  	s6 =	sshra.s32 s6, $0x2;
	v4 =	vsel vm3, v5, v4  }
0x1b8: {  	[tilespmem:s6+$0x18300] =	vst v4;
	s6 =	simm.s32 $0x0  }
0x1b9: {  	[hbm4b:s13+s6] =	stream.linear.scatter [tilespmem:s3], [sflag:$0x2], $0x280, $0x38;
	[tilespmem:$0x18600] =	vst v63  }
0x1ba: {  	_ =	swait.ge [sflag:s18], $0x280  }
0x1bb: {  	[sflag:s18] =	ssyncset.done $0x0  }
0x1bc: {  	[sflag:s18] =	ssyncadd.s32 $0xFFFFFD80  }
0x1bd: {  	[tilespmem:s6], [sflag:$0x2] =	stream.linear.gather [hbm4b:s14+s6], $0x80, $0x38;
	[tilespmem:$0x18600] =	vst v63  }
0x1be: {  	_ =	swait.ge [sflag:s18], $0x80  }
0x1bf: {  	[sflag:s18] =	ssyncset.done $0x0  }
0x1c0: {  	[sflag:s18] =	ssyncadd.s32 $0xFFFFFF80  }
0x1c1: {  	[tilespmem:s19], [sflag:$0x2] =	stream.linear.gather [hbm4b:s15+s6], $0x280, $0x38;
	[tilespmem:$0x18600] =	vst v63  }
0x1c2: {  	_ =	swait.ge [sflag:s18], $0x280  }
0x1c3: {  	[sflag:s18] =	ssyncset.done $0x0  }
0x1c4: {  	[sflag:s18] =	ssyncadd.s32 $0xFFFFFD80  }
0x1c5: {  	[tilespmem:s20], [sflag:$0x1] =	stream.indirect.gather [hbm4b:s1+s19], $0x80, s6, s19, $0xb8;
	[tilespmem:$0x18600] =	vst v63  }
0x1c6: {  	_ = 	snop  }
0x1c7: {  	[tilespmem:s21], [sflag:$0x1] =	stream.indirect.gather [hbm4b:s2+s19], $0x80, s19, s19, $0xb8;
	[tilespmem:$0x18600] =	vst v63  }
0x1c8: {  	_ = 	snop  }
0x1c9: {  	[tilespmem:s23], [sflag:$0x1] =	stream.indirect.gather [hbm4b:s2+s19], $0x80, s22, s19, $0xb8;
	[tilespmem:$0x18600] =	vst v63  }
0x1ca: {  	_ = 	snop  }
0x1cb: {  	[tilespmem:s25], [sflag:$0x1] =	stream.indirect.gather [hbm4b:s2+s19], $0x80, s24, s19, $0xb8;
	[tilespmem:$0x18600] =	vst v63  }
0x1cc: {  	_ = 	snop  }
0x1cd: {  	[tilespmem:s28], [sflag:$0x1] =	stream.indirect.gather [hbm4b:s2+s19], $0x80, s26, s19, $0xb8;
	[tilespmem:$0x18600] =	vst v63  }
0x1ce: {  	_ = 	snop  }
0x1cf: {  	[tilespmem:s30], [sflag:$0x1] =	stream.indirect.gather [hbm4b:s2+s19], $0x80, s29, s19, $0xb8;
	[tilespmem:$0x18600] =	vst v63  }
0x1d0: {  	_ =	swait.ge [sflag:s31], $0x4000  }
0x1d1: {  	[sflag:s31] =	ssyncset.done $0x0  }
0x1d2: {  	[sflag:s31] =	ssyncadd.s32 $0xFFFFC000  }
0x1d3: {  	_ =	swait.ge [sflag:s31], $0x4000  }
0x1d4: {  	[sflag:s31] =	ssyncset.done $0x0  }
0x1d5: {  	[sflag:s31] =	ssyncadd.s32 $0xFFFFC000  }
0x1d6: {  	_ =	swait.ge [sflag:s31], $0x4000  }
0x1d7: {  	[sflag:s31] =	ssyncset.done $0x0  }
0x1d8: {  	[sflag:s31] =	ssyncadd.s32 $0xFFFFC000  }
0x1d9: {  	_ =	swait.ge [sflag:s31], $0x4000  }
0x1da: {  	[sflag:s31] =	ssyncset.done $0x0  }
0x1db: {  	[sflag:s31] =	ssyncadd.s32 $0xFFFFC000  }
0x1dc: {  	_ =	swait.ge [sflag:s31], $0x4000  }
0x1dd: {  	[sflag:s31] =	ssyncset.done $0x0  }
0x1de: {  	[sflag:s31] =	ssyncadd.s32 $0xFFFFC000  }
0x1df: {  	_ =	swait.ge [sflag:s31], $0x4000  }
0x1e0: {  	[sflag:s31] =	ssyncset.done $0x0  }
0x1e1: {  	s7 =	simm.s32 $0x4420;
	[sflag:s31] =	ssyncadd.s32 $0xFFFFC000  }
0x1e2: {  	v6 =	vld [tilespmem:s7+$0x10]  }
0x1e3: {  	v11 =	vld [tilespmem:s7+$0x80]  }
0x1e4: {  	v10 =	vld [tilespmem:s7+$0xE0]  }
0x1e5: {  	v9 =	vld [tilespmem:s7+$0xF0]  }
0x1e6: {  	v7 =	vld [tilespmem:s7+$0xFFFFFF10]  }
0x1e7: {  	v13 =	vld [tilespmem:s7+$0x60]  }
0x1e8: {  	v8 =	vld [tilespmem:s7+$0x70]  }
0x1e9: {  	v18 =	vld [tilespmem:s7+$0xFFFFFF00]  }
0x1ea: {  	v14 =	vld [tilespmem:s7+$0xFFFFFFE0]  }
0x1eb: {  	v16 =	vld [tilespmem:s7+$0xFFFFFEE0]  }
0x1ec: {  	s8 =	simm.s32 $0x320;
	v12 =	vld [tilespmem:s7+$0xFFFFFEF0]  }
0x1ed: {  	v4 =	vld [tilespmem:s8+$0x10]  }
0x1ee: {  	v5 =	vld [tilespmem:s8+$0x0]  }
0x1ef: {  	v17 =	vld [tilespmem:s8+$0xFFFFFFE0]  }
0x1f0: {  	v20 =	vld [tilespmem:s7+$0xFFFFFF60]  }
0x1f1: {  	v15 =	vld [tilespmem:s8+$0xFFFFFFF0]  }
0x1f2: {  	s9 =	simm.s32 $0x14;
	v19 =	vld [tilespmem:s7+$0xFFFFFF70];
	v7 =	vmul.f32 v7, v4;
	v6 =	vmul.f32 v6, v4  }
.LBB2_8:
0x1f3: {  	p0 =	sne.s32 s9, $0x9EC;
	v18 =	vmul.f32 v18, v5;
	v21 =	vld [tilespmem:s7+$0xFFFFFFF0];
	v11 =	vmul.f32 v11, v5  }
0x1f4: {  	v22 =	vld [tilespmem:s7+$0xFFFFFF80];
	v13 =	vmul.f32 v13, v17;
	v10 =	vmul.f32 v10, v17  }
0x1f5: {  	v16 =	vmul.f32 v16, v17;
	v14 =	vmul.f32 v14, v17;
	v23 =	vld [tilespmem:s7+$0x0]  }
0x1f6: {  	v17 =	vmul.f32 v20, v17;
	v20 =	vld [tilespmem:s7+$0xFFFFFF90];
	v9 =	vmul.f32 v9, v15  }
0x1f7: {  	v12 =	vmul.f32 v12, v15;
	v19 =	vmul.f32 v19, v15;
	v24 =	vld [tilespmem:s7+$0x100]  }
0x1f8: {  	v8 =	vmul.f32 v8, v15;
	v21 =	vmul.f32 v21, v15;
	v15 =	vld [tilespmem:s7+$0x90];
	v9 =	vadd.f32 v9, v10  }
0x1f9: {  	v10 =	vadd.f32 v12, v16;
	v12 =	vadd.f32 v19, v17;
	v16 =	vmul.f32 v22, v5;
	v17 =	vld [tilespmem:s7+$0x110]  }
0x1fa: {  	v8 =	vadd.f32 v8, v13;
	v14 =	vadd.f32 v21, v14;
	v19 =	vmul.f32 v23, v5  }
0x1fb: {  	v10 =	vadd.f32 v18, v10;
	v12 =	vadd.f32 v16, v12;
	v13 =	vmul.f32 v20, v4  }
0x1fc: {  	v8 =	vadd.f32 v11, v8;
	v14 =	vadd.f32 v19, v14;
	v5 =	vmul.f32 v24, v5  }
0x1fd: {  	v7 =	vadd.f32 v7, v10;
	v10 =	vadd.f32 v13, v12;
	v11 =	vmul.f32 v15, v4  }
0x1fe: {  	v6 =	vadd.f32 v6, v14;
	v5 =	vadd.f32 v5, v9;
	v4 =	vmul.f32 v17, v4  }
0x1ff: {  	v9 =	vperm.xlane v7, v0;
	v12 =	vperm.xlane v10, v0;
	v8 =	vadd.f32 v11, v8  }
0x200: {  	v11 =	vperm.xlane v6, v0;
	v4 =	vadd.f32 v4, v5  }
0x201: {  	v5 =	vadd.f32 v7, v9;
	v7 =	vadd.f32 v10, v12;
	v9 =	vperm.xlane v8, v0  }
0x202: {  	v6 =	vadd.f32 v6, v11;
	v10 =	vperm.xlane v4, v0  }
0x203: {  	v11 =	vperm.xlane v5, v1;
	v12 =	vperm.xlane v7, v1;
	v8 =	vadd.f32 v8, v9  }
0x204: {  	v9 =	vperm.xlane v6, v1;
	v4 =	vadd.f32 v4, v10  }
0x205: {  	v5 =	vadd.f32 v5, v11;
	v7 =	vadd.f32 v7, v12;
	v10 =	vperm.xlane v8, v1  }
0x206: {  	v6 =	vadd.f32 v6, v9;
	v9 =	vperm.xlane v4, v1  }
0x207: {  	v11 =	vperm.xlane v5, v2;
	v12 =	vperm.xlane v7, v2;
	v8 =	vadd.f32 v8, v10  }
0x208: {  	v10 =	vperm.xlane v6, v2;
	v4 =	vadd.f32 v4, v9  }
0x209: {  	v5 =	vadd.f32 v5, v11;
	v7 =	vadd.f32 v7, v12;
	v9 =	vperm.xlane v8, v2  }
0x20a: {  	v6 =	vadd.f32 v6, v10;
	v10 =	vperm.xlane v4, v2  }
0x20b: {  	v11 =	vperm.xlane v5, v3;
	v12 =	vperm.xlane v7, v3;
	v8 =	vadd.f32 v8, v9  }
0x20c: {  	v9 =	vperm.xlane v6, v3;
	v4 =	vadd.f32 v4, v10  }
0x20d: {  	v5 =	vadd.f32 v5, v11;
	v7 =	vadd.f32 v7, v12;
	v10 =	vperm.xlane v8, v3  }
0x20e: {  	v6 =	vadd.f32 v6, v9;
	v9 =	vperm.xlane v4, v3  }
0x20f: {  	v5 =	vsel vm0, v5, v7;
	v7 =	vadd.f32 v8, v10  }
0x210: {  	v5 =	vsel vm1, v5, v6;
	v4 =	vadd.f32 v4, v9  }
0x211: {  	v5 =	vsel vm2, v5, v7  }
0x212: {  	s10 =	sshra.s32 s6, $0x2;
	s6 =	smov.u32 s9;
	v4 =	vsel vm3, v5, v4  }
0x213: {  	s7 =	sadd.s32 $0x280, s7;
	[tilespmem:s10+$0x18300] =	vst v4  }
0x214: {  	v6 =	vld [tilespmem:s7+$0x10]  }
0x215: {  	v11 =	vld [tilespmem:s7+$0x80]  }
0x216: {  	v10 =	vld [tilespmem:s7+$0xE0]  }
0x217: {  	v9 =	vld [tilespmem:s7+$0xF0]  }
0x218: {  	v7 =	vld [tilespmem:s7+$0xFFFFFF10]  }
0x219: {  	v13 =	vld [tilespmem:s7+$0x60]  }
0x21a: {  	v8 =	vld [tilespmem:s7+$0x70]  }
0x21b: {  	v18 =	vld [tilespmem:s7+$0xFFFFFF00]  }
0x21c: {  	v14 =	vld [tilespmem:s7+$0xFFFFFFE0]  }
0x21d: {  	v16 =	vld [tilespmem:s7+$0xFFFFFEE0]  }
0x21e: {  	s8 =	sadd.s32 $0x80, s8;
	v12 =	vld [tilespmem:s7+$0xFFFFFEF0]  }
0x21f: {  	v4 =	vld [tilespmem:s8+$0x10]  }
.Ltmp3:
0x220: {  	v5 =	vld [tilespmem:s8+$0x0];
	(pc) =	sbr.rel @p0 .LBB2_8-.Ltmp3, $4  }
0x221: {  	v17 =	vld [tilespmem:s8+$0xFFFFFFE0]  }
0x222: {  	v20 =	vld [tilespmem:s7+$0xFFFFFF60]  }
0x223: {  	v15 =	vld [tilespmem:s8+$0xFFFFFFF0]  }
0x224: {  	s9 =	sadd.s32 $0x14, s9;
	v7 =	vmul.f32 v7, v4;
	v19 =	vld [tilespmem:s7+$0xFFFFFF70];
	v6 =	vmul.f32 v6, v4  }
0x225: {  	v18 =	vmul.f32 v18, v5;
	v21 =	vld [tilespmem:s7+$0xFFFFFFF0];
	v11 =	vmul.f32 v11, v5  }
0x226: {  	v22 =	vld [tilespmem:s7+$0xFFFFFF80];
	v13 =	vmul.f32 v13, v17;
	v10 =	vmul.f32 v10, v17  }
0x227: {  	v23 =	vld [tilespmem:s7+$0x0];
	v16 =	vmul.f32 v16, v17;
	v14 =	vmul.f32 v14, v17  }
0x228: {  	v38 =	vld [tilespmem:s7+$0xFFFFFF90];
	v37 =	vmul.f32 v20, v17;
	v9 =	vmul.f32 v9, v15  }
0x229: {  	v24 =	vld [tilespmem:s7+$0x100];
	v12 =	vmul.f32 v12, v15;
	v19 =	vmul.f32 v19, v15  }
0x22a: {  	v39 =	vld [tilespmem:s7+$0x90];
	v8 =	vmul.f32 v8, v15;
	v21 =	vmul.f32 v21, v15;
	v9 =	vadd.f32 v9, v10  }
0x22b: {  	v43 =	vld [tilespmem:s7+$0x110];
	v40 =	vadd.f32 v12, v16;
	v42 =	vmul.f32 v22, v5;
	v41 =	vadd.f32 v19, v37  }
0x22c: {  	v44 =	vmul.f32 v23, v5;
	v8 =	vadd.f32 v8, v13;
	v14 =	vadd.f32 v21, v14  }
0x22d: {  	v45 =	vmul.f32 v38, v4;
	v10 =	vadd.f32 v18, v40;
	v12 =	vadd.f32 v42, v41  }
0x22e: {  	v5 =	vmul.f32 v24, v5;
	v8 =	vadd.f32 v11, v8;
	v14 =	vadd.f32 v44, v14  }
0x22f: {  	v47 =	vmul.f32 v39, v4;
	v7 =	vadd.f32 v7, v10;
	v46 =	vadd.f32 v45, v12  }
0x230: {  	v4 =	vmul.f32 v43, v4;
	v5 =	vadd.f32 v5, v9;
	v6 =	vadd.f32 v6, v14  }
0x231: {  	v8 =	vadd.f32 v47, v8;
	v48 =	vperm.xlane v7, v0;
	v12 =	vperm.xlane v46, v0  }
0x232: {  	v4 =	vadd.f32 v4, v5;
	v49 =	vperm.xlane v6, v0  }
0x233: {  	v51 =	vperm.xlane v8, v0;
	v5 =	vadd.f32 v7, v48;
	v50 =	vadd.f32 v46, v12  }
0x234: {  	v52 =	vperm.xlane v4, v0;
	v6 =	vadd.f32 v6, v49  }
0x235: {  	v8 =	vadd.f32 v8, v51;
	v53 =	vperm.xlane v5, v1;
	v12 =	vperm.xlane v50, v1  }
0x236: {  	v4 =	vadd.f32 v4, v52;
	v54 =	vperm.xlane v6, v1  }
0x237: {  	v55 =	vperm.xlane v8, v1;
	v5 =	vadd.f32 v5, v53;
	v7 =	vadd.f32 v50, v12  }
0x238: {  	v56 =	vperm.xlane v4, v1;
	v6 =	vadd.f32 v6, v54  }
0x239: {  	v8 =	vadd.f32 v8, v55;
	v11 =	vperm.xlane v5, v2;
	v12 =	vperm.xlane v7, v2  }
0x23a: {  	v4 =	vadd.f32 v4, v56;
	v57 =	vperm.xlane v6, v2  }
0x23b: {  	v58 =	vperm.xlane v8, v2;
	v5 =	vadd.f32 v5, v11;
	v7 =	vadd.f32 v7, v12  }
0x23c: {  	v59 =	vperm.xlane v4, v2;
	v6 =	vadd.f32 v6, v57  }
0x23d: {  	v8 =	vadd.f32 v8, v58;
	v11 =	vperm.xlane v5, v3;
	v12 =	vperm.xlane v7, v3  }
0x23e: {  	v4 =	vadd.f32 v4, v59;
	v60 =	vperm.xlane v6, v3  }
0x23f: {  	v61 =	vperm.xlane v8, v3;
	v5 =	vadd.f32 v5, v11;
	v7 =	vadd.f32 v7, v12  }
0x240: {  	v62 =	vperm.xlane v4, v3;
	v6 =	vadd.f32 v6, v60  }
0x241: {  	v63 =	vadd.f32 v8, v61;
	v5 =	vsel vm0, v5, v7  }
0x242: {  	v4 =	vadd.f32 v4, v62;
	v5 =	vsel vm1, v5, v6  }
0x243: {  	s0 =	sadd.s32 $0x1, s0;
	v5 =	vsel vm2, v5, v63  }
0x244: {  	s6 =	sshra.s32 s6, $0x2;
	p0 =	sne.s32 s0, s17;
	v4 =	vsel vm3, v5, v4  }
.Ltmp4:
0x245: {  	[tilespmem:s6+$0x18300] =	vst v4;
	(pc) =	sbr.rel @p0 .LBB2_1-.Ltmp4, $4  }
0x246: {  	[hbm4b:s16+s4] =	stream.linear.scatter [tilespmem:s3], [sflag:$0x2], $0x280, $0x38;
	[tilespmem:$0x18600] =	vst v63  }
0x247: {  	_ =	swait.ge [sflag:s18], $0x280  }
0x248: {  	[sflag:s18] =	ssyncset.done $0x0  }
0x249: {  	[sflag:s18] =	ssyncadd.s32 $0xFFFFFD80  }
0x24a: {  	_ =	sfence.sel $0x180000  }
0x24b: {  	[bflag:$0x0] =	sbarrier.arrive $0xFFFF  }
0x24c: {  	_ =	strace $0x90000047  }
0x24d: {  	s0 =	stileid.u32;
	[bflag:$0x2] =	sbarrier.arrive $0xFFFF  }
0x24e: {  	p0 =	sne.s32 s0, $0x0;
	s0 =	rddreg [dreg:$0x5]  }
0x24f: {  	s0 =	sadd.s32 @!p0 $0x100000, s0  }
0x250: {  	[sflag:s0] =	ssyncadd.tile.s32 @!p0 $0x1;
	_ =	shalt  }
.Lfunc_end2:
_tile_overlayer_lowered:
.L_overlay_start_2:
0x251: {  	(tag) =	ssettag $0x2  }
0x252: {  	s0 =	rddreg [dreg:$0x0];
	s2 =	stileid.u32  }
0x253: {  	s1 =	rddreg [dreg:$0x1];
	p0 =	sne.s32 s2, $0x0  }
0x254: {  	s3 =	rddreg [dreg:$0x2];
	[bflag:$0x3] =	sbarrier.arrive $0xFFFF;
	s2 =	simm.s32 @!p0 $0x1C02  }
0x255: {  	[timem:s3], [sflag:s2] =	dma.local @!p0 [hbm:s0], s1  }
0x256: {  	s0 =	simm.s32 @!p0 $0x2  }
0x257: {  	_ =	swait.ge @!p0 [sflag:s0], s1  }
0x258: {  	s1 =	ssub.s32 @!p0 $0x0, s1;
	[sflag:s0] =	ssyncset.done @!p0 $0x0  }
0x259: {  	[sflag:s0] =	ssyncadd.s32 @!p0 s1  }
0x25a: {  	[bflag:$0x3] =	sbarrier.arrive $0xFFFF  }
0x25b: {  	_ =	shalt  }

</sc_bundles>
